<compile_context>
chip_gen: v7x
topology: tpu7x:2x2x1
jax: 0.10.2.dev20260603
libtpu: 0.0.44.dev20260713+nightly
codegen_flags: <defaults>
</compile_context>

<pallas_src>
import functools

import jax
import jax.numpy as jnp
from jax import lax
from jax.experimental import pallas as pl
from jax.experimental.pallas import tpu as pltpu
from jax.experimental.pallas import tpu_sc as plsc

N = 10000
E = 320000
DF = 128
H = 20
C = 16
W = 128

NC, NS = 2, 16
NW = NC * NS
PAD_N = 10240
CHUNK = 128
NCHR = E // CHUNK
CPB = NCHR // NW
XTR = NCHR - NW * CPB
RPT = PAD_N // NS

_mesh = lambda: plsc.VectorSubcoreMesh(core_axis_name="c", subcore_axis_name="s")
_sc_params = lambda: pltpu.CompilerParams(use_tc_tiling_on_sc=False, skip_device_barrier=True)


@functools.lru_cache(maxsize=None)
def _deg_kernel():
    @functools.partial(
        pl.kernel, mesh=_mesh(), compiler_params=_sc_params(),
        out_type=jax.ShapeDtypeStruct((NC, PAD_N), jnp.float32),
        scratch_types=[
            pltpu.VMEM((CPB, CHUNK), jnp.int32),
            pltpu.VMEM((1, CHUNK), jnp.int32),
            pltpu.VMEM((CHUNK,), jnp.float32),
            pltpu.VMEM_SHARED((PAD_N,), jnp.float32),
            pltpu.SemaphoreType.DMA,
        ],
    )
    def k(ei_hbm, zeros_hbm, out_hbm, dst_v, dst_x, ones_v, deg_sh, sem):
        c = lax.axis_index("c")
        s = lax.axis_index("s")
        wid = c * NS + s
        for i in range(CHUNK // 16):
            ones_v[pl.ds(i * 16, 16)] = jnp.ones((16,), jnp.float32)
        r0 = s * RPT
        pltpu.sync_copy(zeros_hbm.at[pl.ds(r0, RPT)], deg_sh.at[pl.ds(r0, RPT)])
        pltpu.sync_copy(ei_hbm.at[1].at[pl.ds(wid * CPB, CPB)], dst_v)

        @pl.when(wid < XTR)
        def _():
            pltpu.sync_copy(ei_hbm.at[1].at[pl.ds(NW * CPB + wid, 1)], dst_x)

        plsc.subcore_barrier()

        GRP = 13

        def body(i, carry):
            j = i * GRP
            for t in range(GRP):
                pltpu.async_copy(ones_v, deg_sh.at[dst_v.at[j + t]], sem,
                                 add=True)
            for t in range(GRP):
                pltpu.make_async_copy(ones_v, deg_sh.at[dst_v.at[j + t]],
                                      sem).wait()
            return carry

        lax.fori_loop(0, CPB // GRP, body, 0)

        @pl.when(wid < XTR)
        def _():
            pltpu.sync_copy(ones_v, deg_sh.at[dst_x.at[0]], add=True)

        plsc.subcore_barrier()
        pltpu.sync_copy(deg_sh.at[pl.ds(r0, RPT)], out_hbm.at[c].at[pl.ds(r0, RPT)])

    return k


@functools.lru_cache(maxsize=None)
def _agg_kernel(ws):
    @functools.partial(
        pl.kernel, mesh=_mesh(), compiler_params=_sc_params(),
        out_type=jax.ShapeDtypeStruct((NC, PAD_N, W), jnp.float32),
        scratch_types=[
            pltpu.VMEM((CPB, CHUNK), jnp.int32),
            pltpu.VMEM((CPB, CHUNK), jnp.int32),
            pltpu.VMEM((1, CHUNK), jnp.int32),
            pltpu.VMEM((1, CHUNK), jnp.int32),
            pltpu.VMEM((CHUNK, ws), jnp.float32),
            pltpu.VMEM((CHUNK, ws), jnp.float32),
            pltpu.VMEM((CHUNK, ws), jnp.float32),
            pltpu.VMEM((CHUNK, ws), jnp.float32),
            pltpu.VMEM_SHARED((PAD_N, ws), jnp.float32),
            pltpu.VMEM_SHARED((PAD_N, ws), jnp.float32),
            pltpu.SemaphoreType.DMA,
            pltpu.SemaphoreType.DMA,
            pltpu.SemaphoreType.DMA,
            pltpu.SemaphoreType.DMA,
            pltpu.SemaphoreType.DMA,
            pltpu.SemaphoreType.DMA,
            pltpu.SemaphoreType.DMA,
            pltpu.SemaphoreType.DMA,
        ],
    )
    def k(hp_hbm, ei_hbm, zeros_hbm, out_hbm,
          src_v, dst_v, src_x, dst_x, rows0, rows1, rows2, rows3,
          hp_sh, agg_sh, g0, g1, g2, g3, s0, s1, s2, s3):
        c = lax.axis_index("c")
        s = lax.axis_index("s")
        wid = c * NS + s
        r0 = s * RPT
        rows = (rows0, rows1, rows2, rows3)
        gsem = (g0, g1, g2, g3)
        ssem = (s0, s1, s2, s3)
        pltpu.sync_copy(zeros_hbm.at[pl.ds(r0, RPT)], agg_sh.at[pl.ds(r0, RPT)])
        pltpu.sync_copy(hp_hbm.at[pl.ds(r0, RPT), pl.ds(0, ws)],
                        hp_sh.at[pl.ds(r0, RPT)])
        pltpu.sync_copy(ei_hbm.at[0].at[pl.ds(wid * CPB, CPB)], src_v)
        pltpu.sync_copy(ei_hbm.at[1].at[pl.ds(wid * CPB, CPB)], dst_v)

        @pl.when(wid < XTR)
        def _():
            pltpu.sync_copy(ei_hbm.at[0].at[pl.ds(NW * CPB + wid, 1)], src_x)
            pltpu.sync_copy(ei_hbm.at[1].at[pl.ds(NW * CPB + wid, 1)], dst_x)

        plsc.subcore_barrier()

        pltpu.async_copy(hp_sh.at[src_v.at[0]], rows2, g2)
        pltpu.async_copy(hp_sh.at[src_v.at[1]], rows3, g3)

        def body(i, carry):
            j = i * 4
            for b in range(4):
                cid = j + b

                @pl.when(cid < CPB)
                def _():
                    pre = cid + 2

                    @pl.when(pre < CPB)
                    def _():
                        @pl.when(cid >= 2)
                        def _():
                            pltpu.make_async_copy(
                                rows[b], agg_sh.at[dst_v.at[cid - 2]],
                                ssem[b]).wait()

                        pltpu.async_copy(hp_sh.at[src_v.at[pre]],
                                         rows[b], gsem[b])

                    pltpu.make_async_copy(hp_sh.at[src_v.at[cid]],
                                          rows[(b + 2) % 4],
                                          gsem[(b + 2) % 4]).wait()
                    pltpu.async_copy(rows[(b + 2) % 4],
                                     agg_sh.at[dst_v.at[cid]],
                                     ssem[(b + 2) % 4], add=True)
            return carry

        lax.fori_loop(0, (CPB + 3) // 4, body, 0)
        for t in range(CPB - 4, CPB):
            pltpu.make_async_copy(rows[(t + 2) % 4], agg_sh.at[dst_v.at[t]],
                                  ssem[(t + 2) % 4]).wait()

        @pl.when(wid < XTR)
        def _():
            pltpu.async_copy(hp_sh.at[src_x.at[0]], rows0, g0).wait()
            pltpu.sync_copy(rows0, agg_sh.at[dst_x.at[0]], add=True)

        plsc.subcore_barrier()
        pltpu.sync_copy(agg_sh.at[pl.ds(r0, RPT)],
                        out_hbm.at[c].at[pl.ds(r0, RPT), pl.ds(0, ws)])

    return k


def _tc_scale_matmul(x_p, W1, degt):
    BN = 2048

    def body(x_ref, w_ref, deg_ref, hp_ref, dinv_ref):
        deg = deg_ref[:, 0:1] + deg_ref[:, 1:2] + 1.0
        dinv = lax.rsqrt(deg)
        h = jnp.dot(x_ref[...], w_ref[...], preferred_element_type=jnp.float32)
        hp_ref[...] = jnp.pad(h * dinv, ((0, 0), (0, W - H)))
        dinv_ref[...] = dinv

    return pl.pallas_call(
        body,
        grid=(PAD_N // BN,),
        in_specs=[
            pl.BlockSpec((BN, DF), lambda i: (i, 0)),
            pl.BlockSpec((DF, H), lambda i: (0, 0)),
            pl.BlockSpec((BN, NC), lambda i: (i, 0)),
        ],
        out_specs=[
            pl.BlockSpec((BN, W), lambda i: (i, 0)),
            pl.BlockSpec((BN, 1), lambda i: (i, 0)),
        ],
        out_shape=[
            jax.ShapeDtypeStruct((PAD_N, W), jnp.float32),
            jax.ShapeDtypeStruct((PAD_N, 1), jnp.float32),
        ],
    )(x_p, W1, degt)


def _tc_mid(aggp, hp, dinv, b1, W2):
    BN = 2048

    def body(a_ref, hp_ref, dinv_ref, b1_ref, w2_ref, out_ref):
        p = (a_ref[0] + a_ref[1] + hp_ref[...])[:, :H]
        h1 = jnp.maximum(dinv_ref[...] * p + b1_ref[...], 0.0)
        h2 = jnp.dot(h1, w2_ref[...], preferred_element_type=jnp.float32)
        out_ref[...] = jnp.pad(h2 * dinv_ref[...], ((0, 0), (0, W - C)))

    return pl.pallas_call(
        body,
        grid=(PAD_N // BN,),
        in_specs=[
            pl.BlockSpec((NC, BN, W), lambda i: (0, i, 0)),
            pl.BlockSpec((BN, W), lambda i: (i, 0)),
            pl.BlockSpec((BN, 1), lambda i: (i, 0)),
            pl.BlockSpec((1, H), lambda i: (0, 0)),
            pl.BlockSpec((H, C), lambda i: (0, 0)),
        ],
        out_specs=pl.BlockSpec((BN, W), lambda i: (i, 0)),
        out_shape=jax.ShapeDtypeStruct((PAD_N, W), jnp.float32),
    )(aggp, hp, dinv, b1, W2)


def _tc_final(aggp, h2p, dinv, b2):
    BN = 2048

    def body(a_ref, hp_ref, dinv_ref, b2_ref, out_ref):
        q = (a_ref[0] + a_ref[1] + hp_ref[...])[:, :C]
        z = dinv_ref[...] * q + b2_ref[...]
        m = jnp.max(z, axis=1, keepdims=True)
        e = jnp.exp(z - m)
        out_ref[...] = (z - m) - jnp.log(jnp.sum(e, axis=1, keepdims=True))

    return pl.pallas_call(
        body,
        grid=(PAD_N // BN,),
        in_specs=[
            pl.BlockSpec((NC, BN, W), lambda i: (0, i, 0)),
            pl.BlockSpec((BN, W), lambda i: (i, 0)),
            pl.BlockSpec((BN, 1), lambda i: (i, 0)),
            pl.BlockSpec((1, C), lambda i: (0, 0)),
        ],
        out_specs=pl.BlockSpec((BN, C), lambda i: (i, 0)),
        out_shape=jax.ShapeDtypeStruct((N, C), jnp.float32),
    )(aggp, h2p, dinv, b2)


def kernel(x, edge_index, W1, b1, W2, b2):
    ei3 = edge_index.astype(jnp.int32).reshape(2, NCHR, CHUNK)
    z1 = jnp.zeros((PAD_N,), jnp.float32)
    za = jnp.zeros((PAD_N, 24), jnp.float32)
    zb = jnp.zeros((PAD_N, 16), jnp.float32)

    degp = _deg_kernel()(ei3, z1)
    degt = degp.T
    hp, dinv = _tc_scale_matmul(x, W1, degt)
    agg1 = _agg_kernel(24)(hp, ei3, za)
    h2p = _tc_mid(agg1, hp, dinv, b1.reshape(1, H), W2)
    agg2 = _agg_kernel(16)(h2p, ei3, zb)
    return _tc_final(agg2, h2p, dinv, b2.reshape(1, C))

# --- scband reference (transcript-rebuilt; emitter-appended) ---
"""Pipeline reference for scband-gcn-52304111730991 (READ-ONLY COPY).

The authoritative reference and input builder live on the scoring server;
editing this copy changes nothing except your own understanding.
"""

import jax, jax.numpy as jnp
import numpy as np

NUM_NODES = 10000
NUM_EDGES = 320000
D_FEAT = 128
HIDDEN = 20
NUM_CLASSES = 16


def gcn_conv(x, edge_index, W, b):
    num_nodes = x.shape[0]
    src = edge_index[0]
    dst = edge_index[1]
    # add self-loops (PyG GCNConv default add_self_loops=True)
    loop = jnp.arange(num_nodes, dtype=edge_index.dtype)
    src = jnp.concatenate([src, loop])
    dst = jnp.concatenate([dst, loop])
    # symmetric normalization D^{-1/2} A_hat D^{-1/2}
    deg = jnp.zeros((num_nodes,), dtype=x.dtype).at[dst].add(1.0)
    deg_inv_sqrt = jnp.where(deg > 0, jax.lax.rsqrt(deg), 0.0)
    norm = deg_inv_sqrt[src] * deg_inv_sqrt[dst]
    # linear transform then propagate
    h = x @ W
    msg = h[src] * norm[:, None]
    out = jnp.zeros((num_nodes, W.shape[1]), dtype=x.dtype).at[dst].add(msg)
    return out + b


def setup_inputs(seed: int = 0) -> dict:
    key = jax.random.key(seed)
    k_x, k_ei, k_w1, k_w2 = jax.random.split(key, 4)
    x = jax.random.normal(k_x, (NUM_NODES, D_FEAT), dtype=jnp.float32)
    edge_index = jax.random.randint(k_ei, (2, NUM_EDGES), 0, NUM_NODES, dtype=jnp.int64)
    # glorot-style init for GCNConv weights
    s1 = float(np.sqrt(6.0 / (D_FEAT + HIDDEN)))
    W1 = jax.random.uniform(k_w1, (D_FEAT, HIDDEN), dtype=jnp.float32, minval=-s1, maxval=s1)
    b1 = jnp.zeros((HIDDEN,), dtype=jnp.float32)
    s2 = float(np.sqrt(6.0 / (HIDDEN + NUM_CLASSES)))
    W2 = jax.random.uniform(k_w2, (HIDDEN, NUM_CLASSES), dtype=jnp.float32, minval=-s2, maxval=s2)
    b2 = jnp.zeros((NUM_CLASSES,), dtype=jnp.float32)
    return {"x": x, "edge_index": edge_index, "W1": W1, "b1": b1, "W2": W2, "b2": b2}


def reference(x, edge_index, W1, b1, W2, b2):
    h = gcn_conv(x, edge_index, W1, b1)
    h = jax.nn.relu(h)
    # F.dropout with training=self.training; module evaluated in eval mode -> identity
    h = gcn_conv(h, edge_index, W2, b2)
    return jax.nn.log_softmax(h, axis=1)

if __name__ == "__main__":
    import jax
    _d = setup_inputs()
    print(jax.jit(kernel)(*tuple(_d.values())))

</pallas_src>

<mosaic_0001>
#map = affine_map<(d0, d1) -> (0, 0)>
#map1 = affine_map<(d0, d1) -> (0, 0, 0)>
module attributes {stable_mosaic.version = 14 : i64} {
  func.func @k(%arg0: i32, %arg1: i32, %arg2: memref<10240x128xf32, #tpu.memory_space<hbm>>, %arg3: memref<2x2500x128xi32, #tpu.memory_space<hbm>>, %arg4: memref<10240x24xf32, #tpu.memory_space<hbm>>, %arg5: memref<2x10240x128xf32, #tpu.memory_space<hbm>>, %arg6: memref<78x128xi32, #tpu.memory_space<vmem>>, %arg7: memref<78x128xi32, #tpu.memory_space<vmem>>, %arg8: memref<1x128xi32, #tpu.memory_space<vmem>>, %arg9: memref<1x128xi32, #tpu.memory_space<vmem>>, %arg10: memref<128x24xf32, #tpu.memory_space<vmem>>, %arg11: memref<128x24xf32, #tpu.memory_space<vmem>>, %arg12: memref<128x24xf32, #tpu.memory_space<vmem>>, %arg13: memref<128x24xf32, #tpu.memory_space<vmem>>, %arg14: memref<10240x24xf32, #tpu.memory_space<vmem_shared>>, %arg15: memref<10240x24xf32, #tpu.memory_space<vmem_shared>>, %arg16: memref<!tpu.dma_semaphore, #tpu.memory_space<semaphore_mem>>, %arg17: memref<!tpu.dma_semaphore, #tpu.memory_space<semaphore_mem>>, %arg18: memref<!tpu.dma_semaphore, #tpu.memory_space<semaphore_mem>>, %arg19: memref<!tpu.dma_semaphore, #tpu.memory_space<semaphore_mem>>, %arg20: memref<!tpu.dma_semaphore, #tpu.memory_space<semaphore_mem>>, %arg21: memref<!tpu.dma_semaphore, #tpu.memory_space<semaphore_mem>>, %arg22: memref<!tpu.dma_semaphore, #tpu.memory_space<semaphore_mem>>, %arg23: memref<!tpu.dma_semaphore, #tpu.memory_space<semaphore_mem>>) attributes {dimension_semantics = [#tpu.dimension_semantics<core_parallel>, #tpu.dimension_semantics<subcore_parallel>], iteration_bounds = array<i64: 2, 16>, scalar_prefetch = 0 : i64, scratch_operands = 18 : i64, tpu.core_type = #tpu.core_type<sc_vector_subcore>, window_params = [{transform_indices = #map}, {transform_indices = #map1}, {transform_indices = #map}, {transform_indices = #map1}]} {
    %mul3A = arith.constant 16 : i32
    %mul3A_0 = arith.muli %arg0, %mul3A : i32
    %add3A = arith.addi %mul3A_0, %arg1 : i32
    %mul3A_1 = arith.constant 640 : i32
    %mul3A_2 = arith.muli %arg1, %mul3A_1 : i32
    "tpu.region"() ({
      %run_scoped3A_61 = tpu.sem_alloc : memref<!tpu.dma_semaphore, #tpu.memory_space<semaphore_mem>>
      %dma_start3A_62 = arith.constant 0 : i32
      %dma_start3A_63 = tpu.memref_slice %arg15[%mul3A_2, %dma_start3A_62] : memref<10240x24xf32, #tpu.memory_space<vmem_shared>> -> memref<640x24xf32, #tpu.memory_space<vmem_shared>>
      %dma_start3A_64 = arith.constant 0 : i32
      %dma_start3A_65 = tpu.memref_slice %arg4[%mul3A_2, %dma_start3A_64] : memref<10240x24xf32, #tpu.memory_space<hbm>> -> memref<640x24xf32, #tpu.memory_space<hbm>>
      tpu.enqueue_dma source(%dma_start3A_65 : memref<640x24xf32, #tpu.memory_space<hbm>>) target(%dma_start3A_63 : memref<640x24xf32, #tpu.memory_space<vmem_shared>>) target_semaphore(%run_scoped3A_61 : memref<!tpu.dma_semaphore, #tpu.memory_space<semaphore_mem>>)
      %dma_wait3A_66 = arith.constant 0 : i32
      %dma_wait3A_67 = tpu.memref_slice %arg15[%mul3A_2, %dma_wait3A_66] : memref<10240x24xf32, #tpu.memory_space<vmem_shared>> -> memref<640x24xf32, #tpu.memory_space<vmem_shared>>
      %dma_wait3A_68 = arith.constant 0 : i32
      %dma_wait3A_69 = tpu.memref_slice %arg4[%mul3A_2, %dma_wait3A_68] : memref<10240x24xf32, #tpu.memory_space<hbm>> -> memref<640x24xf32, #tpu.memory_space<hbm>>
      tpu.wait_dma2 semaphore(%run_scoped3A_61 : memref<!tpu.dma_semaphore, #tpu.memory_space<semaphore_mem>>) src(%dma_wait3A_69 : memref<640x24xf32, #tpu.memory_space<hbm>>) dst(%dma_wait3A_67 : memref<640x24xf32, #tpu.memory_space<vmem_shared>>)
      tpu.yield
    }) : () -> ()
    "tpu.region"() ({
      %run_scoped3A_61 = tpu.sem_alloc : memref<!tpu.dma_semaphore, #tpu.memory_space<semaphore_mem>>
      %dma_start3A_62 = arith.constant 0 : i32
      %dma_start3A_63 = tpu.memref_slice %arg14[%mul3A_2, %dma_start3A_62] : memref<10240x24xf32, #tpu.memory_space<vmem_shared>> -> memref<640x24xf32, #tpu.memory_space<vmem_shared>>
      %dma_start3A_64 = arith.constant 0 : i32
      %dma_start3A_65 = tpu.memref_slice %arg2[%mul3A_2, %dma_start3A_64] : memref<10240x128xf32, #tpu.memory_space<hbm>> -> memref<640x24xf32, #tpu.memory_space<hbm>>
      tpu.enqueue_dma source(%dma_start3A_65 : memref<640x24xf32, #tpu.memory_space<hbm>>) target(%dma_start3A_63 : memref<640x24xf32, #tpu.memory_space<vmem_shared>>) target_semaphore(%run_scoped3A_61 : memref<!tpu.dma_semaphore, #tpu.memory_space<semaphore_mem>>)
      %dma_wait3A_66 = arith.constant 0 : i32
      %dma_wait3A_67 = tpu.memref_slice %arg14[%mul3A_2, %dma_wait3A_66] : memref<10240x24xf32, #tpu.memory_space<vmem_shared>> -> memref<640x24xf32, #tpu.memory_space<vmem_shared>>
      %dma_wait3A_68 = arith.constant 0 : i32
      %dma_wait3A_69 = tpu.memref_slice %arg2[%mul3A_2, %dma_wait3A_68] : memref<10240x128xf32, #tpu.memory_space<hbm>> -> memref<640x24xf32, #tpu.memory_space<hbm>>
      tpu.wait_dma2 semaphore(%run_scoped3A_61 : memref<!tpu.dma_semaphore, #tpu.memory_space<semaphore_mem>>) src(%dma_wait3A_69 : memref<640x24xf32, #tpu.memory_space<hbm>>) dst(%dma_wait3A_67 : memref<640x24xf32, #tpu.memory_space<vmem_shared>>)
      tpu.yield
    }) : () -> ()
    %mul3A_3 = arith.constant 78 : i32
    %mul3A_4 = arith.muli %add3A, %mul3A_3 : i32
    %run_scoped3A = arith.constant 0 : i32
    "tpu.region"() ({
      %run_scoped3A_61 = tpu.sem_alloc : memref<!tpu.dma_semaphore, #tpu.memory_space<semaphore_mem>>
      %dma_start3A_62 = arith.constant 0 : i32
      %dma_start3A_63 = arith.constant 0 : i32
      %dma_start3A_64 = tpu.memref_slice %arg3[%run_scoped3A, %dma_start3A_62, %dma_start3A_63] : memref<2x2500x128xi32, #tpu.memory_space<hbm>> -> memref<1x2500x128xi32, #tpu.memory_space<hbm>>
      %dma_start3A_65 = tpu.memref_squeeze %dma_start3A_64 : memref<1x2500x128xi32, #tpu.memory_space<hbm>> -> memref<2500x128xi32, #tpu.memory_space<hbm>>
      %dma_start3A_66 = arith.constant 0 : i32
      %dma_start3A_67 = tpu.memref_slice %dma_start3A_65[%mul3A_4, %dma_start3A_66] : memref<2500x128xi32, #tpu.memory_space<hbm>> -> memref<78x128xi32, #tpu.memory_space<hbm>>
      %dma_start3A_68 = arith.constant 0 : i32
      %dma_start3A_69 = arith.constant 0 : i32
      %dma_start3A_70 = tpu.memref_slice %arg3[%run_scoped3A, %dma_start3A_68, %dma_start3A_69] : memref<2x2500x128xi32, #tpu.memory_space<hbm>> -> memref<1x2500x128xi32, #tpu.memory_space<hbm>>
      %dma_start3A_71 = tpu.memref_squeeze %dma_start3A_70 : memref<1x2500x128xi32, #tpu.memory_space<hbm>> -> memref<2500x128xi32, #tpu.memory_space<hbm>>
      %dma_start3A_72 = arith.constant 0 : i32
      %dma_start3A_73 = tpu.memref_slice %dma_start3A_71[%mul3A_4, %dma_start3A_72] : memref<2500x128xi32, #tpu.memory_space<hbm>> -> memref<78x128xi32, #tpu.memory_space<hbm>>
      tpu.enqueue_dma source(%dma_start3A_73 : memref<78x128xi32, #tpu.memory_space<hbm>>) target(%arg6 : memref<78x128xi32, #tpu.memory_space<vmem>>) target_semaphore(%run_scoped3A_61 : memref<!tpu.dma_semaphore, #tpu.memory_space<semaphore_mem>>)
      %dma_wait3A_74 = arith.constant 0 : i32
      %dma_wait3A_75 = arith.constant 0 : i32
      %dma_wait3A_76 = tpu.memref_slice %arg3[%run_scoped3A, %dma_wait3A_74, %dma_wait3A_75] : memref<2x2500x128xi32, #tpu.memory_space<hbm>> -> memref<1x2500x128xi32, #tpu.memory_space<hbm>>
      %dma_wait3A_77 = tpu.memref_squeeze %dma_wait3A_76 : memref<1x2500x128xi32, #tpu.memory_space<hbm>> -> memref<2500x128xi32, #tpu.memory_space<hbm>>
      %dma_wait3A_78 = arith.constant 0 : i32
      %dma_wait3A_79 = tpu.memref_slice %dma_wait3A_77[%mul3A_4, %dma_wait3A_78] : memref<2500x128xi32, #tpu.memory_space<hbm>> -> memref<78x128xi32, #tpu.memory_space<hbm>>
      %dma_wait3A_80 = arith.constant 0 : i32
      %dma_wait3A_81 = arith.constant 0 : i32
      %dma_wait3A_82 = tpu.memref_slice %arg3[%run_scoped3A, %dma_wait3A_80, %dma_wait3A_81] : memref<2x2500x128xi32, #tpu.memory_space<hbm>> -> memref<1x2500x128xi32, #tpu.memory_space<hbm>>
      %dma_wait3A_83 = tpu.memref_squeeze %dma_wait3A_82 : memref<1x2500x128xi32, #tpu.memory_space<hbm>> -> memref<2500x128xi32, #tpu.memory_space<hbm>>
      %dma_wait3A_84 = arith.constant 0 : i32
      %dma_wait3A_85 = tpu.memref_slice %dma_wait3A_83[%mul3A_4, %dma_wait3A_84] : memref<2500x128xi32, #tpu.memory_space<hbm>> -> memref<78x128xi32, #tpu.memory_space<hbm>>
      tpu.wait_dma2 semaphore(%run_scoped3A_61 : memref<!tpu.dma_semaphore, #tpu.memory_space<semaphore_mem>>) src(%dma_wait3A_85 : memref<78x128xi32, #tpu.memory_space<hbm>>) dst(%arg6 : memref<78x128xi32, #tpu.memory_space<vmem>>)
      tpu.yield
    }) : () -> ()
    %mul3A_5 = arith.constant 78 : i32
    %mul3A_6 = arith.muli %add3A, %mul3A_5 : i32
    %run_scoped3A_7 = arith.constant 1 : i32
    "tpu.region"() ({
      %run_scoped3A_61 = tpu.sem_alloc : memref<!tpu.dma_semaphore, #tpu.memory_space<semaphore_mem>>
      %dma_start3A_62 = arith.constant 0 : i32
      %dma_start3A_63 = arith.constant 0 : i32
      %dma_start3A_64 = tpu.memref_slice %arg3[%run_scoped3A_7, %dma_start3A_62, %dma_start3A_63] : memref<2x2500x128xi32, #tpu.memory_space<hbm>> -> memref<1x2500x128xi32, #tpu.memory_space<hbm>>
      %dma_start3A_65 = tpu.memref_squeeze %dma_start3A_64 : memref<1x2500x128xi32, #tpu.memory_space<hbm>> -> memref<2500x128xi32, #tpu.memory_space<hbm>>
      %dma_start3A_66 = arith.constant 0 : i32
      %dma_start3A_67 = tpu.memref_slice %dma_start3A_65[%mul3A_6, %dma_start3A_66] : memref<2500x128xi32, #tpu.memory_space<hbm>> -> memref<78x128xi32, #tpu.memory_space<hbm>>
      %dma_start3A_68 = arith.constant 0 : i32
      %dma_start3A_69 = arith.constant 0 : i32
      %dma_start3A_70 = tpu.memref_slice %arg3[%run_scoped3A_7, %dma_start3A_68, %dma_start3A_69] : memref<2x2500x128xi32, #tpu.memory_space<hbm>> -> memref<1x2500x128xi32, #tpu.memory_space<hbm>>
      %dma_start3A_71 = tpu.memref_squeeze %dma_start3A_70 : memref<1x2500x128xi32, #tpu.memory_space<hbm>> -> memref<2500x128xi32, #tpu.memory_space<hbm>>
      %dma_start3A_72 = arith.constant 0 : i32
      %dma_start3A_73 = tpu.memref_slice %dma_start3A_71[%mul3A_6, %dma_start3A_72] : memref<2500x128xi32, #tpu.memory_space<hbm>> -> memref<78x128xi32, #tpu.memory_space<hbm>>
      tpu.enqueue_dma source(%dma_start3A_73 : memref<78x128xi32, #tpu.memory_space<hbm>>) target(%arg7 : memref<78x128xi32, #tpu.memory_space<vmem>>) target_semaphore(%run_scoped3A_61 : memref<!tpu.dma_semaphore, #tpu.memory_space<semaphore_mem>>)
      %dma_wait3A_74 = arith.constant 0 : i32
      %dma_wait3A_75 = arith.constant 0 : i32
      %dma_wait3A_76 = tpu.memref_slice %arg3[%run_scoped3A_7, %dma_wait3A_74, %dma_wait3A_75] : memref<2x2500x128xi32, #tpu.memory_space<hbm>> -> memref<1x2500x128xi32, #tpu.memory_space<hbm>>
      %dma_wait3A_77 = tpu.memref_squeeze %dma_wait3A_76 : memref<1x2500x128xi32, #tpu.memory_space<hbm>> -> memref<2500x128xi32, #tpu.memory_space<hbm>>
      %dma_wait3A_78 = arith.constant 0 : i32
      %dma_wait3A_79 = tpu.memref_slice %dma_wait3A_77[%mul3A_6, %dma_wait3A_78] : memref<2500x128xi32, #tpu.memory_space<hbm>> -> memref<78x128xi32, #tpu.memory_space<hbm>>
      %dma_wait3A_80 = arith.constant 0 : i32
      %dma_wait3A_81 = arith.constant 0 : i32
      %dma_wait3A_82 = tpu.memref_slice %arg3[%run_scoped3A_7, %dma_wait3A_80, %dma_wait3A_81] : memref<2x2500x128xi32, #tpu.memory_space<hbm>> -> memref<1x2500x128xi32, #tpu.memory_space<hbm>>
      %dma_wait3A_83 = tpu.memref_squeeze %dma_wait3A_82 : memref<1x2500x128xi32, #tpu.memory_space<hbm>> -> memref<2500x128xi32, #tpu.memory_space<hbm>>
      %dma_wait3A_84 = arith.constant 0 : i32
      %dma_wait3A_85 = tpu.memref_slice %dma_wait3A_83[%mul3A_6, %dma_wait3A_84] : memref<2500x128xi32, #tpu.memory_space<hbm>> -> memref<78x128xi32, #tpu.memory_space<hbm>>
      tpu.wait_dma2 semaphore(%run_scoped3A_61 : memref<!tpu.dma_semaphore, #tpu.memory_space<semaphore_mem>>) src(%dma_wait3A_85 : memref<78x128xi32, #tpu.memory_space<hbm>>) dst(%arg7 : memref<78x128xi32, #tpu.memory_space<vmem>>)
      tpu.yield
    }) : () -> ()
    %lt3A = arith.constant 4 : i32
    %lt3A_8 = arith.cmpi slt, %add3A, %lt3A : i32
    %convert_element_type3A = arith.extui %lt3A_8 : i1 to i32
    %cond3A = arith.constant 0 : i32
    %cond3A_9 = arith.cmpi ne, %convert_element_type3A, %cond3A : i32
    scf.if %cond3A_9 {
      %add3A_61 = arith.constant 2496 : i32
      %add3A_62 = arith.addi %add3A_61, %add3A : i32
      %run_scoped3A_63 = arith.constant 0 : i32
      "tpu.region"() ({
        %run_scoped3A_67 = tpu.sem_alloc : memref<!tpu.dma_semaphore, #tpu.memory_space<semaphore_mem>>
        %dma_start3A_68 = arith.constant 0 : i32
        %dma_start3A_69 = arith.constant 0 : i32
        %dma_start3A_70 = tpu.memref_slice %arg3[%run_scoped3A_63, %dma_start3A_68, %dma_start3A_69] : memref<2x2500x128xi32, #tpu.memory_space<hbm>> -> memref<1x2500x128xi32, #tpu.memory_space<hbm>>
        %dma_start3A_71 = tpu.memref_squeeze %dma_start3A_70 : memref<1x2500x128xi32, #tpu.memory_space<hbm>> -> memref<2500x128xi32, #tpu.memory_space<hbm>>
        %dma_start3A_72 = arith.constant 0 : i32
        %dma_start3A_73 = tpu.memref_slice %dma_start3A_71[%add3A_62, %dma_start3A_72] : memref<2500x128xi32, #tpu.memory_space<hbm>> -> memref<1x128xi32, #tpu.memory_space<hbm>>
        %dma_start3A_74 = arith.constant 0 : i32
        %dma_start3A_75 = arith.constant 0 : i32
        %dma_start3A_76 = tpu.memref_slice %arg3[%run_scoped3A_63, %dma_start3A_74, %dma_start3A_75] : memref<2x2500x128xi32, #tpu.memory_space<hbm>> -> memref<1x2500x128xi32, #tpu.memory_space<hbm>>
        %dma_start3A_77 = tpu.memref_squeeze %dma_start3A_76 : memref<1x2500x128xi32, #tpu.memory_space<hbm>> -> memref<2500x128xi32, #tpu.memory_space<hbm>>
        %dma_start3A_78 = arith.constant 0 : i32
        %dma_start3A_79 = tpu.memref_slice %dma_start3A_77[%add3A_62, %dma_start3A_78] : memref<2500x128xi32, #tpu.memory_space<hbm>> -> memref<1x128xi32, #tpu.memory_space<hbm>>
        tpu.enqueue_dma source(%dma_start3A_79 : memref<1x128xi32, #tpu.memory_space<hbm>>) target(%arg8 : memref<1x128xi32, #tpu.memory_space<vmem>>) target_semaphore(%run_scoped3A_67 : memref<!tpu.dma_semaphore, #tpu.memory_space<semaphore_mem>>)
        %dma_wait3A_80 = arith.constant 0 : i32
        %dma_wait3A_81 = arith.constant 0 : i32
        %dma_wait3A_82 = tpu.memref_slice %arg3[%run_scoped3A_63, %dma_wait3A_80, %dma_wait3A_81] : memref<2x2500x128xi32, #tpu.memory_space<hbm>> -> memref<1x2500x128xi32, #tpu.memory_space<hbm>>
        %dma_wait3A_83 = tpu.memref_squeeze %dma_wait3A_82 : memref<1x2500x128xi32, #tpu.memory_space<hbm>> -> memref<2500x128xi32, #tpu.memory_space<hbm>>
        %dma_wait3A_84 = arith.constant 0 : i32
        %dma_wait3A_85 = tpu.memref_slice %dma_wait3A_83[%add3A_62, %dma_wait3A_84] : memref<2500x128xi32, #tpu.memory_space<hbm>> -> memref<1x128xi32, #tpu.memory_space<hbm>>
        %dma_wait3A_86 = arith.constant 0 : i32
        %dma_wait3A_87 = arith.constant 0 : i32
        %dma_wait3A_88 = tpu.memref_slice %arg3[%run_scoped3A_63, %dma_wait3A_86, %dma_wait3A_87] : memref<2x2500x128xi32, #tpu.memory_space<hbm>> -> memref<1x2500x128xi32, #tpu.memory_space<hbm>>
        %dma_wait3A_89 = tpu.memref_squeeze %dma_wait3A_88 : memref<1x2500x128xi32, #tpu.memory_space<hbm>> -> memref<2500x128xi32, #tpu.memory_space<hbm>>
        %dma_wait3A_90 = arith.constant 0 : i32
        %dma_wait3A_91 = tpu.memref_slice %dma_wait3A_89[%add3A_62, %dma_wait3A_90] : memref<2500x128xi32, #tpu.memory_space<hbm>> -> memref<1x128xi32, #tpu.memory_space<hbm>>
        tpu.wait_dma2 semaphore(%run_scoped3A_67 : memref<!tpu.dma_semaphore, #tpu.memory_space<semaphore_mem>>) src(%dma_wait3A_91 : memref<1x128xi32, #tpu.memory_space<hbm>>) dst(%arg8 : memref<1x128xi32, #tpu.memory_space<vmem>>)
        tpu.yield
      }) : () -> ()
      %add3A_64 = arith.constant 2496 : i32
      %add3A_65 = arith.addi %add3A_64, %add3A : i32
      %run_scoped3A_66 = arith.constant 1 : i32
      "tpu.region"() ({
        %run_scoped3A_67 = tpu.sem_alloc : memref<!tpu.dma_semaphore, #tpu.memory_space<semaphore_mem>>
        %dma_start3A_68 = arith.constant 0 : i32
        %dma_start3A_69 = arith.constant 0 : i32
        %dma_start3A_70 = tpu.memref_slice %arg3[%run_scoped3A_66, %dma_start3A_68, %dma_start3A_69] : memref<2x2500x128xi32, #tpu.memory_space<hbm>> -> memref<1x2500x128xi32, #tpu.memory_space<hbm>>
        %dma_start3A_71 = tpu.memref_squeeze %dma_start3A_70 : memref<1x2500x128xi32, #tpu.memory_space<hbm>> -> memref<2500x128xi32, #tpu.memory_space<hbm>>
        %dma_start3A_72 = arith.constant 0 : i32
        %dma_start3A_73 = tpu.memref_slice %dma_start3A_71[%add3A_65, %dma_start3A_72] : memref<2500x128xi32, #tpu.memory_space<hbm>> -> memref<1x128xi32, #tpu.memory_space<hbm>>
        %dma_start3A_74 = arith.constant 0 : i32
        %dma_start3A_75 = arith.constant 0 : i32
        %dma_start3A_76 = tpu.memref_slice %arg3[%run_scoped3A_66, %dma_start3A_74, %dma_start3A_75] : memref<2x2500x128xi32, #tpu.memory_space<hbm>> -> memref<1x2500x128xi32, #tpu.memory_space<hbm>>
        %dma_start3A_77 = tpu.memref_squeeze %dma_start3A_76 : memref<1x2500x128xi32, #tpu.memory_space<hbm>> -> memref<2500x128xi32, #tpu.memory_space<hbm>>
        %dma_start3A_78 = arith.constant 0 : i32
        %dma_start3A_79 = tpu.memref_slice %dma_start3A_77[%add3A_65, %dma_start3A_78] : memref<2500x128xi32, #tpu.memory_space<hbm>> -> memref<1x128xi32, #tpu.memory_space<hbm>>
        tpu.enqueue_dma source(%dma_start3A_79 : memref<1x128xi32, #tpu.memory_space<hbm>>) target(%arg9 : memref<1x128xi32, #tpu.memory_space<vmem>>) target_semaphore(%run_scoped3A_67 : memref<!tpu.dma_semaphore, #tpu.memory_space<semaphore_mem>>)
        %dma_wait3A_80 = arith.constant 0 : i32
        %dma_wait3A_81 = arith.constant 0 : i32
        %dma_wait3A_82 = tpu.memref_slice %arg3[%run_scoped3A_66, %dma_wait3A_80, %dma_wait3A_81] : memref<2x2500x128xi32, #tpu.memory_space<hbm>> -> memref<1x2500x128xi32, #tpu.memory_space<hbm>>
        %dma_wait3A_83 = tpu.memref_squeeze %dma_wait3A_82 : memref<1x2500x128xi32, #tpu.memory_space<hbm>> -> memref<2500x128xi32, #tpu.memory_space<hbm>>
        %dma_wait3A_84 = arith.constant 0 : i32
        %dma_wait3A_85 = tpu.memref_slice %dma_wait3A_83[%add3A_65, %dma_wait3A_84] : memref<2500x128xi32, #tpu.memory_space<hbm>> -> memref<1x128xi32, #tpu.memory_space<hbm>>
        %dma_wait3A_86 = arith.constant 0 : i32
        %dma_wait3A_87 = arith.constant 0 : i32
        %dma_wait3A_88 = tpu.memref_slice %arg3[%run_scoped3A_66, %dma_wait3A_86, %dma_wait3A_87] : memref<2x2500x128xi32, #tpu.memory_space<hbm>> -> memref<1x2500x128xi32, #tpu.memory_space<hbm>>
        %dma_wait3A_89 = tpu.memref_squeeze %dma_wait3A_88 : memref<1x2500x128xi32, #tpu.memory_space<hbm>> -> memref<2500x128xi32, #tpu.memory_space<hbm>>
        %dma_wait3A_90 = arith.constant 0 : i32
        %dma_wait3A_91 = tpu.memref_slice %dma_wait3A_89[%add3A_65, %dma_wait3A_90] : memref<2500x128xi32, #tpu.memory_space<hbm>> -> memref<1x128xi32, #tpu.memory_space<hbm>>
        tpu.wait_dma2 semaphore(%run_scoped3A_67 : memref<!tpu.dma_semaphore, #tpu.memory_space<semaphore_mem>>) src(%dma_wait3A_91 : memref<1x128xi32, #tpu.memory_space<hbm>>) dst(%arg9 : memref<1x128xi32, #tpu.memory_space<vmem>>)
        tpu.yield
      }) : () -> ()
    } else {
    }
    %barrier3A = arith.constant 0 : index
    tpu.barrier barrier_id(%barrier3A)
    %dma_start3A = arith.constant 0 : i32
    %dma_start3A_10 = arith.constant 0 : i32
    %dma_start3A_11 = tpu.memref_slice %arg6[%dma_start3A, %dma_start3A_10] : memref<78x128xi32, #tpu.memory_space<vmem>> -> memref<1x128xi32, #tpu.memory_space<vmem>>
    %dma_start3A_12 = tpu.memref_squeeze %dma_start3A_11 : memref<1x128xi32, #tpu.memory_space<vmem>> -> memref<128xi32, #tpu.memory_space<vmem>>
    %dma_start3A_13 = arith.constant 0 : i32
    %dma_start3A_14 = arith.constant 0 : i32
    %dma_start3A_15 = tpu.memref_slice %arg14[%dma_start3A_13, %dma_start3A_14] : memref<10240x24xf32, #tpu.memory_space<vmem_shared>> -> memref<10240x24xf32, #tpu.memory_space<vmem_shared>>
    tpu.enqueue_indirect_dma source(%dma_start3A_15 : memref<10240x24xf32, #tpu.memory_space<vmem_shared>>) target(%arg12 : memref<128x24xf32, #tpu.memory_space<vmem>>) offsets(%dma_start3A_12 : memref<128xi32, #tpu.memory_space<vmem>>) semaphore(%arg18 : memref<!tpu.dma_semaphore, #tpu.memory_space<semaphore_mem>>)
    %dma_start3A_16 = arith.constant 1 : i32
    %dma_start3A_17 = arith.constant 0 : i32
    %dma_start3A_18 = tpu.memref_slice %arg6[%dma_start3A_16, %dma_start3A_17] : memref<78x128xi32, #tpu.memory_space<vmem>> -> memref<1x128xi32, #tpu.memory_space<vmem>>
    %dma_start3A_19 = tpu.memref_squeeze %dma_start3A_18 : memref<1x128xi32, #tpu.memory_space<vmem>> -> memref<128xi32, #tpu.memory_space<vmem>>
    %dma_start3A_20 = arith.constant 0 : i32
    %dma_start3A_21 = arith.constant 0 : i32
    %dma_start3A_22 = tpu.memref_slice %arg14[%dma_start3A_20, %dma_start3A_21] : memref<10240x24xf32, #tpu.memory_space<vmem_shared>> -> memref<10240x24xf32, #tpu.memory_space<vmem_shared>>
    tpu.enqueue_indirect_dma source(%dma_start3A_22 : memref<10240x24xf32, #tpu.memory_space<vmem_shared>>) target(%arg13 : memref<128x24xf32, #tpu.memory_space<vmem>>) offsets(%dma_start3A_19 : memref<128xi32, #tpu.memory_space<vmem>>) semaphore(%arg19 : memref<!tpu.dma_semaphore, #tpu.memory_space<semaphore_mem>>)
    %scan3A = arith.constant 0 : i32
    %scan3A_23 = arith.constant 0 : i32
    %scan3A_24 = arith.constant 20 : i32
    %scan3A_25 = arith.addi %scan3A_23, %scan3A_24 : i32
    %scan3A_26 = arith.constant 1 : i32
    scf.for %scan3A_61 = %scan3A_23 to %scan3A_25 step %scan3A_26  : i32 {
      %mul3A_62 = arith.constant 4 : i32
      %mul3A_63 = arith.muli %scan3A_61, %mul3A_62 : i32
      %add3A_64 = arith.constant 0 : i32
      %add3A_65 = arith.addi %mul3A_63, %add3A_64 : i32
      %lt3A_66 = arith.constant 78 : i32
      %lt3A_67 = arith.cmpi slt, %add3A_65, %lt3A_66 : i32
      %convert_element_type3A_68 = arith.extui %lt3A_67 : i1 to i32
      %cond3A_69 = arith.constant 0 : i32
      %cond3A_70 = arith.cmpi ne, %convert_element_type3A_68, %cond3A_69 : i32
      scf.if %cond3A_70 {
        %add3A_92 = arith.constant 2 : i32
        %add3A_93 = arith.addi %add3A_65, %add3A_92 : i32
        %lt3A_94 = arith.constant 78 : i32
        %lt3A_95 = arith.cmpi slt, %add3A_93, %lt3A_94 : i32
        %convert_element_type3A_96 = arith.extui %lt3A_95 : i1 to i32
        %cond3A_97 = arith.constant 0 : i32
        %cond3A_98 = arith.cmpi ne, %convert_element_type3A_96, %cond3A_97 : i32
        scf.if %cond3A_98 {
          %ge3A = arith.constant 2 : i32
          %ge3A_111 = arith.cmpi sge, %add3A_65, %ge3A : i32
          %convert_element_type3A_112 = arith.extui %ge3A_111 : i1 to i32
          %cond3A_113 = arith.constant 0 : i32
          %cond3A_114 = arith.cmpi ne, %convert_element_type3A_112, %cond3A_113 : i32
          scf.if %cond3A_114 {
            %sub3A = arith.constant 2 : i32
            %sub3A_121 = arith.subi %add3A_65, %sub3A : i32
            %dma_wait3A_122 = arith.constant 0 : i32
            %dma_wait3A_123 = tpu.memref_slice %arg7[%sub3A_121, %dma_wait3A_122] : memref<78x128xi32, #tpu.memory_space<vmem>> -> memref<1x128xi32, #tpu.memory_space<vmem>>
            %dma_wait3A_124 = tpu.memref_squeeze %dma_wait3A_123 : memref<1x128xi32, #tpu.memory_space<vmem>> -> memref<128xi32, #tpu.memory_space<vmem>>
            %dma_wait3A_125 = arith.constant 0 : i32
            %dma_wait3A_126 = arith.constant 0 : i32
            %dma_wait3A_127 = tpu.memref_slice %arg15[%dma_wait3A_125, %dma_wait3A_126] : memref<10240x24xf32, #tpu.memory_space<vmem_shared>> -> memref<10240x24xf32, #tpu.memory_space<vmem_shared>>
            tpu.wait_indirect_dma semaphore(%arg20 : memref<!tpu.dma_semaphore, #tpu.memory_space<semaphore_mem>>) src(%arg10 : memref<128x24xf32, #tpu.memory_space<vmem>>) dst(%dma_wait3A_127 : memref<10240x24xf32, #tpu.memory_space<vmem_shared>>)
          } else {
          }
          %dma_start3A_115 = arith.constant 0 : i32
          %dma_start3A_116 = tpu.memref_slice %arg6[%add3A_93, %dma_start3A_115] : memref<78x128xi32, #tpu.memory_space<vmem>> -> memref<1x128xi32, #tpu.memory_space<vmem>>
          %dma_start3A_117 = tpu.memref_squeeze %dma_start3A_116 : memref<1x128xi32, #tpu.memory_space<vmem>> -> memref<128xi32, #tpu.memory_space<vmem>>
          %dma_start3A_118 = arith.constant 0 : i32
          %dma_start3A_119 = arith.constant 0 : i32
          %dma_start3A_120 = tpu.memref_slice %arg14[%dma_start3A_118, %dma_start3A_119] : memref<10240x24xf32, #tpu.memory_space<vmem_shared>> -> memref<10240x24xf32, #tpu.memory_space<vmem_shared>>
          tpu.enqueue_indirect_dma source(%dma_start3A_120 : memref<10240x24xf32, #tpu.memory_space<vmem_shared>>) target(%arg10 : memref<128x24xf32, #tpu.memory_space<vmem>>) offsets(%dma_start3A_117 : memref<128xi32, #tpu.memory_space<vmem>>) semaphore(%arg16 : memref<!tpu.dma_semaphore, #tpu.memory_space<semaphore_mem>>)
        } else {
        }
        %dma_wait3A_99 = arith.constant 0 : i32
        %dma_wait3A_100 = tpu.memref_slice %arg6[%add3A_65, %dma_wait3A_99] : memref<78x128xi32, #tpu.memory_space<vmem>> -> memref<1x128xi32, #tpu.memory_space<vmem>>
        %dma_wait3A_101 = tpu.memref_squeeze %dma_wait3A_100 : memref<1x128xi32, #tpu.memory_space<vmem>> -> memref<128xi32, #tpu.memory_space<vmem>>
        %dma_wait3A_102 = arith.constant 0 : i32
        %dma_wait3A_103 = arith.constant 0 : i32
        %dma_wait3A_104 = tpu.memref_slice %arg14[%dma_wait3A_102, %dma_wait3A_103] : memref<10240x24xf32, #tpu.memory_space<vmem_shared>> -> memref<10240x24xf32, #tpu.memory_space<vmem_shared>>
        tpu.wait_indirect_dma semaphore(%arg18 : memref<!tpu.dma_semaphore, #tpu.memory_space<semaphore_mem>>) src(%dma_wait3A_104 : memref<10240x24xf32, #tpu.memory_space<vmem_shared>>) dst(%arg12 : memref<128x24xf32, #tpu.memory_space<vmem>>)
        %dma_start3A_105 = arith.constant 0 : i32
        %dma_start3A_106 = tpu.memref_slice %arg7[%add3A_65, %dma_start3A_105] : memref<78x128xi32, #tpu.memory_space<vmem>> -> memref<1x128xi32, #tpu.memory_space<vmem>>
        %dma_start3A_107 = tpu.memref_squeeze %dma_start3A_106 : memref<1x128xi32, #tpu.memory_space<vmem>> -> memref<128xi32, #tpu.memory_space<vmem>>
        %dma_start3A_108 = arith.constant 0 : i32
        %dma_start3A_109 = arith.constant 0 : i32
        %dma_start3A_110 = tpu.memref_slice %arg15[%dma_start3A_108, %dma_start3A_109] : memref<10240x24xf32, #tpu.memory_space<vmem_shared>> -> memref<10240x24xf32, #tpu.memory_space<vmem_shared>>
        tpu.enqueue_indirect_dma source(%arg12 : memref<128x24xf32, #tpu.memory_space<vmem>>) target(%dma_start3A_110 : memref<10240x24xf32, #tpu.memory_space<vmem_shared>>) offsets(%dma_start3A_107 : memref<128xi32, #tpu.memory_space<vmem>>) semaphore(%arg22 : memref<!tpu.dma_semaphore, #tpu.memory_space<semaphore_mem>>) {add = true}
      } else {
      }
      %add3A_71 = arith.constant 1 : i32
      %add3A_72 = arith.addi %mul3A_63, %add3A_71 : i32
      %lt3A_73 = arith.constant 78 : i32
      %lt3A_74 = arith.cmpi slt, %add3A_72, %lt3A_73 : i32
      %convert_element_type3A_75 = arith.extui %lt3A_74 : i1 to i32
      %cond3A_76 = arith.constant 0 : i32
      %cond3A_77 = arith.cmpi ne, %convert_element_type3A_75, %cond3A_76 : i32
      scf.if %cond3A_77 {
        %add3A_92 = arith.constant 2 : i32
        %add3A_93 = arith.addi %add3A_72, %add3A_92 : i32
        %lt3A_94 = arith.constant 78 : i32
        %lt3A_95 = arith.cmpi slt, %add3A_93, %lt3A_94 : i32
        %convert_element_type3A_96 = arith.extui %lt3A_95 : i1 to i32
        %cond3A_97 = arith.constant 0 : i32
        %cond3A_98 = arith.cmpi ne, %convert_element_type3A_96, %cond3A_97 : i32
        scf.if %cond3A_98 {
          %ge3A = arith.constant 2 : i32
          %ge3A_111 = arith.cmpi sge, %add3A_72, %ge3A : i32
          %convert_element_type3A_112 = arith.extui %ge3A_111 : i1 to i32
          %cond3A_113 = arith.constant 0 : i32
          %cond3A_114 = arith.cmpi ne, %convert_element_type3A_112, %cond3A_113 : i32
          scf.if %cond3A_114 {
            %sub3A = arith.constant 2 : i32
            %sub3A_121 = arith.subi %add3A_72, %sub3A : i32
            %dma_wait3A_122 = arith.constant 0 : i32
            %dma_wait3A_123 = tpu.memref_slice %arg7[%sub3A_121, %dma_wait3A_122] : memref<78x128xi32, #tpu.memory_space<vmem>> -> memref<1x128xi32, #tpu.memory_space<vmem>>
            %dma_wait3A_124 = tpu.memref_squeeze %dma_wait3A_123 : memref<1x128xi32, #tpu.memory_space<vmem>> -> memref<128xi32, #tpu.memory_space<vmem>>
            %dma_wait3A_125 = arith.constant 0 : i32
            %dma_wait3A_126 = arith.constant 0 : i32
            %dma_wait3A_127 = tpu.memref_slice %arg15[%dma_wait3A_125, %dma_wait3A_126] : memref<10240x24xf32, #tpu.memory_space<vmem_shared>> -> memref<10240x24xf32, #tpu.memory_space<vmem_shared>>
            tpu.wait_indirect_dma semaphore(%arg21 : memref<!tpu.dma_semaphore, #tpu.memory_space<semaphore_mem>>) src(%arg11 : memref<128x24xf32, #tpu.memory_space<vmem>>) dst(%dma_wait3A_127 : memref<10240x24xf32, #tpu.memory_space<vmem_shared>>)
          } else {
          }
          %dma_start3A_115 = arith.constant 0 : i32
          %dma_start3A_116 = tpu.memref_slice %arg6[%add3A_93, %dma_start3A_115] : memref<78x128xi32, #tpu.memory_space<vmem>> -> memref<1x128xi32, #tpu.memory_space<vmem>>
          %dma_start3A_117 = tpu.memref_squeeze %dma_start3A_116 : memref<1x128xi32, #tpu.memory_space<vmem>> -> memref<128xi32, #tpu.memory_space<vmem>>
          %dma_start3A_118 = arith.constant 0 : i32
          %dma_start3A_119 = arith.constant 0 : i32
          %dma_start3A_120 = tpu.memref_slice %arg14[%dma_start3A_118, %dma_start3A_119] : memref<10240x24xf32, #tpu.memory_space<vmem_shared>> -> memref<10240x24xf32, #tpu.memory_space<vmem_shared>>
          tpu.enqueue_indirect_dma source(%dma_start3A_120 : memref<10240x24xf32, #tpu.memory_space<vmem_shared>>) target(%arg11 : memref<128x24xf32, #tpu.memory_space<vmem>>) offsets(%dma_start3A_117 : memref<128xi32, #tpu.memory_space<vmem>>) semaphore(%arg17 : memref<!tpu.dma_semaphore, #tpu.memory_space<semaphore_mem>>)
        } else {
        }
        %dma_wait3A_99 = arith.constant 0 : i32
        %dma_wait3A_100 = tpu.memref_slice %arg6[%add3A_72, %dma_wait3A_99] : memref<78x128xi32, #tpu.memory_space<vmem>> -> memref<1x128xi32, #tpu.memory_space<vmem>>
        %dma_wait3A_101 = tpu.memref_squeeze %dma_wait3A_100 : memref<1x128xi32, #tpu.memory_space<vmem>> -> memref<128xi32, #tpu.memory_space<vmem>>
        %dma_wait3A_102 = arith.constant 0 : i32
        %dma_wait3A_103 = arith.constant 0 : i32
        %dma_wait3A_104 = tpu.memref_slice %arg14[%dma_wait3A_102, %dma_wait3A_103] : memref<10240x24xf32, #tpu.memory_space<vmem_shared>> -> memref<10240x24xf32, #tpu.memory_space<vmem_shared>>
        tpu.wait_indirect_dma semaphore(%arg19 : memref<!tpu.dma_semaphore, #tpu.memory_space<semaphore_mem>>) src(%dma_wait3A_104 : memref<10240x24xf32, #tpu.memory_space<vmem_shared>>) dst(%arg13 : memref<128x24xf32, #tpu.memory_space<vmem>>)
        %dma_start3A_105 = arith.constant 0 : i32
        %dma_start3A_106 = tpu.memref_slice %arg7[%add3A_72, %dma_start3A_105] : memref<78x128xi32, #tpu.memory_space<vmem>> -> memref<1x128xi32, #tpu.memory_space<vmem>>
        %dma_start3A_107 = tpu.memref_squeeze %dma_start3A_106 : memref<1x128xi32, #tpu.memory_space<vmem>> -> memref<128xi32, #tpu.memory_space<vmem>>
        %dma_start3A_108 = arith.constant 0 : i32
        %dma_start3A_109 = arith.constant 0 : i32
        %dma_start3A_110 = tpu.memref_slice %arg15[%dma_start3A_108, %dma_start3A_109] : memref<10240x24xf32, #tpu.memory_space<vmem_shared>> -> memref<10240x24xf32, #tpu.memory_space<vmem_shared>>
        tpu.enqueue_indirect_dma source(%arg13 : memref<128x24xf32, #tpu.memory_space<vmem>>) target(%dma_start3A_110 : memref<10240x24xf32, #tpu.memory_space<vmem_shared>>) offsets(%dma_start3A_107 : memref<128xi32, #tpu.memory_space<vmem>>) semaphore(%arg23 : memref<!tpu.dma_semaphore, #tpu.memory_space<semaphore_mem>>) {add = true}
      } else {
      }
      %add3A_78 = arith.constant 2 : i32
      %add3A_79 = arith.addi %mul3A_63, %add3A_78 : i32
      %lt3A_80 = arith.constant 78 : i32
      %lt3A_81 = arith.cmpi slt, %add3A_79, %lt3A_80 : i32
      %convert_element_type3A_82 = arith.extui %lt3A_81 : i1 to i32
      %cond3A_83 = arith.constant 0 : i32
      %cond3A_84 = arith.cmpi ne, %convert_element_type3A_82, %cond3A_83 : i32
      scf.if %cond3A_84 {
        %add3A_92 = arith.constant 2 : i32
        %add3A_93 = arith.addi %add3A_79, %add3A_92 : i32
        %lt3A_94 = arith.constant 78 : i32
        %lt3A_95 = arith.cmpi slt, %add3A_93, %lt3A_94 : i32
        %convert_element_type3A_96 = arith.extui %lt3A_95 : i1 to i32
        %cond3A_97 = arith.constant 0 : i32
        %cond3A_98 = arith.cmpi ne, %convert_element_type3A_96, %cond3A_97 : i32
        scf.if %cond3A_98 {
          %ge3A = arith.constant 2 : i32
          %ge3A_111 = arith.cmpi sge, %add3A_79, %ge3A : i32
          %convert_element_type3A_112 = arith.extui %ge3A_111 : i1 to i32
          %cond3A_113 = arith.constant 0 : i32
          %cond3A_114 = arith.cmpi ne, %convert_element_type3A_112, %cond3A_113 : i32
          scf.if %cond3A_114 {
            %sub3A = arith.constant 2 : i32
            %sub3A_121 = arith.subi %add3A_79, %sub3A : i32
            %dma_wait3A_122 = arith.constant 0 : i32
            %dma_wait3A_123 = tpu.memref_slice %arg7[%sub3A_121, %dma_wait3A_122] : memref<78x128xi32, #tpu.memory_space<vmem>> -> memref<1x128xi32, #tpu.memory_space<vmem>>
            %dma_wait3A_124 = tpu.memref_squeeze %dma_wait3A_123 : memref<1x128xi32, #tpu.memory_space<vmem>> -> memref<128xi32, #tpu.memory_space<vmem>>
            %dma_wait3A_125 = arith.constant 0 : i32
            %dma_wait3A_126 = arith.constant 0 : i32
            %dma_wait3A_127 = tpu.memref_slice %arg15[%dma_wait3A_125, %dma_wait3A_126] : memref<10240x24xf32, #tpu.memory_space<vmem_shared>> -> memref<10240x24xf32, #tpu.memory_space<vmem_shared>>
            tpu.wait_indirect_dma semaphore(%arg22 : memref<!tpu.dma_semaphore, #tpu.memory_space<semaphore_mem>>) src(%arg12 : memref<128x24xf32, #tpu.memory_space<vmem>>) dst(%dma_wait3A_127 : memref<10240x24xf32, #tpu.memory_space<vmem_shared>>)
          } else {
          }
          %dma_start3A_115 = arith.constant 0 : i32
          %dma_start3A_116 = tpu.memref_slice %arg6[%add3A_93, %dma_start3A_115] : memref<78x128xi32, #tpu.memory_space<vmem>> -> memref<1x128xi32, #tpu.memory_space<vmem>>
          %dma_start3A_117 = tpu.memref_squeeze %dma_start3A_116 : memref<1x128xi32, #tpu.memory_space<vmem>> -> memref<128xi32, #tpu.memory_space<vmem>>
          %dma_start3A_118 = arith.constant 0 : i32
          %dma_start3A_119 = arith.constant 0 : i32
          %dma_start3A_120 = tpu.memref_slice %arg14[%dma_start3A_118, %dma_start3A_119] : memref<10240x24xf32, #tpu.memory_space<vmem_shared>> -> memref<10240x24xf32, #tpu.memory_space<vmem_shared>>
          tpu.enqueue_indirect_dma source(%dma_start3A_120 : memref<10240x24xf32, #tpu.memory_space<vmem_shared>>) target(%arg12 : memref<128x24xf32, #tpu.memory_space<vmem>>) offsets(%dma_start3A_117 : memref<128xi32, #tpu.memory_space<vmem>>) semaphore(%arg18 : memref<!tpu.dma_semaphore, #tpu.memory_space<semaphore_mem>>)
        } else {
        }
        %dma_wait3A_99 = arith.constant 0 : i32
        %dma_wait3A_100 = tpu.memref_slice %arg6[%add3A_79, %dma_wait3A_99] : memref<78x128xi32, #tpu.memory_space<vmem>> -> memref<1x128xi32, #tpu.memory_space<vmem>>
        %dma_wait3A_101 = tpu.memref_squeeze %dma_wait3A_100 : memref<1x128xi32, #tpu.memory_space<vmem>> -> memref<128xi32, #tpu.memory_space<vmem>>
        %dma_wait3A_102 = arith.constant 0 : i32
        %dma_wait3A_103 = arith.constant 0 : i32
        %dma_wait3A_104 = tpu.memref_slice %arg14[%dma_wait3A_102, %dma_wait3A_103] : memref<10240x24xf32, #tpu.memory_space<vmem_shared>> -> memref<10240x24xf32, #tpu.memory_space<vmem_shared>>
        tpu.wait_indirect_dma semaphore(%arg16 : memref<!tpu.dma_semaphore, #tpu.memory_space<semaphore_mem>>) src(%dma_wait3A_104 : memref<10240x24xf32, #tpu.memory_space<vmem_shared>>) dst(%arg10 : memref<128x24xf32, #tpu.memory_space<vmem>>)
        %dma_start3A_105 = arith.constant 0 : i32
        %dma_start3A_106 = tpu.memref_slice %arg7[%add3A_79, %dma_start3A_105] : memref<78x128xi32, #tpu.memory_space<vmem>> -> memref<1x128xi32, #tpu.memory_space<vmem>>
        %dma_start3A_107 = tpu.memref_squeeze %dma_start3A_106 : memref<1x128xi32, #tpu.memory_space<vmem>> -> memref<128xi32, #tpu.memory_space<vmem>>
        %dma_start3A_108 = arith.constant 0 : i32
        %dma_start3A_109 = arith.constant 0 : i32
        %dma_start3A_110 = tpu.memref_slice %arg15[%dma_start3A_108, %dma_start3A_109] : memref<10240x24xf32, #tpu.memory_space<vmem_shared>> -> memref<10240x24xf32, #tpu.memory_space<vmem_shared>>
        tpu.enqueue_indirect_dma source(%arg10 : memref<128x24xf32, #tpu.memory_space<vmem>>) target(%dma_start3A_110 : memref<10240x24xf32, #tpu.memory_space<vmem_shared>>) offsets(%dma_start3A_107 : memref<128xi32, #tpu.memory_space<vmem>>) semaphore(%arg20 : memref<!tpu.dma_semaphore, #tpu.memory_space<semaphore_mem>>) {add = true}
      } else {
      }
      %add3A_85 = arith.constant 3 : i32
      %add3A_86 = arith.addi %mul3A_63, %add3A_85 : i32
      %lt3A_87 = arith.constant 78 : i32
      %lt3A_88 = arith.cmpi slt, %add3A_86, %lt3A_87 : i32
      %convert_element_type3A_89 = arith.extui %lt3A_88 : i1 to i32
      %cond3A_90 = arith.constant 0 : i32
      %cond3A_91 = arith.cmpi ne, %convert_element_type3A_89, %cond3A_90 : i32
      scf.if %cond3A_91 {
        %add3A_92 = arith.constant 2 : i32
        %add3A_93 = arith.addi %add3A_86, %add3A_92 : i32
        %lt3A_94 = arith.constant 78 : i32
        %lt3A_95 = arith.cmpi slt, %add3A_93, %lt3A_94 : i32
        %convert_element_type3A_96 = arith.extui %lt3A_95 : i1 to i32
        %cond3A_97 = arith.constant 0 : i32
        %cond3A_98 = arith.cmpi ne, %convert_element_type3A_96, %cond3A_97 : i32
        scf.if %cond3A_98 {
          %ge3A = arith.constant 2 : i32
          %ge3A_111 = arith.cmpi sge, %add3A_86, %ge3A : i32
          %convert_element_type3A_112 = arith.extui %ge3A_111 : i1 to i32
          %cond3A_113 = arith.constant 0 : i32
          %cond3A_114 = arith.cmpi ne, %convert_element_type3A_112, %cond3A_113 : i32
          scf.if %cond3A_114 {
            %sub3A = arith.constant 2 : i32
            %sub3A_121 = arith.subi %add3A_86, %sub3A : i32
            %dma_wait3A_122 = arith.constant 0 : i32
            %dma_wait3A_123 = tpu.memref_slice %arg7[%sub3A_121, %dma_wait3A_122] : memref<78x128xi32, #tpu.memory_space<vmem>> -> memref<1x128xi32, #tpu.memory_space<vmem>>
            %dma_wait3A_124 = tpu.memref_squeeze %dma_wait3A_123 : memref<1x128xi32, #tpu.memory_space<vmem>> -> memref<128xi32, #tpu.memory_space<vmem>>
            %dma_wait3A_125 = arith.constant 0 : i32
            %dma_wait3A_126 = arith.constant 0 : i32
            %dma_wait3A_127 = tpu.memref_slice %arg15[%dma_wait3A_125, %dma_wait3A_126] : memref<10240x24xf32, #tpu.memory_space<vmem_shared>> -> memref<10240x24xf32, #tpu.memory_space<vmem_shared>>
            tpu.wait_indirect_dma semaphore(%arg23 : memref<!tpu.dma_semaphore, #tpu.memory_space<semaphore_mem>>) src(%arg13 : memref<128x24xf32, #tpu.memory_space<vmem>>) dst(%dma_wait3A_127 : memref<10240x24xf32, #tpu.memory_space<vmem_shared>>)
          } else {
          }
          %dma_start3A_115 = arith.constant 0 : i32
          %dma_start3A_116 = tpu.memref_slice %arg6[%add3A_93, %dma_start3A_115] : memref<78x128xi32, #tpu.memory_space<vmem>> -> memref<1x128xi32, #tpu.memory_space<vmem>>
          %dma_start3A_117 = tpu.memref_squeeze %dma_start3A_116 : memref<1x128xi32, #tpu.memory_space<vmem>> -> memref<128xi32, #tpu.memory_space<vmem>>
          %dma_start3A_118 = arith.constant 0 : i32
          %dma_start3A_119 = arith.constant 0 : i32
          %dma_start3A_120 = tpu.memref_slice %arg14[%dma_start3A_118, %dma_start3A_119] : memref<10240x24xf32, #tpu.memory_space<vmem_shared>> -> memref<10240x24xf32, #tpu.memory_space<vmem_shared>>
          tpu.enqueue_indirect_dma source(%dma_start3A_120 : memref<10240x24xf32, #tpu.memory_space<vmem_shared>>) target(%arg13 : memref<128x24xf32, #tpu.memory_space<vmem>>) offsets(%dma_start3A_117 : memref<128xi32, #tpu.memory_space<vmem>>) semaphore(%arg19 : memref<!tpu.dma_semaphore, #tpu.memory_space<semaphore_mem>>)
        } else {
        }
        %dma_wait3A_99 = arith.constant 0 : i32
        %dma_wait3A_100 = tpu.memref_slice %arg6[%add3A_86, %dma_wait3A_99] : memref<78x128xi32, #tpu.memory_space<vmem>> -> memref<1x128xi32, #tpu.memory_space<vmem>>
        %dma_wait3A_101 = tpu.memref_squeeze %dma_wait3A_100 : memref<1x128xi32, #tpu.memory_space<vmem>> -> memref<128xi32, #tpu.memory_space<vmem>>
        %dma_wait3A_102 = arith.constant 0 : i32
        %dma_wait3A_103 = arith.constant 0 : i32
        %dma_wait3A_104 = tpu.memref_slice %arg14[%dma_wait3A_102, %dma_wait3A_103] : memref<10240x24xf32, #tpu.memory_space<vmem_shared>> -> memref<10240x24xf32, #tpu.memory_space<vmem_shared>>
        tpu.wait_indirect_dma semaphore(%arg17 : memref<!tpu.dma_semaphore, #tpu.memory_space<semaphore_mem>>) src(%dma_wait3A_104 : memref<10240x24xf32, #tpu.memory_space<vmem_shared>>) dst(%arg11 : memref<128x24xf32, #tpu.memory_space<vmem>>)
        %dma_start3A_105 = arith.constant 0 : i32
        %dma_start3A_106 = tpu.memref_slice %arg7[%add3A_86, %dma_start3A_105] : memref<78x128xi32, #tpu.memory_space<vmem>> -> memref<1x128xi32, #tpu.memory_space<vmem>>
        %dma_start3A_107 = tpu.memref_squeeze %dma_start3A_106 : memref<1x128xi32, #tpu.memory_space<vmem>> -> memref<128xi32, #tpu.memory_space<vmem>>
        %dma_start3A_108 = arith.constant 0 : i32
        %dma_start3A_109 = arith.constant 0 : i32
        %dma_start3A_110 = tpu.memref_slice %arg15[%dma_start3A_108, %dma_start3A_109] : memref<10240x24xf32, #tpu.memory_space<vmem_shared>> -> memref<10240x24xf32, #tpu.memory_space<vmem_shared>>
        tpu.enqueue_indirect_dma source(%arg11 : memref<128x24xf32, #tpu.memory_space<vmem>>) target(%dma_start3A_110 : memref<10240x24xf32, #tpu.memory_space<vmem_shared>>) offsets(%dma_start3A_107 : memref<128xi32, #tpu.memory_space<vmem>>) semaphore(%arg21 : memref<!tpu.dma_semaphore, #tpu.memory_space<semaphore_mem>>) {add = true}
      } else {
      }
    }
    %scan3A_27 = arith.constant 20 : i32
    %dma_wait3A = arith.constant 74 : i32
    %dma_wait3A_28 = arith.constant 0 : i32
    %dma_wait3A_29 = tpu.memref_slice %arg7[%dma_wait3A, %dma_wait3A_28] : memref<78x128xi32, #tpu.memory_space<vmem>> -> memref<1x128xi32, #tpu.memory_space<vmem>>
    %dma_wait3A_30 = tpu.memref_squeeze %dma_wait3A_29 : memref<1x128xi32, #tpu.memory_space<vmem>> -> memref<128xi32, #tpu.memory_space<vmem>>
    %dma_wait3A_31 = arith.constant 0 : i32
    %dma_wait3A_32 = arith.constant 0 : i32
    %dma_wait3A_33 = tpu.memref_slice %arg15[%dma_wait3A_31, %dma_wait3A_32] : memref<10240x24xf32, #tpu.memory_space<vmem_shared>> -> memref<10240x24xf32, #tpu.memory_space<vmem_shared>>
    tpu.wait_indirect_dma semaphore(%arg20 : memref<!tpu.dma_semaphore, #tpu.memory_space<semaphore_mem>>) src(%arg10 : memref<128x24xf32, #tpu.memory_space<vmem>>) dst(%dma_wait3A_33 : memref<10240x24xf32, #tpu.memory_space<vmem_shared>>)
    %dma_wait3A_34 = arith.constant 75 : i32
    %dma_wait3A_35 = arith.constant 0 : i32
    %dma_wait3A_36 = tpu.memref_slice %arg7[%dma_wait3A_34, %dma_wait3A_35] : memref<78x128xi32, #tpu.memory_space<vmem>> -> memref<1x128xi32, #tpu.memory_space<vmem>>
    %dma_wait3A_37 = tpu.memref_squeeze %dma_wait3A_36 : memref<1x128xi32, #tpu.memory_space<vmem>> -> memref<128xi32, #tpu.memory_space<vmem>>
    %dma_wait3A_38 = arith.constant 0 : i32
    %dma_wait3A_39 = arith.constant 0 : i32
    %dma_wait3A_40 = tpu.memref_slice %arg15[%dma_wait3A_38, %dma_wait3A_39] : memref<10240x24xf32, #tpu.memory_space<vmem_shared>> -> memref<10240x24xf32, #tpu.memory_space<vmem_shared>>
    tpu.wait_indirect_dma semaphore(%arg21 : memref<!tpu.dma_semaphore, #tpu.memory_space<semaphore_mem>>) src(%arg11 : memref<128x24xf32, #tpu.memory_space<vmem>>) dst(%dma_wait3A_40 : memref<10240x24xf32, #tpu.memory_space<vmem_shared>>)
    %dma_wait3A_41 = arith.constant 76 : i32
    %dma_wait3A_42 = arith.constant 0 : i32
    %dma_wait3A_43 = tpu.memref_slice %arg7[%dma_wait3A_41, %dma_wait3A_42] : memref<78x128xi32, #tpu.memory_space<vmem>> -> memref<1x128xi32, #tpu.memory_space<vmem>>
    %dma_wait3A_44 = tpu.memref_squeeze %dma_wait3A_43 : memref<1x128xi32, #tpu.memory_space<vmem>> -> memref<128xi32, #tpu.memory_space<vmem>>
    %dma_wait3A_45 = arith.constant 0 : i32
    %dma_wait3A_46 = arith.constant 0 : i32
    %dma_wait3A_47 = tpu.memref_slice %arg15[%dma_wait3A_45, %dma_wait3A_46] : memref<10240x24xf32, #tpu.memory_space<vmem_shared>> -> memref<10240x24xf32, #tpu.memory_space<vmem_shared>>
    tpu.wait_indirect_dma semaphore(%arg22 : memref<!tpu.dma_semaphore, #tpu.memory_space<semaphore_mem>>) src(%arg12 : memref<128x24xf32, #tpu.memory_space<vmem>>) dst(%dma_wait3A_47 : memref<10240x24xf32, #tpu.memory_space<vmem_shared>>)
    %dma_wait3A_48 = arith.constant 77 : i32
    %dma_wait3A_49 = arith.constant 0 : i32
    %dma_wait3A_50 = tpu.memref_slice %arg7[%dma_wait3A_48, %dma_wait3A_49] : memref<78x128xi32, #tpu.memory_space<vmem>> -> memref<1x128xi32, #tpu.memory_space<vmem>>
    %dma_wait3A_51 = tpu.memref_squeeze %dma_wait3A_50 : memref<1x128xi32, #tpu.memory_space<vmem>> -> memref<128xi32, #tpu.memory_space<vmem>>
    %dma_wait3A_52 = arith.constant 0 : i32
    %dma_wait3A_53 = arith.constant 0 : i32
    %dma_wait3A_54 = tpu.memref_slice %arg15[%dma_wait3A_52, %dma_wait3A_53] : memref<10240x24xf32, #tpu.memory_space<vmem_shared>> -> memref<10240x24xf32, #tpu.memory_space<vmem_shared>>
    tpu.wait_indirect_dma semaphore(%arg23 : memref<!tpu.dma_semaphore, #tpu.memory_space<semaphore_mem>>) src(%arg13 : memref<128x24xf32, #tpu.memory_space<vmem>>) dst(%dma_wait3A_54 : memref<10240x24xf32, #tpu.memory_space<vmem_shared>>)
    %lt3A_55 = arith.constant 4 : i32
    %lt3A_56 = arith.cmpi slt, %add3A, %lt3A_55 : i32
    %convert_element_type3A_57 = arith.extui %lt3A_56 : i1 to i32
    %cond3A_58 = arith.constant 0 : i32
    %cond3A_59 = arith.cmpi ne, %convert_element_type3A_57, %cond3A_58 : i32
    scf.if %cond3A_59 {
      %dma_start3A_61 = arith.constant 0 : i32
      %dma_start3A_62 = arith.constant 0 : i32
      %dma_start3A_63 = tpu.memref_slice %arg8[%dma_start3A_61, %dma_start3A_62] : memref<1x128xi32, #tpu.memory_space<vmem>> -> memref<1x128xi32, #tpu.memory_space<vmem>>
      %dma_start3A_64 = tpu.memref_squeeze %dma_start3A_63 : memref<1x128xi32, #tpu.memory_space<vmem>> -> memref<128xi32, #tpu.memory_space<vmem>>
      %dma_start3A_65 = arith.constant 0 : i32
      %dma_start3A_66 = arith.constant 0 : i32
      %dma_start3A_67 = tpu.memref_slice %arg14[%dma_start3A_65, %dma_start3A_66] : memref<10240x24xf32, #tpu.memory_space<vmem_shared>> -> memref<10240x24xf32, #tpu.memory_space<vmem_shared>>
      tpu.enqueue_indirect_dma source(%dma_start3A_67 : memref<10240x24xf32, #tpu.memory_space<vmem_shared>>) target(%arg10 : memref<128x24xf32, #tpu.memory_space<vmem>>) offsets(%dma_start3A_64 : memref<128xi32, #tpu.memory_space<vmem>>) semaphore(%arg16 : memref<!tpu.dma_semaphore, #tpu.memory_space<semaphore_mem>>)
      %dma_wait3A_68 = arith.constant 0 : i32
      %dma_wait3A_69 = arith.constant 0 : i32
      %dma_wait3A_70 = tpu.memref_slice %arg8[%dma_wait3A_68, %dma_wait3A_69] : memref<1x128xi32, #tpu.memory_space<vmem>> -> memref<1x128xi32, #tpu.memory_space<vmem>>
      %dma_wait3A_71 = tpu.memref_squeeze %dma_wait3A_70 : memref<1x128xi32, #tpu.memory_space<vmem>> -> memref<128xi32, #tpu.memory_space<vmem>>
      %dma_wait3A_72 = arith.constant 0 : i32
      %dma_wait3A_73 = arith.constant 0 : i32
      %dma_wait3A_74 = tpu.memref_slice %arg14[%dma_wait3A_72, %dma_wait3A_73] : memref<10240x24xf32, #tpu.memory_space<vmem_shared>> -> memref<10240x24xf32, #tpu.memory_space<vmem_shared>>
      tpu.wait_indirect_dma semaphore(%arg16 : memref<!tpu.dma_semaphore, #tpu.memory_space<semaphore_mem>>) src(%dma_wait3A_74 : memref<10240x24xf32, #tpu.memory_space<vmem_shared>>) dst(%arg10 : memref<128x24xf32, #tpu.memory_space<vmem>>)
      %run_scoped3A_75 = arith.constant 0 : i32
      "tpu.region"() ({
        %run_scoped3A_76 = tpu.sem_alloc : memref<!tpu.dma_semaphore, #tpu.memory_space<semaphore_mem>>
        %dma_start3A_77 = arith.constant 0 : i32
        %dma_start3A_78 = tpu.memref_slice %arg9[%run_scoped3A_75, %dma_start3A_77] : memref<1x128xi32, #tpu.memory_space<vmem>> -> memref<1x128xi32, #tpu.memory_space<vmem>>
        %dma_start3A_79 = tpu.memref_squeeze %dma_start3A_78 : memref<1x128xi32, #tpu.memory_space<vmem>> -> memref<128xi32, #tpu.memory_space<vmem>>
        %dma_start3A_80 = arith.constant 0 : i32
        %dma_start3A_81 = arith.constant 0 : i32
        %dma_start3A_82 = tpu.memref_slice %arg15[%dma_start3A_80, %dma_start3A_81] : memref<10240x24xf32, #tpu.memory_space<vmem_shared>> -> memref<10240x24xf32, #tpu.memory_space<vmem_shared>>
        tpu.enqueue_indirect_dma source(%arg10 : memref<128x24xf32, #tpu.memory_space<vmem>>) target(%dma_start3A_82 : memref<10240x24xf32, #tpu.memory_space<vmem_shared>>) offsets(%dma_start3A_79 : memref<128xi32, #tpu.memory_space<vmem>>) semaphore(%run_scoped3A_76 : memref<!tpu.dma_semaphore, #tpu.memory_space<semaphore_mem>>) {add = true}
        %dma_wait3A_83 = arith.constant 0 : i32
        %dma_wait3A_84 = tpu.memref_slice %arg9[%run_scoped3A_75, %dma_wait3A_83] : memref<1x128xi32, #tpu.memory_space<vmem>> -> memref<1x128xi32, #tpu.memory_space<vmem>>
        %dma_wait3A_85 = tpu.memref_squeeze %dma_wait3A_84 : memref<1x128xi32, #tpu.memory_space<vmem>> -> memref<128xi32, #tpu.memory_space<vmem>>
        %dma_wait3A_86 = arith.constant 0 : i32
        %dma_wait3A_87 = arith.constant 0 : i32
        %dma_wait3A_88 = tpu.memref_slice %arg15[%dma_wait3A_86, %dma_wait3A_87] : memref<10240x24xf32, #tpu.memory_space<vmem_shared>> -> memref<10240x24xf32, #tpu.memory_space<vmem_shared>>
        tpu.wait_indirect_dma semaphore(%run_scoped3A_76 : memref<!tpu.dma_semaphore, #tpu.memory_space<semaphore_mem>>) src(%arg10 : memref<128x24xf32, #tpu.memory_space<vmem>>) dst(%dma_wait3A_88 : memref<10240x24xf32, #tpu.memory_space<vmem_shared>>)
        tpu.yield
      }) : () -> ()
    } else {
    }
    %barrier3A_60 = arith.constant 0 : index
    tpu.barrier barrier_id(%barrier3A_60)
    "tpu.region"() ({
      %run_scoped3A_61 = tpu.sem_alloc : memref<!tpu.dma_semaphore, #tpu.memory_space<semaphore_mem>>
      %dma_start3A_62 = arith.constant 0 : i32
      %dma_start3A_63 = arith.constant 0 : i32
      %dma_start3A_64 = tpu.memref_slice %arg5[%arg0, %dma_start3A_62, %dma_start3A_63] : memref<2x10240x128xf32, #tpu.memory_space<hbm>> -> memref<1x10240x128xf32, #tpu.memory_space<hbm>>
      %dma_start3A_65 = tpu.memref_squeeze %dma_start3A_64 : memref<1x10240x128xf32, #tpu.memory_space<hbm>> -> memref<10240x128xf32, #tpu.memory_space<hbm>>
      %dma_start3A_66 = arith.constant 0 : i32
      %dma_start3A_67 = tpu.memref_slice %dma_start3A_65[%mul3A_2, %dma_start3A_66] : memref<10240x128xf32, #tpu.memory_space<hbm>> -> memref<640x24xf32, #tpu.memory_space<hbm>>
      %dma_start3A_68 = arith.constant 0 : i32
      %dma_start3A_69 = tpu.memref_slice %arg15[%mul3A_2, %dma_start3A_68] : memref<10240x24xf32, #tpu.memory_space<vmem_shared>> -> memref<640x24xf32, #tpu.memory_space<vmem_shared>>
      tpu.enqueue_dma source(%dma_start3A_69 : memref<640x24xf32, #tpu.memory_space<vmem_shared>>) target(%dma_start3A_67 : memref<640x24xf32, #tpu.memory_space<hbm>>) target_semaphore(%run_scoped3A_61 : memref<!tpu.dma_semaphore, #tpu.memory_space<semaphore_mem>>)
      %dma_wait3A_70 = arith.constant 0 : i32
      %dma_wait3A_71 = arith.constant 0 : i32
      %dma_wait3A_72 = tpu.memref_slice %arg5[%arg0, %dma_wait3A_70, %dma_wait3A_71] : memref<2x10240x128xf32, #tpu.memory_space<hbm>> -> memref<1x10240x128xf32, #tpu.memory_space<hbm>>
      %dma_wait3A_73 = tpu.memref_squeeze %dma_wait3A_72 : memref<1x10240x128xf32, #tpu.memory_space<hbm>> -> memref<10240x128xf32, #tpu.memory_space<hbm>>
      %dma_wait3A_74 = arith.constant 0 : i32
      %dma_wait3A_75 = tpu.memref_slice %dma_wait3A_73[%mul3A_2, %dma_wait3A_74] : memref<10240x128xf32, #tpu.memory_space<hbm>> -> memref<640x24xf32, #tpu.memory_space<hbm>>
      %dma_wait3A_76 = arith.constant 0 : i32
      %dma_wait3A_77 = tpu.memref_slice %arg15[%mul3A_2, %dma_wait3A_76] : memref<10240x24xf32, #tpu.memory_space<vmem_shared>> -> memref<640x24xf32, #tpu.memory_space<vmem_shared>>
      tpu.wait_dma2 semaphore(%run_scoped3A_61 : memref<!tpu.dma_semaphore, #tpu.memory_space<semaphore_mem>>) src(%dma_wait3A_77 : memref<640x24xf32, #tpu.memory_space<vmem_shared>>) dst(%dma_wait3A_75 : memref<640x24xf32, #tpu.memory_space<hbm>>)
      tpu.yield
    }) : () -> ()
    return
  }
}

#map = affine_map<(d0, d1) -> (0, 0, 0)>
#map1 = affine_map<(d0, d1) -> (0)>
#map2 = affine_map<(d0, d1) -> (0, 0)>
module attributes {stable_mosaic.version = 14 : i64} {
  func.func @k(%arg0: i32, %arg1: i32, %arg2: memref<2x2500x128xi32, #tpu.memory_space<hbm>>, %arg3: memref<10240xf32, #tpu.memory_space<hbm>>, %arg4: memref<2x10240xf32, #tpu.memory_space<hbm>>, %arg5: memref<78x128xi32, #tpu.memory_space<vmem>>, %arg6: memref<1x128xi32, #tpu.memory_space<vmem>>, %arg7: memref<128xf32, #tpu.memory_space<vmem>>, %arg8: memref<10240xf32, #tpu.memory_space<vmem_shared>>, %arg9: memref<!tpu.dma_semaphore, #tpu.memory_space<semaphore_mem>>) attributes {dimension_semantics = [#tpu.dimension_semantics<core_parallel>, #tpu.dimension_semantics<subcore_parallel>], iteration_bounds = array<i64: 2, 16>, scalar_prefetch = 0 : i64, scratch_operands = 5 : i64, tpu.core_type = #tpu.core_type<sc_vector_subcore>, window_params = [{transform_indices = #map}, {transform_indices = #map1}, {transform_indices = #map2}]} {
    %mul3A = arith.constant 16 : i32
    %mul3A_0 = arith.muli %arg0, %mul3A : i32
    %add3A = arith.addi %mul3A_0, %arg1 : i32
    %broadcast_in_dim3A = arith.constant 1.000000e+00 : f32
    %broadcast_in_dim3A_1 = vector.broadcast %broadcast_in_dim3A : f32 to vector<16xf32>
    %swap3A = arith.constant 0 : index
    %swap3A_2 = tpu.vector_load %arg7[%swap3A] {strides = array<i32>} : memref<128xf32, #tpu.memory_space<vmem>>, vector<16xf32>,
    %swap3A_3 = vector.shape_cast %swap3A_2 : vector<16xf32> to vector<16xf32>
    %swap3A_4 = vector.shape_cast %broadcast_in_dim3A_1 : vector<16xf32> to vector<16xf32>
    tpu.vector_store %arg7[%swap3A], %swap3A_4 {strides = array<i32>} : memref<128xf32, #tpu.memory_space<vmem>>, vector<16xf32>,
    %broadcast_in_dim3A_5 = arith.constant 1.000000e+00 : f32
    %broadcast_in_dim3A_6 = vector.broadcast %broadcast_in_dim3A_5 : f32 to vector<16xf32>
    %swap3A_7 = arith.constant 16 : index
    %swap3A_8 = tpu.vector_load %arg7[%swap3A_7] {strides = array<i32>} : memref<128xf32, #tpu.memory_space<vmem>>, vector<16xf32>,
    %swap3A_9 = vector.shape_cast %swap3A_8 : vector<16xf32> to vector<16xf32>
    %swap3A_10 = vector.shape_cast %broadcast_in_dim3A_6 : vector<16xf32> to vector<16xf32>
    tpu.vector_store %arg7[%swap3A_7], %swap3A_10 {strides = array<i32>} : memref<128xf32, #tpu.memory_space<vmem>>, vector<16xf32>,
    %broadcast_in_dim3A_11 = arith.constant 1.000000e+00 : f32
    %broadcast_in_dim3A_12 = vector.broadcast %broadcast_in_dim3A_11 : f32 to vector<16xf32>
    %swap3A_13 = arith.constant 32 : index
    %swap3A_14 = tpu.vector_load %arg7[%swap3A_13] {strides = array<i32>} : memref<128xf32, #tpu.memory_space<vmem>>, vector<16xf32>,
    %swap3A_15 = vector.shape_cast %swap3A_14 : vector<16xf32> to vector<16xf32>
    %swap3A_16 = vector.shape_cast %broadcast_in_dim3A_12 : vector<16xf32> to vector<16xf32>
    tpu.vector_store %arg7[%swap3A_13], %swap3A_16 {strides = array<i32>} : memref<128xf32, #tpu.memory_space<vmem>>, vector<16xf32>,
    %broadcast_in_dim3A_17 = arith.constant 1.000000e+00 : f32
    %broadcast_in_dim3A_18 = vector.broadcast %broadcast_in_dim3A_17 : f32 to vector<16xf32>
    %swap3A_19 = arith.constant 48 : index
    %swap3A_20 = tpu.vector_load %arg7[%swap3A_19] {strides = array<i32>} : memref<128xf32, #tpu.memory_space<vmem>>, vector<16xf32>,
    %swap3A_21 = vector.shape_cast %swap3A_20 : vector<16xf32> to vector<16xf32>
    %swap3A_22 = vector.shape_cast %broadcast_in_dim3A_18 : vector<16xf32> to vector<16xf32>
    tpu.vector_store %arg7[%swap3A_19], %swap3A_22 {strides = array<i32>} : memref<128xf32, #tpu.memory_space<vmem>>, vector<16xf32>,
    %broadcast_in_dim3A_23 = arith.constant 1.000000e+00 : f32
    %broadcast_in_dim3A_24 = vector.broadcast %broadcast_in_dim3A_23 : f32 to vector<16xf32>
    %swap3A_25 = arith.constant 64 : index
    %swap3A_26 = tpu.vector_load %arg7[%swap3A_25] {strides = array<i32>} : memref<128xf32, #tpu.memory_space<vmem>>, vector<16xf32>,
    %swap3A_27 = vector.shape_cast %swap3A_26 : vector<16xf32> to vector<16xf32>
    %swap3A_28 = vector.shape_cast %broadcast_in_dim3A_24 : vector<16xf32> to vector<16xf32>
    tpu.vector_store %arg7[%swap3A_25], %swap3A_28 {strides = array<i32>} : memref<128xf32, #tpu.memory_space<vmem>>, vector<16xf32>,
    %broadcast_in_dim3A_29 = arith.constant 1.000000e+00 : f32
    %broadcast_in_dim3A_30 = vector.broadcast %broadcast_in_dim3A_29 : f32 to vector<16xf32>
    %swap3A_31 = arith.constant 80 : index
    %swap3A_32 = tpu.vector_load %arg7[%swap3A_31] {strides = array<i32>} : memref<128xf32, #tpu.memory_space<vmem>>, vector<16xf32>,
    %swap3A_33 = vector.shape_cast %swap3A_32 : vector<16xf32> to vector<16xf32>
    %swap3A_34 = vector.shape_cast %broadcast_in_dim3A_30 : vector<16xf32> to vector<16xf32>
    tpu.vector_store %arg7[%swap3A_31], %swap3A_34 {strides = array<i32>} : memref<128xf32, #tpu.memory_space<vmem>>, vector<16xf32>,
    %broadcast_in_dim3A_35 = arith.constant 1.000000e+00 : f32
    %broadcast_in_dim3A_36 = vector.broadcast %broadcast_in_dim3A_35 : f32 to vector<16xf32>
    %swap3A_37 = arith.constant 96 : index
    %swap3A_38 = tpu.vector_load %arg7[%swap3A_37] {strides = array<i32>} : memref<128xf32, #tpu.memory_space<vmem>>, vector<16xf32>,
    %swap3A_39 = vector.shape_cast %swap3A_38 : vector<16xf32> to vector<16xf32>
    %swap3A_40 = vector.shape_cast %broadcast_in_dim3A_36 : vector<16xf32> to vector<16xf32>
    tpu.vector_store %arg7[%swap3A_37], %swap3A_40 {strides = array<i32>} : memref<128xf32, #tpu.memory_space<vmem>>, vector<16xf32>,
    %broadcast_in_dim3A_41 = arith.constant 1.000000e+00 : f32
    %broadcast_in_dim3A_42 = vector.broadcast %broadcast_in_dim3A_41 : f32 to vector<16xf32>
    %swap3A_43 = arith.constant 112 : index
    %swap3A_44 = tpu.vector_load %arg7[%swap3A_43] {strides = array<i32>} : memref<128xf32, #tpu.memory_space<vmem>>, vector<16xf32>,
    %swap3A_45 = vector.shape_cast %swap3A_44 : vector<16xf32> to vector<16xf32>
    %swap3A_46 = vector.shape_cast %broadcast_in_dim3A_42 : vector<16xf32> to vector<16xf32>
    tpu.vector_store %arg7[%swap3A_43], %swap3A_46 {strides = array<i32>} : memref<128xf32, #tpu.memory_space<vmem>>, vector<16xf32>,
    %mul3A_47 = arith.constant 640 : i32
    %mul3A_48 = arith.muli %arg1, %mul3A_47 : i32
    "tpu.region"() ({
      %run_scoped3A_64 = tpu.sem_alloc : memref<!tpu.dma_semaphore, #tpu.memory_space<semaphore_mem>>
      %dma_start3A = tpu.memref_slice %arg8[%mul3A_48] : memref<10240xf32, #tpu.memory_space<vmem_shared>> -> memref<640xf32, #tpu.memory_space<vmem_shared>>
      %dma_start3A_65 = tpu.memref_slice %arg3[%mul3A_48] : memref<10240xf32, #tpu.memory_space<hbm>> -> memref<640xf32, #tpu.memory_space<hbm>>
      tpu.enqueue_dma source(%dma_start3A_65 : memref<640xf32, #tpu.memory_space<hbm>>) target(%dma_start3A : memref<640xf32, #tpu.memory_space<vmem_shared>>) target_semaphore(%run_scoped3A_64 : memref<!tpu.dma_semaphore, #tpu.memory_space<semaphore_mem>>)
      %dma_wait3A = tpu.memref_slice %arg8[%mul3A_48] : memref<10240xf32, #tpu.memory_space<vmem_shared>> -> memref<640xf32, #tpu.memory_space<vmem_shared>>
      %dma_wait3A_66 = tpu.memref_slice %arg3[%mul3A_48] : memref<10240xf32, #tpu.memory_space<hbm>> -> memref<640xf32, #tpu.memory_space<hbm>>
      tpu.wait_dma2 semaphore(%run_scoped3A_64 : memref<!tpu.dma_semaphore, #tpu.memory_space<semaphore_mem>>) src(%dma_wait3A_66 : memref<640xf32, #tpu.memory_space<hbm>>) dst(%dma_wait3A : memref<640xf32, #tpu.memory_space<vmem_shared>>)
      tpu.yield
    }) : () -> ()
    %mul3A_49 = arith.constant 78 : i32
    %mul3A_50 = arith.muli %add3A, %mul3A_49 : i32
    %run_scoped3A = arith.constant 1 : i32
    "tpu.region"() ({
      %run_scoped3A_64 = tpu.sem_alloc : memref<!tpu.dma_semaphore, #tpu.memory_space<semaphore_mem>>
      %dma_start3A = arith.constant 0 : i32
      %dma_start3A_65 = arith.constant 0 : i32
      %dma_start3A_66 = tpu.memref_slice %arg2[%run_scoped3A, %dma_start3A, %dma_start3A_65] : memref<2x2500x128xi32, #tpu.memory_space<hbm>> -> memref<1x2500x128xi32, #tpu.memory_space<hbm>>
      %dma_start3A_67 = tpu.memref_squeeze %dma_start3A_66 : memref<1x2500x128xi32, #tpu.memory_space<hbm>> -> memref<2500x128xi32, #tpu.memory_space<hbm>>
      %dma_start3A_68 = arith.constant 0 : i32
      %dma_start3A_69 = tpu.memref_slice %dma_start3A_67[%mul3A_50, %dma_start3A_68] : memref<2500x128xi32, #tpu.memory_space<hbm>> -> memref<78x128xi32, #tpu.memory_space<hbm>>
      %dma_start3A_70 = arith.constant 0 : i32
      %dma_start3A_71 = arith.constant 0 : i32
      %dma_start3A_72 = tpu.memref_slice %arg2[%run_scoped3A, %dma_start3A_70, %dma_start3A_71] : memref<2x2500x128xi32, #tpu.memory_space<hbm>> -> memref<1x2500x128xi32, #tpu.memory_space<hbm>>
      %dma_start3A_73 = tpu.memref_squeeze %dma_start3A_72 : memref<1x2500x128xi32, #tpu.memory_space<hbm>> -> memref<2500x128xi32, #tpu.memory_space<hbm>>
      %dma_start3A_74 = arith.constant 0 : i32
      %dma_start3A_75 = tpu.memref_slice %dma_start3A_73[%mul3A_50, %dma_start3A_74] : memref<2500x128xi32, #tpu.memory_space<hbm>> -> memref<78x128xi32, #tpu.memory_space<hbm>>
      tpu.enqueue_dma source(%dma_start3A_75 : memref<78x128xi32, #tpu.memory_space<hbm>>) target(%arg5 : memref<78x128xi32, #tpu.memory_space<vmem>>) target_semaphore(%run_scoped3A_64 : memref<!tpu.dma_semaphore, #tpu.memory_space<semaphore_mem>>)
      %dma_wait3A = arith.constant 0 : i32
      %dma_wait3A_76 = arith.constant 0 : i32
      %dma_wait3A_77 = tpu.memref_slice %arg2[%run_scoped3A, %dma_wait3A, %dma_wait3A_76] : memref<2x2500x128xi32, #tpu.memory_space<hbm>> -> memref<1x2500x128xi32, #tpu.memory_space<hbm>>
      %dma_wait3A_78 = tpu.memref_squeeze %dma_wait3A_77 : memref<1x2500x128xi32, #tpu.memory_space<hbm>> -> memref<2500x128xi32, #tpu.memory_space<hbm>>
      %dma_wait3A_79 = arith.constant 0 : i32
      %dma_wait3A_80 = tpu.memref_slice %dma_wait3A_78[%mul3A_50, %dma_wait3A_79] : memref<2500x128xi32, #tpu.memory_space<hbm>> -> memref<78x128xi32, #tpu.memory_space<hbm>>
      %dma_wait3A_81 = arith.constant 0 : i32
      %dma_wait3A_82 = arith.constant 0 : i32
      %dma_wait3A_83 = tpu.memref_slice %arg2[%run_scoped3A, %dma_wait3A_81, %dma_wait3A_82] : memref<2x2500x128xi32, #tpu.memory_space<hbm>> -> memref<1x2500x128xi32, #tpu.memory_space<hbm>>
      %dma_wait3A_84 = tpu.memref_squeeze %dma_wait3A_83 : memref<1x2500x128xi32, #tpu.memory_space<hbm>> -> memref<2500x128xi32, #tpu.memory_space<hbm>>
      %dma_wait3A_85 = arith.constant 0 : i32
      %dma_wait3A_86 = tpu.memref_slice %dma_wait3A_84[%mul3A_50, %dma_wait3A_85] : memref<2500x128xi32, #tpu.memory_space<hbm>> -> memref<78x128xi32, #tpu.memory_space<hbm>>
      tpu.wait_dma2 semaphore(%run_scoped3A_64 : memref<!tpu.dma_semaphore, #tpu.memory_space<semaphore_mem>>) src(%dma_wait3A_86 : memref<78x128xi32, #tpu.memory_space<hbm>>) dst(%arg5 : memref<78x128xi32, #tpu.memory_space<vmem>>)
      tpu.yield
    }) : () -> ()
    %lt3A = arith.constant 4 : i32
    %lt3A_51 = arith.cmpi slt, %add3A, %lt3A : i32
    %convert_element_type3A = arith.extui %lt3A_51 : i1 to i32
    %cond3A = arith.constant 0 : i32
    %cond3A_52 = arith.cmpi ne, %convert_element_type3A, %cond3A : i32
    scf.if %cond3A_52 {
      %add3A_64 = arith.constant 2496 : i32
      %add3A_65 = arith.addi %add3A_64, %add3A : i32
      %run_scoped3A_66 = arith.constant 1 : i32
      "tpu.region"() ({
        %run_scoped3A_67 = tpu.sem_alloc : memref<!tpu.dma_semaphore, #tpu.memory_space<semaphore_mem>>
        %dma_start3A = arith.constant 0 : i32
        %dma_start3A_68 = arith.constant 0 : i32
        %dma_start3A_69 = tpu.memref_slice %arg2[%run_scoped3A_66, %dma_start3A, %dma_start3A_68] : memref<2x2500x128xi32, #tpu.memory_space<hbm>> -> memref<1x2500x128xi32, #tpu.memory_space<hbm>>
        %dma_start3A_70 = tpu.memref_squeeze %dma_start3A_69 : memref<1x2500x128xi32, #tpu.memory_space<hbm>> -> memref<2500x128xi32, #tpu.memory_space<hbm>>
        %dma_start3A_71 = arith.constant 0 : i32
        %dma_start3A_72 = tpu.memref_slice %dma_start3A_70[%add3A_65, %dma_start3A_71] : memref<2500x128xi32, #tpu.memory_space<hbm>> -> memref<1x128xi32, #tpu.memory_space<hbm>>
        %dma_start3A_73 = arith.constant 0 : i32
        %dma_start3A_74 = arith.constant 0 : i32
        %dma_start3A_75 = tpu.memref_slice %arg2[%run_scoped3A_66, %dma_start3A_73, %dma_start3A_74] : memref<2x2500x128xi32, #tpu.memory_space<hbm>> -> memref<1x2500x128xi32, #tpu.memory_space<hbm>>
        %dma_start3A_76 = tpu.memref_squeeze %dma_start3A_75 : memref<1x2500x128xi32, #tpu.memory_space<hbm>> -> memref<2500x128xi32, #tpu.memory_space<hbm>>
        %dma_start3A_77 = arith.constant 0 : i32
        %dma_start3A_78 = tpu.memref_slice %dma_start3A_76[%add3A_65, %dma_start3A_77] : memref<2500x128xi32, #tpu.memory_space<hbm>> -> memref<1x128xi32, #tpu.memory_space<hbm>>
        tpu.enqueue_dma source(%dma_start3A_78 : memref<1x128xi32, #tpu.memory_space<hbm>>) target(%arg6 : memref<1x128xi32, #tpu.memory_space<vmem>>) target_semaphore(%run_scoped3A_67 : memref<!tpu.dma_semaphore, #tpu.memory_space<semaphore_mem>>)
        %dma_wait3A = arith.constant 0 : i32
        %dma_wait3A_79 = arith.constant 0 : i32
        %dma_wait3A_80 = tpu.memref_slice %arg2[%run_scoped3A_66, %dma_wait3A, %dma_wait3A_79] : memref<2x2500x128xi32, #tpu.memory_space<hbm>> -> memref<1x2500x128xi32, #tpu.memory_space<hbm>>
        %dma_wait3A_81 = tpu.memref_squeeze %dma_wait3A_80 : memref<1x2500x128xi32, #tpu.memory_space<hbm>> -> memref<2500x128xi32, #tpu.memory_space<hbm>>
        %dma_wait3A_82 = arith.constant 0 : i32
        %dma_wait3A_83 = tpu.memref_slice %dma_wait3A_81[%add3A_65, %dma_wait3A_82] : memref<2500x128xi32, #tpu.memory_space<hbm>> -> memref<1x128xi32, #tpu.memory_space<hbm>>
        %dma_wait3A_84 = arith.constant 0 : i32
        %dma_wait3A_85 = arith.constant 0 : i32
        %dma_wait3A_86 = tpu.memref_slice %arg2[%run_scoped3A_66, %dma_wait3A_84, %dma_wait3A_85] : memref<2x2500x128xi32, #tpu.memory_space<hbm>> -> memref<1x2500x128xi32, #tpu.memory_space<hbm>>
        %dma_wait3A_87 = tpu.memref_squeeze %dma_wait3A_86 : memref<1x2500x128xi32, #tpu.memory_space<hbm>> -> memref<2500x128xi32, #tpu.memory_space<hbm>>
        %dma_wait3A_88 = arith.constant 0 : i32
        %dma_wait3A_89 = tpu.memref_slice %dma_wait3A_87[%add3A_65, %dma_wait3A_88] : memref<2500x128xi32, #tpu.memory_space<hbm>> -> memref<1x128xi32, #tpu.memory_space<hbm>>
        tpu.wait_dma2 semaphore(%run_scoped3A_67 : memref<!tpu.dma_semaphore, #tpu.memory_space<semaphore_mem>>) src(%dma_wait3A_89 : memref<1x128xi32, #tpu.memory_space<hbm>>) dst(%arg6 : memref<1x128xi32, #tpu.memory_space<vmem>>)
        tpu.yield
      }) : () -> ()
    } else {
    }
    %barrier3A = arith.constant 0 : index
    tpu.barrier barrier_id(%barrier3A)
    %scan3A = arith.constant 0 : i32
    %scan3A_53 = arith.constant 0 : i32
    %scan3A_54 = arith.constant 6 : i32
    %scan3A_55 = arith.addi %scan3A_53, %scan3A_54 : i32
    %scan3A_56 = arith.constant 1 : i32
    scf.for %scan3A_64 = %scan3A_53 to %scan3A_55 step %scan3A_56  : i32 {
      %mul3A_65 = arith.constant 13 : i32
      %mul3A_66 = arith.muli %scan3A_64, %mul3A_65 : i32
      %add3A_67 = arith.constant 0 : i32
      %add3A_68 = arith.addi %mul3A_66, %add3A_67 : i32
      %dma_start3A = arith.constant 0 : i32
      %dma_start3A_69 = tpu.memref_slice %arg5[%add3A_68, %dma_start3A] : memref<78x128xi32, #tpu.memory_space<vmem>> -> memref<1x128xi32, #tpu.memory_space<vmem>>
      %dma_start3A_70 = tpu.memref_squeeze %dma_start3A_69 : memref<1x128xi32, #tpu.memory_space<vmem>> -> memref<128xi32, #tpu.memory_space<vmem>>
      %dma_start3A_71 = arith.constant 0 : i32
      %dma_start3A_72 = tpu.memref_slice %arg8[%dma_start3A_71] : memref<10240xf32, #tpu.memory_space<vmem_shared>> -> memref<10240xf32, #tpu.memory_space<vmem_shared>>
      tpu.enqueue_indirect_dma source(%arg7 : memref<128xf32, #tpu.memory_space<vmem>>) target(%dma_start3A_72 : memref<10240xf32, #tpu.memory_space<vmem_shared>>) offsets(%dma_start3A_70 : memref<128xi32, #tpu.memory_space<vmem>>) semaphore(%arg9 : memref<!tpu.dma_semaphore, #tpu.memory_space<semaphore_mem>>) {add = true}
      %add3A_73 = arith.constant 1 : i32
      %add3A_74 = arith.addi %mul3A_66, %add3A_73 : i32
      %dma_start3A_75 = arith.constant 0 : i32
      %dma_start3A_76 = tpu.memref_slice %arg5[%add3A_74, %dma_start3A_75] : memref<78x128xi32, #tpu.memory_space<vmem>> -> memref<1x128xi32, #tpu.memory_space<vmem>>
      %dma_start3A_77 = tpu.memref_squeeze %dma_start3A_76 : memref<1x128xi32, #tpu.memory_space<vmem>> -> memref<128xi32, #tpu.memory_space<vmem>>
      %dma_start3A_78 = arith.constant 0 : i32
      %dma_start3A_79 = tpu.memref_slice %arg8[%dma_start3A_78] : memref<10240xf32, #tpu.memory_space<vmem_shared>> -> memref<10240xf32, #tpu.memory_space<vmem_shared>>
      tpu.enqueue_indirect_dma source(%arg7 : memref<128xf32, #tpu.memory_space<vmem>>) target(%dma_start3A_79 : memref<10240xf32, #tpu.memory_space<vmem_shared>>) offsets(%dma_start3A_77 : memref<128xi32, #tpu.memory_space<vmem>>) semaphore(%arg9 : memref<!tpu.dma_semaphore, #tpu.memory_space<semaphore_mem>>) {add = true}
      %add3A_80 = arith.constant 2 : i32
      %add3A_81 = arith.addi %mul3A_66, %add3A_80 : i32
      %dma_start3A_82 = arith.constant 0 : i32
      %dma_start3A_83 = tpu.memref_slice %arg5[%add3A_81, %dma_start3A_82] : memref<78x128xi32, #tpu.memory_space<vmem>> -> memref<1x128xi32, #tpu.memory_space<vmem>>
      %dma_start3A_84 = tpu.memref_squeeze %dma_start3A_83 : memref<1x128xi32, #tpu.memory_space<vmem>> -> memref<128xi32, #tpu.memory_space<vmem>>
      %dma_start3A_85 = arith.constant 0 : i32
      %dma_start3A_86 = tpu.memref_slice %arg8[%dma_start3A_85] : memref<10240xf32, #tpu.memory_space<vmem_shared>> -> memref<10240xf32, #tpu.memory_space<vmem_shared>>
      tpu.enqueue_indirect_dma source(%arg7 : memref<128xf32, #tpu.memory_space<vmem>>) target(%dma_start3A_86 : memref<10240xf32, #tpu.memory_space<vmem_shared>>) offsets(%dma_start3A_84 : memref<128xi32, #tpu.memory_space<vmem>>) semaphore(%arg9 : memref<!tpu.dma_semaphore, #tpu.memory_space<semaphore_mem>>) {add = true}
      %add3A_87 = arith.constant 3 : i32
      %add3A_88 = arith.addi %mul3A_66, %add3A_87 : i32
      %dma_start3A_89 = arith.constant 0 : i32
      %dma_start3A_90 = tpu.memref_slice %arg5[%add3A_88, %dma_start3A_89] : memref<78x128xi32, #tpu.memory_space<vmem>> -> memref<1x128xi32, #tpu.memory_space<vmem>>
      %dma_start3A_91 = tpu.memref_squeeze %dma_start3A_90 : memref<1x128xi32, #tpu.memory_space<vmem>> -> memref<128xi32, #tpu.memory_space<vmem>>
      %dma_start3A_92 = arith.constant 0 : i32
      %dma_start3A_93 = tpu.memref_slice %arg8[%dma_start3A_92] : memref<10240xf32, #tpu.memory_space<vmem_shared>> -> memref<10240xf32, #tpu.memory_space<vmem_shared>>
      tpu.enqueue_indirect_dma source(%arg7 : memref<128xf32, #tpu.memory_space<vmem>>) target(%dma_start3A_93 : memref<10240xf32, #tpu.memory_space<vmem_shared>>) offsets(%dma_start3A_91 : memref<128xi32, #tpu.memory_space<vmem>>) semaphore(%arg9 : memref<!tpu.dma_semaphore, #tpu.memory_space<semaphore_mem>>) {add = true}
      %add3A_94 = arith.constant 4 : i32
      %add3A_95 = arith.addi %mul3A_66, %add3A_94 : i32
      %dma_start3A_96 = arith.constant 0 : i32
      %dma_start3A_97 = tpu.memref_slice %arg5[%add3A_95, %dma_start3A_96] : memref<78x128xi32, #tpu.memory_space<vmem>> -> memref<1x128xi32, #tpu.memory_space<vmem>>
      %dma_start3A_98 = tpu.memref_squeeze %dma_start3A_97 : memref<1x128xi32, #tpu.memory_space<vmem>> -> memref<128xi32, #tpu.memory_space<vmem>>
      %dma_start3A_99 = arith.constant 0 : i32
      %dma_start3A_100 = tpu.memref_slice %arg8[%dma_start3A_99] : memref<10240xf32, #tpu.memory_space<vmem_shared>> -> memref<10240xf32, #tpu.memory_space<vmem_shared>>
      tpu.enqueue_indirect_dma source(%arg7 : memref<128xf32, #tpu.memory_space<vmem>>) target(%dma_start3A_100 : memref<10240xf32, #tpu.memory_space<vmem_shared>>) offsets(%dma_start3A_98 : memref<128xi32, #tpu.memory_space<vmem>>) semaphore(%arg9 : memref<!tpu.dma_semaphore, #tpu.memory_space<semaphore_mem>>) {add = true}
      %add3A_101 = arith.constant 5 : i32
      %add3A_102 = arith.addi %mul3A_66, %add3A_101 : i32
      %dma_start3A_103 = arith.constant 0 : i32
      %dma_start3A_104 = tpu.memref_slice %arg5[%add3A_102, %dma_start3A_103] : memref<78x128xi32, #tpu.memory_space<vmem>> -> memref<1x128xi32, #tpu.memory_space<vmem>>
      %dma_start3A_105 = tpu.memref_squeeze %dma_start3A_104 : memref<1x128xi32, #tpu.memory_space<vmem>> -> memref<128xi32, #tpu.memory_space<vmem>>
      %dma_start3A_106 = arith.constant 0 : i32
      %dma_start3A_107 = tpu.memref_slice %arg8[%dma_start3A_106] : memref<10240xf32, #tpu.memory_space<vmem_shared>> -> memref<10240xf32, #tpu.memory_space<vmem_shared>>
      tpu.enqueue_indirect_dma source(%arg7 : memref<128xf32, #tpu.memory_space<vmem>>) target(%dma_start3A_107 : memref<10240xf32, #tpu.memory_space<vmem_shared>>) offsets(%dma_start3A_105 : memref<128xi32, #tpu.memory_space<vmem>>) semaphore(%arg9 : memref<!tpu.dma_semaphore, #tpu.memory_space<semaphore_mem>>) {add = true}
      %add3A_108 = arith.constant 6 : i32
      %add3A_109 = arith.addi %mul3A_66, %add3A_108 : i32
      %dma_start3A_110 = arith.constant 0 : i32
      %dma_start3A_111 = tpu.memref_slice %arg5[%add3A_109, %dma_start3A_110] : memref<78x128xi32, #tpu.memory_space<vmem>> -> memref<1x128xi32, #tpu.memory_space<vmem>>
      %dma_start3A_112 = tpu.memref_squeeze %dma_start3A_111 : memref<1x128xi32, #tpu.memory_space<vmem>> -> memref<128xi32, #tpu.memory_space<vmem>>
      %dma_start3A_113 = arith.constant 0 : i32
      %dma_start3A_114 = tpu.memref_slice %arg8[%dma_start3A_113] : memref<10240xf32, #tpu.memory_space<vmem_shared>> -> memref<10240xf32, #tpu.memory_space<vmem_shared>>
      tpu.enqueue_indirect_dma source(%arg7 : memref<128xf32, #tpu.memory_space<vmem>>) target(%dma_start3A_114 : memref<10240xf32, #tpu.memory_space<vmem_shared>>) offsets(%dma_start3A_112 : memref<128xi32, #tpu.memory_space<vmem>>) semaphore(%arg9 : memref<!tpu.dma_semaphore, #tpu.memory_space<semaphore_mem>>) {add = true}
      %add3A_115 = arith.constant 7 : i32
      %add3A_116 = arith.addi %mul3A_66, %add3A_115 : i32
      %dma_start3A_117 = arith.constant 0 : i32
      %dma_start3A_118 = tpu.memref_slice %arg5[%add3A_116, %dma_start3A_117] : memref<78x128xi32, #tpu.memory_space<vmem>> -> memref<1x128xi32, #tpu.memory_space<vmem>>
      %dma_start3A_119 = tpu.memref_squeeze %dma_start3A_118 : memref<1x128xi32, #tpu.memory_space<vmem>> -> memref<128xi32, #tpu.memory_space<vmem>>
      %dma_start3A_120 = arith.constant 0 : i32
      %dma_start3A_121 = tpu.memref_slice %arg8[%dma_start3A_120] : memref<10240xf32, #tpu.memory_space<vmem_shared>> -> memref<10240xf32, #tpu.memory_space<vmem_shared>>
      tpu.enqueue_indirect_dma source(%arg7 : memref<128xf32, #tpu.memory_space<vmem>>) target(%dma_start3A_121 : memref<10240xf32, #tpu.memory_space<vmem_shared>>) offsets(%dma_start3A_119 : memref<128xi32, #tpu.memory_space<vmem>>) semaphore(%arg9 : memref<!tpu.dma_semaphore, #tpu.memory_space<semaphore_mem>>) {add = true}
      %add3A_122 = arith.constant 8 : i32
      %add3A_123 = arith.addi %mul3A_66, %add3A_122 : i32
      %dma_start3A_124 = arith.constant 0 : i32
      %dma_start3A_125 = tpu.memref_slice %arg5[%add3A_123, %dma_start3A_124] : memref<78x128xi32, #tpu.memory_space<vmem>> -> memref<1x128xi32, #tpu.memory_space<vmem>>
      %dma_start3A_126 = tpu.memref_squeeze %dma_start3A_125 : memref<1x128xi32, #tpu.memory_space<vmem>> -> memref<128xi32, #tpu.memory_space<vmem>>
      %dma_start3A_127 = arith.constant 0 : i32
      %dma_start3A_128 = tpu.memref_slice %arg8[%dma_start3A_127] : memref<10240xf32, #tpu.memory_space<vmem_shared>> -> memref<10240xf32, #tpu.memory_space<vmem_shared>>
      tpu.enqueue_indirect_dma source(%arg7 : memref<128xf32, #tpu.memory_space<vmem>>) target(%dma_start3A_128 : memref<10240xf32, #tpu.memory_space<vmem_shared>>) offsets(%dma_start3A_126 : memref<128xi32, #tpu.memory_space<vmem>>) semaphore(%arg9 : memref<!tpu.dma_semaphore, #tpu.memory_space<semaphore_mem>>) {add = true}
      %add3A_129 = arith.constant 9 : i32
      %add3A_130 = arith.addi %mul3A_66, %add3A_129 : i32
      %dma_start3A_131 = arith.constant 0 : i32
      %dma_start3A_132 = tpu.memref_slice %arg5[%add3A_130, %dma_start3A_131] : memref<78x128xi32, #tpu.memory_space<vmem>> -> memref<1x128xi32, #tpu.memory_space<vmem>>
      %dma_start3A_133 = tpu.memref_squeeze %dma_start3A_132 : memref<1x128xi32, #tpu.memory_space<vmem>> -> memref<128xi32, #tpu.memory_space<vmem>>
      %dma_start3A_134 = arith.constant 0 : i32
      %dma_start3A_135 = tpu.memref_slice %arg8[%dma_start3A_134] : memref<10240xf32, #tpu.memory_space<vmem_shared>> -> memref<10240xf32, #tpu.memory_space<vmem_shared>>
      tpu.enqueue_indirect_dma source(%arg7 : memref<128xf32, #tpu.memory_space<vmem>>) target(%dma_start3A_135 : memref<10240xf32, #tpu.memory_space<vmem_shared>>) offsets(%dma_start3A_133 : memref<128xi32, #tpu.memory_space<vmem>>) semaphore(%arg9 : memref<!tpu.dma_semaphore, #tpu.memory_space<semaphore_mem>>) {add = true}
      %add3A_136 = arith.constant 10 : i32
      %add3A_137 = arith.addi %mul3A_66, %add3A_136 : i32
      %dma_start3A_138 = arith.constant 0 : i32
      %dma_start3A_139 = tpu.memref_slice %arg5[%add3A_137, %dma_start3A_138] : memref<78x128xi32, #tpu.memory_space<vmem>> -> memref<1x128xi32, #tpu.memory_space<vmem>>
      %dma_start3A_140 = tpu.memref_squeeze %dma_start3A_139 : memref<1x128xi32, #tpu.memory_space<vmem>> -> memref<128xi32, #tpu.memory_space<vmem>>
      %dma_start3A_141 = arith.constant 0 : i32
      %dma_start3A_142 = tpu.memref_slice %arg8[%dma_start3A_141] : memref<10240xf32, #tpu.memory_space<vmem_shared>> -> memref<10240xf32, #tpu.memory_space<vmem_shared>>
      tpu.enqueue_indirect_dma source(%arg7 : memref<128xf32, #tpu.memory_space<vmem>>) target(%dma_start3A_142 : memref<10240xf32, #tpu.memory_space<vmem_shared>>) offsets(%dma_start3A_140 : memref<128xi32, #tpu.memory_space<vmem>>) semaphore(%arg9 : memref<!tpu.dma_semaphore, #tpu.memory_space<semaphore_mem>>) {add = true}
      %add3A_143 = arith.constant 11 : i32
      %add3A_144 = arith.addi %mul3A_66, %add3A_143 : i32
      %dma_start3A_145 = arith.constant 0 : i32
      %dma_start3A_146 = tpu.memref_slice %arg5[%add3A_144, %dma_start3A_145] : memref<78x128xi32, #tpu.memory_space<vmem>> -> memref<1x128xi32, #tpu.memory_space<vmem>>
      %dma_start3A_147 = tpu.memref_squeeze %dma_start3A_146 : memref<1x128xi32, #tpu.memory_space<vmem>> -> memref<128xi32, #tpu.memory_space<vmem>>
      %dma_start3A_148 = arith.constant 0 : i32
      %dma_start3A_149 = tpu.memref_slice %arg8[%dma_start3A_148] : memref<10240xf32, #tpu.memory_space<vmem_shared>> -> memref<10240xf32, #tpu.memory_space<vmem_shared>>
      tpu.enqueue_indirect_dma source(%arg7 : memref<128xf32, #tpu.memory_space<vmem>>) target(%dma_start3A_149 : memref<10240xf32, #tpu.memory_space<vmem_shared>>) offsets(%dma_start3A_147 : memref<128xi32, #tpu.memory_space<vmem>>) semaphore(%arg9 : memref<!tpu.dma_semaphore, #tpu.memory_space<semaphore_mem>>) {add = true}
      %add3A_150 = arith.constant 12 : i32
      %add3A_151 = arith.addi %mul3A_66, %add3A_150 : i32
      %dma_start3A_152 = arith.constant 0 : i32
      %dma_start3A_153 = tpu.memref_slice %arg5[%add3A_151, %dma_start3A_152] : memref<78x128xi32, #tpu.memory_space<vmem>> -> memref<1x128xi32, #tpu.memory_space<vmem>>
      %dma_start3A_154 = tpu.memref_squeeze %dma_start3A_153 : memref<1x128xi32, #tpu.memory_space<vmem>> -> memref<128xi32, #tpu.memory_space<vmem>>
      %dma_start3A_155 = arith.constant 0 : i32
      %dma_start3A_156 = tpu.memref_slice %arg8[%dma_start3A_155] : memref<10240xf32, #tpu.memory_space<vmem_shared>> -> memref<10240xf32, #tpu.memory_space<vmem_shared>>
      tpu.enqueue_indirect_dma source(%arg7 : memref<128xf32, #tpu.memory_space<vmem>>) target(%dma_start3A_156 : memref<10240xf32, #tpu.memory_space<vmem_shared>>) offsets(%dma_start3A_154 : memref<128xi32, #tpu.memory_space<vmem>>) semaphore(%arg9 : memref<!tpu.dma_semaphore, #tpu.memory_space<semaphore_mem>>) {add = true}
      %add3A_157 = arith.constant 0 : i32
      %add3A_158 = arith.addi %mul3A_66, %add3A_157 : i32
      %dma_wait3A = arith.constant 0 : i32
      %dma_wait3A_159 = tpu.memref_slice %arg5[%add3A_158, %dma_wait3A] : memref<78x128xi32, #tpu.memory_space<vmem>> -> memref<1x128xi32, #tpu.memory_space<vmem>>
      %dma_wait3A_160 = tpu.memref_squeeze %dma_wait3A_159 : memref<1x128xi32, #tpu.memory_space<vmem>> -> memref<128xi32, #tpu.memory_space<vmem>>
      %dma_wait3A_161 = arith.constant 0 : i32
      %dma_wait3A_162 = tpu.memref_slice %arg8[%dma_wait3A_161] : memref<10240xf32, #tpu.memory_space<vmem_shared>> -> memref<10240xf32, #tpu.memory_space<vmem_shared>>
      tpu.wait_indirect_dma semaphore(%arg9 : memref<!tpu.dma_semaphore, #tpu.memory_space<semaphore_mem>>) src(%arg7 : memref<128xf32, #tpu.memory_space<vmem>>) dst(%dma_wait3A_162 : memref<10240xf32, #tpu.memory_space<vmem_shared>>)
      %add3A_163 = arith.constant 1 : i32
      %add3A_164 = arith.addi %mul3A_66, %add3A_163 : i32
      %dma_wait3A_165 = arith.constant 0 : i32
      %dma_wait3A_166 = tpu.memref_slice %arg5[%add3A_164, %dma_wait3A_165] : memref<78x128xi32, #tpu.memory_space<vmem>> -> memref<1x128xi32, #tpu.memory_space<vmem>>
      %dma_wait3A_167 = tpu.memref_squeeze %dma_wait3A_166 : memref<1x128xi32, #tpu.memory_space<vmem>> -> memref<128xi32, #tpu.memory_space<vmem>>
      %dma_wait3A_168 = arith.constant 0 : i32
      %dma_wait3A_169 = tpu.memref_slice %arg8[%dma_wait3A_168] : memref<10240xf32, #tpu.memory_space<vmem_shared>> -> memref<10240xf32, #tpu.memory_space<vmem_shared>>
      tpu.wait_indirect_dma semaphore(%arg9 : memref<!tpu.dma_semaphore, #tpu.memory_space<semaphore_mem>>) src(%arg7 : memref<128xf32, #tpu.memory_space<vmem>>) dst(%dma_wait3A_169 : memref<10240xf32, #tpu.memory_space<vmem_shared>>)
      %add3A_170 = arith.constant 2 : i32
      %add3A_171 = arith.addi %mul3A_66, %add3A_170 : i32
      %dma_wait3A_172 = arith.constant 0 : i32
      %dma_wait3A_173 = tpu.memref_slice %arg5[%add3A_171, %dma_wait3A_172] : memref<78x128xi32, #tpu.memory_space<vmem>> -> memref<1x128xi32, #tpu.memory_space<vmem>>
      %dma_wait3A_174 = tpu.memref_squeeze %dma_wait3A_173 : memref<1x128xi32, #tpu.memory_space<vmem>> -> memref<128xi32, #tpu.memory_space<vmem>>
      %dma_wait3A_175 = arith.constant 0 : i32
      %dma_wait3A_176 = tpu.memref_slice %arg8[%dma_wait3A_175] : memref<10240xf32, #tpu.memory_space<vmem_shared>> -> memref<10240xf32, #tpu.memory_space<vmem_shared>>
      tpu.wait_indirect_dma semaphore(%arg9 : memref<!tpu.dma_semaphore, #tpu.memory_space<semaphore_mem>>) src(%arg7 : memref<128xf32, #tpu.memory_space<vmem>>) dst(%dma_wait3A_176 : memref<10240xf32, #tpu.memory_space<vmem_shared>>)
      %add3A_177 = arith.constant 3 : i32
      %add3A_178 = arith.addi %mul3A_66, %add3A_177 : i32
      %dma_wait3A_179 = arith.constant 0 : i32
      %dma_wait3A_180 = tpu.memref_slice %arg5[%add3A_178, %dma_wait3A_179] : memref<78x128xi32, #tpu.memory_space<vmem>> -> memref<1x128xi32, #tpu.memory_space<vmem>>
      %dma_wait3A_181 = tpu.memref_squeeze %dma_wait3A_180 : memref<1x128xi32, #tpu.memory_space<vmem>> -> memref<128xi32, #tpu.memory_space<vmem>>
      %dma_wait3A_182 = arith.constant 0 : i32
      %dma_wait3A_183 = tpu.memref_slice %arg8[%dma_wait3A_182] : memref<10240xf32, #tpu.memory_space<vmem_shared>> -> memref<10240xf32, #tpu.memory_space<vmem_shared>>
      tpu.wait_indirect_dma semaphore(%arg9 : memref<!tpu.dma_semaphore, #tpu.memory_space<semaphore_mem>>) src(%arg7 : memref<128xf32, #tpu.memory_space<vmem>>) dst(%dma_wait3A_183 : memref<10240xf32, #tpu.memory_space<vmem_shared>>)
      %add3A_184 = arith.constant 4 : i32
      %add3A_185 = arith.addi %mul3A_66, %add3A_184 : i32
      %dma_wait3A_186 = arith.constant 0 : i32
      %dma_wait3A_187 = tpu.memref_slice %arg5[%add3A_185, %dma_wait3A_186] : memref<78x128xi32, #tpu.memory_space<vmem>> -> memref<1x128xi32, #tpu.memory_space<vmem>>
      %dma_wait3A_188 = tpu.memref_squeeze %dma_wait3A_187 : memref<1x128xi32, #tpu.memory_space<vmem>> -> memref<128xi32, #tpu.memory_space<vmem>>
      %dma_wait3A_189 = arith.constant 0 : i32
      %dma_wait3A_190 = tpu.memref_slice %arg8[%dma_wait3A_189] : memref<10240xf32, #tpu.memory_space<vmem_shared>> -> memref<10240xf32, #tpu.memory_space<vmem_shared>>
      tpu.wait_indirect_dma semaphore(%arg9 : memref<!tpu.dma_semaphore, #tpu.memory_space<semaphore_mem>>) src(%arg7 : memref<128xf32, #tpu.memory_space<vmem>>) dst(%dma_wait3A_190 : memref<10240xf32, #tpu.memory_space<vmem_shared>>)
      %add3A_191 = arith.constant 5 : i32
      %add3A_192 = arith.addi %mul3A_66, %add3A_191 : i32
      %dma_wait3A_193 = arith.constant 0 : i32
      %dma_wait3A_194 = tpu.memref_slice %arg5[%add3A_192, %dma_wait3A_193] : memref<78x128xi32, #tpu.memory_space<vmem>> -> memref<1x128xi32, #tpu.memory_space<vmem>>
      %dma_wait3A_195 = tpu.memref_squeeze %dma_wait3A_194 : memref<1x128xi32, #tpu.memory_space<vmem>> -> memref<128xi32, #tpu.memory_space<vmem>>
      %dma_wait3A_196 = arith.constant 0 : i32
      %dma_wait3A_197 = tpu.memref_slice %arg8[%dma_wait3A_196] : memref<10240xf32, #tpu.memory_space<vmem_shared>> -> memref<10240xf32, #tpu.memory_space<vmem_shared>>
      tpu.wait_indirect_dma semaphore(%arg9 : memref<!tpu.dma_semaphore, #tpu.memory_space<semaphore_mem>>) src(%arg7 : memref<128xf32, #tpu.memory_space<vmem>>) dst(%dma_wait3A_197 : memref<10240xf32, #tpu.memory_space<vmem_shared>>)
      %add3A_198 = arith.constant 6 : i32
      %add3A_199 = arith.addi %mul3A_66, %add3A_198 : i32
      %dma_wait3A_200 = arith.constant 0 : i32
      %dma_wait3A_201 = tpu.memref_slice %arg5[%add3A_199, %dma_wait3A_200] : memref<78x128xi32, #tpu.memory_space<vmem>> -> memref<1x128xi32, #tpu.memory_space<vmem>>
      %dma_wait3A_202 = tpu.memref_squeeze %dma_wait3A_201 : memref<1x128xi32, #tpu.memory_space<vmem>> -> memref<128xi32, #tpu.memory_space<vmem>>
      %dma_wait3A_203 = arith.constant 0 : i32
      %dma_wait3A_204 = tpu.memref_slice %arg8[%dma_wait3A_203] : memref<10240xf32, #tpu.memory_space<vmem_shared>> -> memref<10240xf32, #tpu.memory_space<vmem_shared>>
      tpu.wait_indirect_dma semaphore(%arg9 : memref<!tpu.dma_semaphore, #tpu.memory_space<semaphore_mem>>) src(%arg7 : memref<128xf32, #tpu.memory_space<vmem>>) dst(%dma_wait3A_204 : memref<10240xf32, #tpu.memory_space<vmem_shared>>)
      %add3A_205 = arith.constant 7 : i32
      %add3A_206 = arith.addi %mul3A_66, %add3A_205 : i32
      %dma_wait3A_207 = arith.constant 0 : i32
      %dma_wait3A_208 = tpu.memref_slice %arg5[%add3A_206, %dma_wait3A_207] : memref<78x128xi32, #tpu.memory_space<vmem>> -> memref<1x128xi32, #tpu.memory_space<vmem>>
      %dma_wait3A_209 = tpu.memref_squeeze %dma_wait3A_208 : memref<1x128xi32, #tpu.memory_space<vmem>> -> memref<128xi32, #tpu.memory_space<vmem>>
      %dma_wait3A_210 = arith.constant 0 : i32
      %dma_wait3A_211 = tpu.memref_slice %arg8[%dma_wait3A_210] : memref<10240xf32, #tpu.memory_space<vmem_shared>> -> memref<10240xf32, #tpu.memory_space<vmem_shared>>
      tpu.wait_indirect_dma semaphore(%arg9 : memref<!tpu.dma_semaphore, #tpu.memory_space<semaphore_mem>>) src(%arg7 : memref<128xf32, #tpu.memory_space<vmem>>) dst(%dma_wait3A_211 : memref<10240xf32, #tpu.memory_space<vmem_shared>>)
      %add3A_212 = arith.constant 8 : i32
      %add3A_213 = arith.addi %mul3A_66, %add3A_212 : i32
      %dma_wait3A_214 = arith.constant 0 : i32
      %dma_wait3A_215 = tpu.memref_slice %arg5[%add3A_213, %dma_wait3A_214] : memref<78x128xi32, #tpu.memory_space<vmem>> -> memref<1x128xi32, #tpu.memory_space<vmem>>
      %dma_wait3A_216 = tpu.memref_squeeze %dma_wait3A_215 : memref<1x128xi32, #tpu.memory_space<vmem>> -> memref<128xi32, #tpu.memory_space<vmem>>
      %dma_wait3A_217 = arith.constant 0 : i32
      %dma_wait3A_218 = tpu.memref_slice %arg8[%dma_wait3A_217] : memref<10240xf32, #tpu.memory_space<vmem_shared>> -> memref<10240xf32, #tpu.memory_space<vmem_shared>>
      tpu.wait_indirect_dma semaphore(%arg9 : memref<!tpu.dma_semaphore, #tpu.memory_space<semaphore_mem>>) src(%arg7 : memref<128xf32, #tpu.memory_space<vmem>>) dst(%dma_wait3A_218 : memref<10240xf32, #tpu.memory_space<vmem_shared>>)
      %add3A_219 = arith.constant 9 : i32
      %add3A_220 = arith.addi %mul3A_66, %add3A_219 : i32
      %dma_wait3A_221 = arith.constant 0 : i32
      %dma_wait3A_222 = tpu.memref_slice %arg5[%add3A_220, %dma_wait3A_221] : memref<78x128xi32, #tpu.memory_space<vmem>> -> memref<1x128xi32, #tpu.memory_space<vmem>>
      %dma_wait3A_223 = tpu.memref_squeeze %dma_wait3A_222 : memref<1x128xi32, #tpu.memory_space<vmem>> -> memref<128xi32, #tpu.memory_space<vmem>>
      %dma_wait3A_224 = arith.constant 0 : i32
      %dma_wait3A_225 = tpu.memref_slice %arg8[%dma_wait3A_224] : memref<10240xf32, #tpu.memory_space<vmem_shared>> -> memref<10240xf32, #tpu.memory_space<vmem_shared>>
      tpu.wait_indirect_dma semaphore(%arg9 : memref<!tpu.dma_semaphore, #tpu.memory_space<semaphore_mem>>) src(%arg7 : memref<128xf32, #tpu.memory_space<vmem>>) dst(%dma_wait3A_225 : memref<10240xf32, #tpu.memory_space<vmem_shared>>)
      %add3A_226 = arith.constant 10 : i32
      %add3A_227 = arith.addi %mul3A_66, %add3A_226 : i32
      %dma_wait3A_228 = arith.constant 0 : i32
      %dma_wait3A_229 = tpu.memref_slice %arg5[%add3A_227, %dma_wait3A_228] : memref<78x128xi32, #tpu.memory_space<vmem>> -> memref<1x128xi32, #tpu.memory_space<vmem>>
      %dma_wait3A_230 = tpu.memref_squeeze %dma_wait3A_229 : memref<1x128xi32, #tpu.memory_space<vmem>> -> memref<128xi32, #tpu.memory_space<vmem>>
      %dma_wait3A_231 = arith.constant 0 : i32
      %dma_wait3A_232 = tpu.memref_slice %arg8[%dma_wait3A_231] : memref<10240xf32, #tpu.memory_space<vmem_shared>> -> memref<10240xf32, #tpu.memory_space<vmem_shared>>
      tpu.wait_indirect_dma semaphore(%arg9 : memref<!tpu.dma_semaphore, #tpu.memory_space<semaphore_mem>>) src(%arg7 : memref<128xf32, #tpu.memory_space<vmem>>) dst(%dma_wait3A_232 : memref<10240xf32, #tpu.memory_space<vmem_shared>>)
      %add3A_233 = arith.constant 11 : i32
      %add3A_234 = arith.addi %mul3A_66, %add3A_233 : i32
      %dma_wait3A_235 = arith.constant 0 : i32
      %dma_wait3A_236 = tpu.memref_slice %arg5[%add3A_234, %dma_wait3A_235] : memref<78x128xi32, #tpu.memory_space<vmem>> -> memref<1x128xi32, #tpu.memory_space<vmem>>
      %dma_wait3A_237 = tpu.memref_squeeze %dma_wait3A_236 : memref<1x128xi32, #tpu.memory_space<vmem>> -> memref<128xi32, #tpu.memory_space<vmem>>
      %dma_wait3A_238 = arith.constant 0 : i32
      %dma_wait3A_239 = tpu.memref_slice %arg8[%dma_wait3A_238] : memref<10240xf32, #tpu.memory_space<vmem_shared>> -> memref<10240xf32, #tpu.memory_space<vmem_shared>>
      tpu.wait_indirect_dma semaphore(%arg9 : memref<!tpu.dma_semaphore, #tpu.memory_space<semaphore_mem>>) src(%arg7 : memref<128xf32, #tpu.memory_space<vmem>>) dst(%dma_wait3A_239 : memref<10240xf32, #tpu.memory_space<vmem_shared>>)
      %add3A_240 = arith.constant 12 : i32
      %add3A_241 = arith.addi %mul3A_66, %add3A_240 : i32
      %dma_wait3A_242 = arith.constant 0 : i32
      %dma_wait3A_243 = tpu.memref_slice %arg5[%add3A_241, %dma_wait3A_242] : memref<78x128xi32, #tpu.memory_space<vmem>> -> memref<1x128xi32, #tpu.memory_space<vmem>>
      %dma_wait3A_244 = tpu.memref_squeeze %dma_wait3A_243 : memref<1x128xi32, #tpu.memory_space<vmem>> -> memref<128xi32, #tpu.memory_space<vmem>>
      %dma_wait3A_245 = arith.constant 0 : i32
      %dma_wait3A_246 = tpu.memref_slice %arg8[%dma_wait3A_245] : memref<10240xf32, #tpu.memory_space<vmem_shared>> -> memref<10240xf32, #tpu.memory_space<vmem_shared>>
      tpu.wait_indirect_dma semaphore(%arg9 : memref<!tpu.dma_semaphore, #tpu.memory_space<semaphore_mem>>) src(%arg7 : memref<128xf32, #tpu.memory_space<vmem>>) dst(%dma_wait3A_246 : memref<10240xf32, #tpu.memory_space<vmem_shared>>)
    }
    %scan3A_57 = arith.constant 6 : i32
    %lt3A_58 = arith.constant 4 : i32
    %lt3A_59 = arith.cmpi slt, %add3A, %lt3A_58 : i32
    %convert_element_type3A_60 = arith.extui %lt3A_59 : i1 to i32
    %cond3A_61 = arith.constant 0 : i32
    %cond3A_62 = arith.cmpi ne, %convert_element_type3A_60, %cond3A_61 : i32
    scf.if %cond3A_62 {
      %run_scoped3A_64 = arith.constant 0 : i32
      "tpu.region"() ({
        %run_scoped3A_65 = tpu.sem_alloc : memref<!tpu.dma_semaphore, #tpu.memory_space<semaphore_mem>>
        %dma_start3A = arith.constant 0 : i32
        %dma_start3A_66 = tpu.memref_slice %arg6[%run_scoped3A_64, %dma_start3A] : memref<1x128xi32, #tpu.memory_space<vmem>> -> memref<1x128xi32, #tpu.memory_space<vmem>>
        %dma_start3A_67 = tpu.memref_squeeze %dma_start3A_66 : memref<1x128xi32, #tpu.memory_space<vmem>> -> memref<128xi32, #tpu.memory_space<vmem>>
        %dma_start3A_68 = arith.constant 0 : i32
        %dma_start3A_69 = tpu.memref_slice %arg8[%dma_start3A_68] : memref<10240xf32, #tpu.memory_space<vmem_shared>> -> memref<10240xf32, #tpu.memory_space<vmem_shared>>
        tpu.enqueue_indirect_dma source(%arg7 : memref<128xf32, #tpu.memory_space<vmem>>) target(%dma_start3A_69 : memref<10240xf32, #tpu.memory_space<vmem_shared>>) offsets(%dma_start3A_67 : memref<128xi32, #tpu.memory_space<vmem>>) semaphore(%run_scoped3A_65 : memref<!tpu.dma_semaphore, #tpu.memory_space<semaphore_mem>>) {add = true}
        %dma_wait3A = arith.constant 0 : i32
        %dma_wait3A_70 = tpu.memref_slice %arg6[%run_scoped3A_64, %dma_wait3A] : memref<1x128xi32, #tpu.memory_space<vmem>> -> memref<1x128xi32, #tpu.memory_space<vmem>>
        %dma_wait3A_71 = tpu.memref_squeeze %dma_wait3A_70 : memref<1x128xi32, #tpu.memory_space<vmem>> -> memref<128xi32, #tpu.memory_space<vmem>>
        %dma_wait3A_72 = arith.constant 0 : i32
        %dma_wait3A_73 = tpu.memref_slice %arg8[%dma_wait3A_72] : memref<10240xf32, #tpu.memory_space<vmem_shared>> -> memref<10240xf32, #tpu.memory_space<vmem_shared>>
        tpu.wait_indirect_dma semaphore(%run_scoped3A_65 : memref<!tpu.dma_semaphore, #tpu.memory_space<semaphore_mem>>) src(%arg7 : memref<128xf32, #tpu.memory_space<vmem>>) dst(%dma_wait3A_73 : memref<10240xf32, #tpu.memory_space<vmem_shared>>)
        tpu.yield
      }) : () -> ()
    } else {
    }
    %barrier3A_63 = arith.constant 0 : index
    tpu.barrier barrier_id(%barrier3A_63)
    "tpu.region"() ({
      %run_scoped3A_64 = tpu.sem_alloc : memref<!tpu.dma_semaphore, #tpu.memory_space<semaphore_mem>>
      %dma_start3A = arith.constant 0 : i32
      %dma_start3A_65 = tpu.memref_slice %arg4[%arg0, %dma_start3A] : memref<2x10240xf32, #tpu.memory_space<hbm>> -> memref<1x10240xf32, #tpu.memory_space<hbm>>
      %dma_start3A_66 = tpu.memref_squeeze %dma_start3A_65 : memref<1x10240xf32, #tpu.memory_space<hbm>> -> memref<10240xf32, #tpu.memory_space<hbm>>
      %dma_start3A_67 = tpu.memref_slice %dma_start3A_66[%mul3A_48] : memref<10240xf32, #tpu.memory_space<hbm>> -> memref<640xf32, #tpu.memory_space<hbm>>
      %dma_start3A_68 = tpu.memref_slice %arg8[%mul3A_48] : memref<10240xf32, #tpu.memory_space<vmem_shared>> -> memref<640xf32, #tpu.memory_space<vmem_shared>>
      tpu.enqueue_dma source(%dma_start3A_68 : memref<640xf32, #tpu.memory_space<vmem_shared>>) target(%dma_start3A_67 : memref<640xf32, #tpu.memory_space<hbm>>) target_semaphore(%run_scoped3A_64 : memref<!tpu.dma_semaphore, #tpu.memory_space<semaphore_mem>>)
      %dma_wait3A = arith.constant 0 : i32
      %dma_wait3A_69 = tpu.memref_slice %arg4[%arg0, %dma_wait3A] : memref<2x10240xf32, #tpu.memory_space<hbm>> -> memref<1x10240xf32, #tpu.memory_space<hbm>>
      %dma_wait3A_70 = tpu.memref_squeeze %dma_wait3A_69 : memref<1x10240xf32, #tpu.memory_space<hbm>> -> memref<10240xf32, #tpu.memory_space<hbm>>
      %dma_wait3A_71 = tpu.memref_slice %dma_wait3A_70[%mul3A_48] : memref<10240xf32, #tpu.memory_space<hbm>> -> memref<640xf32, #tpu.memory_space<hbm>>
      %dma_wait3A_72 = tpu.memref_slice %arg8[%mul3A_48] : memref<10240xf32, #tpu.memory_space<vmem_shared>> -> memref<640xf32, #tpu.memory_space<vmem_shared>>
      tpu.wait_dma2 semaphore(%run_scoped3A_64 : memref<!tpu.dma_semaphore, #tpu.memory_space<semaphore_mem>>) src(%dma_wait3A_72 : memref<640xf32, #tpu.memory_space<vmem_shared>>) dst(%dma_wait3A_71 : memref<640xf32, #tpu.memory_space<hbm>>)
      tpu.yield
    }) : () -> ()
    return
  }
}

#map = affine_map<(d0, d1) -> (0, 0)>
#map1 = affine_map<(d0, d1) -> (0, 0, 0)>
module attributes {stable_mosaic.version = 14 : i64} {
  func.func @k(%arg0: i32, %arg1: i32, %arg2: memref<10240x128xf32, #tpu.memory_space<hbm>>, %arg3: memref<2x2500x128xi32, #tpu.memory_space<hbm>>, %arg4: memref<10240x16xf32, #tpu.memory_space<hbm>>, %arg5: memref<2x10240x128xf32, #tpu.memory_space<hbm>>, %arg6: memref<78x128xi32, #tpu.memory_space<vmem>>, %arg7: memref<78x128xi32, #tpu.memory_space<vmem>>, %arg8: memref<1x128xi32, #tpu.memory_space<vmem>>, %arg9: memref<1x128xi32, #tpu.memory_space<vmem>>, %arg10: memref<128x16xf32, #tpu.memory_space<vmem>>, %arg11: memref<128x16xf32, #tpu.memory_space<vmem>>, %arg12: memref<128x16xf32, #tpu.memory_space<vmem>>, %arg13: memref<128x16xf32, #tpu.memory_space<vmem>>, %arg14: memref<10240x16xf32, #tpu.memory_space<vmem_shared>>, %arg15: memref<10240x16xf32, #tpu.memory_space<vmem_shared>>, %arg16: memref<!tpu.dma_semaphore, #tpu.memory_space<semaphore_mem>>, %arg17: memref<!tpu.dma_semaphore, #tpu.memory_space<semaphore_mem>>, %arg18: memref<!tpu.dma_semaphore, #tpu.memory_space<semaphore_mem>>, %arg19: memref<!tpu.dma_semaphore, #tpu.memory_space<semaphore_mem>>, %arg20: memref<!tpu.dma_semaphore, #tpu.memory_space<semaphore_mem>>, %arg21: memref<!tpu.dma_semaphore, #tpu.memory_space<semaphore_mem>>, %arg22: memref<!tpu.dma_semaphore, #tpu.memory_space<semaphore_mem>>, %arg23: memref<!tpu.dma_semaphore, #tpu.memory_space<semaphore_mem>>) attributes {dimension_semantics = [#tpu.dimension_semantics<core_parallel>, #tpu.dimension_semantics<subcore_parallel>], iteration_bounds = array<i64: 2, 16>, scalar_prefetch = 0 : i64, scratch_operands = 18 : i64, tpu.core_type = #tpu.core_type<sc_vector_subcore>, window_params = [{transform_indices = #map}, {transform_indices = #map1}, {transform_indices = #map}, {transform_indices = #map1}]} {
    %mul3A = arith.constant 16 : i32
    %mul3A_0 = arith.muli %arg0, %mul3A : i32
    %add3A = arith.addi %mul3A_0, %arg1 : i32
    %mul3A_1 = arith.constant 640 : i32
    %mul3A_2 = arith.muli %arg1, %mul3A_1 : i32
    "tpu.region"() ({
      %run_scoped3A_61 = tpu.sem_alloc : memref<!tpu.dma_semaphore, #tpu.memory_space<semaphore_mem>>
      %dma_start3A_62 = arith.constant 0 : i32
      %dma_start3A_63 = tpu.memref_slice %arg15[%mul3A_2, %dma_start3A_62] : memref<10240x16xf32, #tpu.memory_space<vmem_shared>> -> memref<640x16xf32, #tpu.memory_space<vmem_shared>>
      %dma_start3A_64 = arith.constant 0 : i32
      %dma_start3A_65 = tpu.memref_slice %arg4[%mul3A_2, %dma_start3A_64] : memref<10240x16xf32, #tpu.memory_space<hbm>> -> memref<640x16xf32, #tpu.memory_space<hbm>>
      tpu.enqueue_dma source(%dma_start3A_65 : memref<640x16xf32, #tpu.memory_space<hbm>>) target(%dma_start3A_63 : memref<640x16xf32, #tpu.memory_space<vmem_shared>>) target_semaphore(%run_scoped3A_61 : memref<!tpu.dma_semaphore, #tpu.memory_space<semaphore_mem>>)
      %dma_wait3A_66 = arith.constant 0 : i32
      %dma_wait3A_67 = tpu.memref_slice %arg15[%mul3A_2, %dma_wait3A_66] : memref<10240x16xf32, #tpu.memory_space<vmem_shared>> -> memref<640x16xf32, #tpu.memory_space<vmem_shared>>
      %dma_wait3A_68 = arith.constant 0 : i32
      %dma_wait3A_69 = tpu.memref_slice %arg4[%mul3A_2, %dma_wait3A_68] : memref<10240x16xf32, #tpu.memory_space<hbm>> -> memref<640x16xf32, #tpu.memory_space<hbm>>
      tpu.wait_dma2 semaphore(%run_scoped3A_61 : memref<!tpu.dma_semaphore, #tpu.memory_space<semaphore_mem>>) src(%dma_wait3A_69 : memref<640x16xf32, #tpu.memory_space<hbm>>) dst(%dma_wait3A_67 : memref<640x16xf32, #tpu.memory_space<vmem_shared>>)
      tpu.yield
    }) : () -> ()
    "tpu.region"() ({
      %run_scoped3A_61 = tpu.sem_alloc : memref<!tpu.dma_semaphore, #tpu.memory_space<semaphore_mem>>
      %dma_start3A_62 = arith.constant 0 : i32
      %dma_start3A_63 = tpu.memref_slice %arg14[%mul3A_2, %dma_start3A_62] : memref<10240x16xf32, #tpu.memory_space<vmem_shared>> -> memref<640x16xf32, #tpu.memory_space<vmem_shared>>
      %dma_start3A_64 = arith.constant 0 : i32
      %dma_start3A_65 = tpu.memref_slice %arg2[%mul3A_2, %dma_start3A_64] : memref<10240x128xf32, #tpu.memory_space<hbm>> -> memref<640x16xf32, #tpu.memory_space<hbm>>
      tpu.enqueue_dma source(%dma_start3A_65 : memref<640x16xf32, #tpu.memory_space<hbm>>) target(%dma_start3A_63 : memref<640x16xf32, #tpu.memory_space<vmem_shared>>) target_semaphore(%run_scoped3A_61 : memref<!tpu.dma_semaphore, #tpu.memory_space<semaphore_mem>>)
      %dma_wait3A_66 = arith.constant 0 : i32
      %dma_wait3A_67 = tpu.memref_slice %arg14[%mul3A_2, %dma_wait3A_66] : memref<10240x16xf32, #tpu.memory_space<vmem_shared>> -> memref<640x16xf32, #tpu.memory_space<vmem_shared>>
      %dma_wait3A_68 = arith.constant 0 : i32
      %dma_wait3A_69 = tpu.memref_slice %arg2[%mul3A_2, %dma_wait3A_68] : memref<10240x128xf32, #tpu.memory_space<hbm>> -> memref<640x16xf32, #tpu.memory_space<hbm>>
      tpu.wait_dma2 semaphore(%run_scoped3A_61 : memref<!tpu.dma_semaphore, #tpu.memory_space<semaphore_mem>>) src(%dma_wait3A_69 : memref<640x16xf32, #tpu.memory_space<hbm>>) dst(%dma_wait3A_67 : memref<640x16xf32, #tpu.memory_space<vmem_shared>>)
      tpu.yield
    }) : () -> ()
    %mul3A_3 = arith.constant 78 : i32
    %mul3A_4 = arith.muli %add3A, %mul3A_3 : i32
    %run_scoped3A = arith.constant 0 : i32
    "tpu.region"() ({
      %run_scoped3A_61 = tpu.sem_alloc : memref<!tpu.dma_semaphore, #tpu.memory_space<semaphore_mem>>
      %dma_start3A_62 = arith.constant 0 : i32
      %dma_start3A_63 = arith.constant 0 : i32
      %dma_start3A_64 = tpu.memref_slice %arg3[%run_scoped3A, %dma_start3A_62, %dma_start3A_63] : memref<2x2500x128xi32, #tpu.memory_space<hbm>> -> memref<1x2500x128xi32, #tpu.memory_space<hbm>>
      %dma_start3A_65 = tpu.memref_squeeze %dma_start3A_64 : memref<1x2500x128xi32, #tpu.memory_space<hbm>> -> memref<2500x128xi32, #tpu.memory_space<hbm>>
      %dma_start3A_66 = arith.constant 0 : i32
      %dma_start3A_67 = tpu.memref_slice %dma_start3A_65[%mul3A_4, %dma_start3A_66] : memref<2500x128xi32, #tpu.memory_space<hbm>> -> memref<78x128xi32, #tpu.memory_space<hbm>>
      %dma_start3A_68 = arith.constant 0 : i32
      %dma_start3A_69 = arith.constant 0 : i32
      %dma_start3A_70 = tpu.memref_slice %arg3[%run_scoped3A, %dma_start3A_68, %dma_start3A_69] : memref<2x2500x128xi32, #tpu.memory_space<hbm>> -> memref<1x2500x128xi32, #tpu.memory_space<hbm>>
      %dma_start3A_71 = tpu.memref_squeeze %dma_start3A_70 : memref<1x2500x128xi32, #tpu.memory_space<hbm>> -> memref<2500x128xi32, #tpu.memory_space<hbm>>
      %dma_start3A_72 = arith.constant 0 : i32
      %dma_start3A_73 = tpu.memref_slice %dma_start3A_71[%mul3A_4, %dma_start3A_72] : memref<2500x128xi32, #tpu.memory_space<hbm>> -> memref<78x128xi32, #tpu.memory_space<hbm>>
      tpu.enqueue_dma source(%dma_start3A_73 : memref<78x128xi32, #tpu.memory_space<hbm>>) target(%arg6 : memref<78x128xi32, #tpu.memory_space<vmem>>) target_semaphore(%run_scoped3A_61 : memref<!tpu.dma_semaphore, #tpu.memory_space<semaphore_mem>>)
      %dma_wait3A_74 = arith.constant 0 : i32
      %dma_wait3A_75 = arith.constant 0 : i32
      %dma_wait3A_76 = tpu.memref_slice %arg3[%run_scoped3A, %dma_wait3A_74, %dma_wait3A_75] : memref<2x2500x128xi32, #tpu.memory_space<hbm>> -> memref<1x2500x128xi32, #tpu.memory_space<hbm>>
      %dma_wait3A_77 = tpu.memref_squeeze %dma_wait3A_76 : memref<1x2500x128xi32, #tpu.memory_space<hbm>> -> memref<2500x128xi32, #tpu.memory_space<hbm>>
      %dma_wait3A_78 = arith.constant 0 : i32
      %dma_wait3A_79 = tpu.memref_slice %dma_wait3A_77[%mul3A_4, %dma_wait3A_78] : memref<2500x128xi32, #tpu.memory_space<hbm>> -> memref<78x128xi32, #tpu.memory_space<hbm>>
      %dma_wait3A_80 = arith.constant 0 : i32
      %dma_wait3A_81 = arith.constant 0 : i32
      %dma_wait3A_82 = tpu.memref_slice %arg3[%run_scoped3A, %dma_wait3A_80, %dma_wait3A_81] : memref<2x2500x128xi32, #tpu.memory_space<hbm>> -> memref<1x2500x128xi32, #tpu.memory_space<hbm>>
      %dma_wait3A_83 = tpu.memref_squeeze %dma_wait3A_82 : memref<1x2500x128xi32, #tpu.memory_space<hbm>> -> memref<2500x128xi32, #tpu.memory_space<hbm>>
      %dma_wait3A_84 = arith.constant 0 : i32
      %dma_wait3A_85 = tpu.memref_slice %dma_wait3A_83[%mul3A_4, %dma_wait3A_84] : memref<2500x128xi32, #tpu.memory_space<hbm>> -> memref<78x128xi32, #tpu.memory_space<hbm>>
      tpu.wait_dma2 semaphore(%run_scoped3A_61 : memref<!tpu.dma_semaphore, #tpu.memory_space<semaphore_mem>>) src(%dma_wait3A_85 : memref<78x128xi32, #tpu.memory_space<hbm>>) dst(%arg6 : memref<78x128xi32, #tpu.memory_space<vmem>>)
      tpu.yield
    }) : () -> ()
    %mul3A_5 = arith.constant 78 : i32
    %mul3A_6 = arith.muli %add3A, %mul3A_5 : i32
    %run_scoped3A_7 = arith.constant 1 : i32
    "tpu.region"() ({
      %run_scoped3A_61 = tpu.sem_alloc : memref<!tpu.dma_semaphore, #tpu.memory_space<semaphore_mem>>
      %dma_start3A_62 = arith.constant 0 : i32
      %dma_start3A_63 = arith.constant 0 : i32
      %dma_start3A_64 = tpu.memref_slice %arg3[%run_scoped3A_7, %dma_start3A_62, %dma_start3A_63] : memref<2x2500x128xi32, #tpu.memory_space<hbm>> -> memref<1x2500x128xi32, #tpu.memory_space<hbm>>
      %dma_start3A_65 = tpu.memref_squeeze %dma_start3A_64 : memref<1x2500x128xi32, #tpu.memory_space<hbm>> -> memref<2500x128xi32, #tpu.memory_space<hbm>>
      %dma_start3A_66 = arith.constant 0 : i32
      %dma_start3A_67 = tpu.memref_slice %dma_start3A_65[%mul3A_6, %dma_start3A_66] : memref<2500x128xi32, #tpu.memory_space<hbm>> -> memref<78x128xi32, #tpu.memory_space<hbm>>
      %dma_start3A_68 = arith.constant 0 : i32
      %dma_start3A_69 = arith.constant 0 : i32
      %dma_start3A_70 = tpu.memref_slice %arg3[%run_scoped3A_7, %dma_start3A_68, %dma_start3A_69] : memref<2x2500x128xi32, #tpu.memory_space<hbm>> -> memref<1x2500x128xi32, #tpu.memory_space<hbm>>
      %dma_start3A_71 = tpu.memref_squeeze %dma_start3A_70 : memref<1x2500x128xi32, #tpu.memory_space<hbm>> -> memref<2500x128xi32, #tpu.memory_space<hbm>>
      %dma_start3A_72 = arith.constant 0 : i32
      %dma_start3A_73 = tpu.memref_slice %dma_start3A_71[%mul3A_6, %dma_start3A_72] : memref<2500x128xi32, #tpu.memory_space<hbm>> -> memref<78x128xi32, #tpu.memory_space<hbm>>
      tpu.enqueue_dma source(%dma_start3A_73 : memref<78x128xi32, #tpu.memory_space<hbm>>) target(%arg7 : memref<78x128xi32, #tpu.memory_space<vmem>>) target_semaphore(%run_scoped3A_61 : memref<!tpu.dma_semaphore, #tpu.memory_space<semaphore_mem>>)
      %dma_wait3A_74 = arith.constant 0 : i32
      %dma_wait3A_75 = arith.constant 0 : i32
      %dma_wait3A_76 = tpu.memref_slice %arg3[%run_scoped3A_7, %dma_wait3A_74, %dma_wait3A_75] : memref<2x2500x128xi32, #tpu.memory_space<hbm>> -> memref<1x2500x128xi32, #tpu.memory_space<hbm>>
      %dma_wait3A_77 = tpu.memref_squeeze %dma_wait3A_76 : memref<1x2500x128xi32, #tpu.memory_space<hbm>> -> memref<2500x128xi32, #tpu.memory_space<hbm>>
      %dma_wait3A_78 = arith.constant 0 : i32
      %dma_wait3A_79 = tpu.memref_slice %dma_wait3A_77[%mul3A_6, %dma_wait3A_78] : memref<2500x128xi32, #tpu.memory_space<hbm>> -> memref<78x128xi32, #tpu.memory_space<hbm>>
      %dma_wait3A_80 = arith.constant 0 : i32
      %dma_wait3A_81 = arith.constant 0 : i32
      %dma_wait3A_82 = tpu.memref_slice %arg3[%run_scoped3A_7, %dma_wait3A_80, %dma_wait3A_81] : memref<2x2500x128xi32, #tpu.memory_space<hbm>> -> memref<1x2500x128xi32, #tpu.memory_space<hbm>>
      %dma_wait3A_83 = tpu.memref_squeeze %dma_wait3A_82 : memref<1x2500x128xi32, #tpu.memory_space<hbm>> -> memref<2500x128xi32, #tpu.memory_space<hbm>>
      %dma_wait3A_84 = arith.constant 0 : i32
      %dma_wait3A_85 = tpu.memref_slice %dma_wait3A_83[%mul3A_6, %dma_wait3A_84] : memref<2500x128xi32, #tpu.memory_space<hbm>> -> memref<78x128xi32, #tpu.memory_space<hbm>>
      tpu.wait_dma2 semaphore(%run_scoped3A_61 : memref<!tpu.dma_semaphore, #tpu.memory_space<semaphore_mem>>) src(%dma_wait3A_85 : memref<78x128xi32, #tpu.memory_space<hbm>>) dst(%arg7 : memref<78x128xi32, #tpu.memory_space<vmem>>)
      tpu.yield
    }) : () -> ()
    %lt3A = arith.constant 4 : i32
    %lt3A_8 = arith.cmpi slt, %add3A, %lt3A : i32
    %convert_element_type3A = arith.extui %lt3A_8 : i1 to i32
    %cond3A = arith.constant 0 : i32
    %cond3A_9 = arith.cmpi ne, %convert_element_type3A, %cond3A : i32
    scf.if %cond3A_9 {
      %add3A_61 = arith.constant 2496 : i32
      %add3A_62 = arith.addi %add3A_61, %add3A : i32
      %run_scoped3A_63 = arith.constant 0 : i32
      "tpu.region"() ({
        %run_scoped3A_67 = tpu.sem_alloc : memref<!tpu.dma_semaphore, #tpu.memory_space<semaphore_mem>>
        %dma_start3A_68 = arith.constant 0 : i32
        %dma_start3A_69 = arith.constant 0 : i32
        %dma_start3A_70 = tpu.memref_slice %arg3[%run_scoped3A_63, %dma_start3A_68, %dma_start3A_69] : memref<2x2500x128xi32, #tpu.memory_space<hbm>> -> memref<1x2500x128xi32, #tpu.memory_space<hbm>>
        %dma_start3A_71 = tpu.memref_squeeze %dma_start3A_70 : memref<1x2500x128xi32, #tpu.memory_space<hbm>> -> memref<2500x128xi32, #tpu.memory_space<hbm>>
        %dma_start3A_72 = arith.constant 0 : i32
        %dma_start3A_73 = tpu.memref_slice %dma_start3A_71[%add3A_62, %dma_start3A_72] : memref<2500x128xi32, #tpu.memory_space<hbm>> -> memref<1x128xi32, #tpu.memory_space<hbm>>
        %dma_start3A_74 = arith.constant 0 : i32
        %dma_start3A_75 = arith.constant 0 : i32
        %dma_start3A_76 = tpu.memref_slice %arg3[%run_scoped3A_63, %dma_start3A_74, %dma_start3A_75] : memref<2x2500x128xi32, #tpu.memory_space<hbm>> -> memref<1x2500x128xi32, #tpu.memory_space<hbm>>
        %dma_start3A_77 = tpu.memref_squeeze %dma_start3A_76 : memref<1x2500x128xi32, #tpu.memory_space<hbm>> -> memref<2500x128xi32, #tpu.memory_space<hbm>>
        %dma_start3A_78 = arith.constant 0 : i32
        %dma_start3A_79 = tpu.memref_slice %dma_start3A_77[%add3A_62, %dma_start3A_78] : memref<2500x128xi32, #tpu.memory_space<hbm>> -> memref<1x128xi32, #tpu.memory_space<hbm>>
        tpu.enqueue_dma source(%dma_start3A_79 : memref<1x128xi32, #tpu.memory_space<hbm>>) target(%arg8 : memref<1x128xi32, #tpu.memory_space<vmem>>) target_semaphore(%run_scoped3A_67 : memref<!tpu.dma_semaphore, #tpu.memory_space<semaphore_mem>>)
        %dma_wait3A_80 = arith.constant 0 : i32
        %dma_wait3A_81 = arith.constant 0 : i32
        %dma_wait3A_82 = tpu.memref_slice %arg3[%run_scoped3A_63, %dma_wait3A_80, %dma_wait3A_81] : memref<2x2500x128xi32, #tpu.memory_space<hbm>> -> memref<1x2500x128xi32, #tpu.memory_space<hbm>>
        %dma_wait3A_83 = tpu.memref_squeeze %dma_wait3A_82 : memref<1x2500x128xi32, #tpu.memory_space<hbm>> -> memref<2500x128xi32, #tpu.memory_space<hbm>>
        %dma_wait3A_84 = arith.constant 0 : i32
        %dma_wait3A_85 = tpu.memref_slice %dma_wait3A_83[%add3A_62, %dma_wait3A_84] : memref<2500x128xi32, #tpu.memory_space<hbm>> -> memref<1x128xi32, #tpu.memory_space<hbm>>
        %dma_wait3A_86 = arith.constant 0 : i32
        %dma_wait3A_87 = arith.constant 0 : i32
        %dma_wait3A_88 = tpu.memref_slice %arg3[%run_scoped3A_63, %dma_wait3A_86, %dma_wait3A_87] : memref<2x2500x128xi32, #tpu.memory_space<hbm>> -> memref<1x2500x128xi32, #tpu.memory_space<hbm>>
        %dma_wait3A_89 = tpu.memref_squeeze %dma_wait3A_88 : memref<1x2500x128xi32, #tpu.memory_space<hbm>> -> memref<2500x128xi32, #tpu.memory_space<hbm>>
        %dma_wait3A_90 = arith.constant 0 : i32
        %dma_wait3A_91 = tpu.memref_slice %dma_wait3A_89[%add3A_62, %dma_wait3A_90] : memref<2500x128xi32, #tpu.memory_space<hbm>> -> memref<1x128xi32, #tpu.memory_space<hbm>>
        tpu.wait_dma2 semaphore(%run_scoped3A_67 : memref<!tpu.dma_semaphore, #tpu.memory_space<semaphore_mem>>) src(%dma_wait3A_91 : memref<1x128xi32, #tpu.memory_space<hbm>>) dst(%arg8 : memref<1x128xi32, #tpu.memory_space<vmem>>)
        tpu.yield
      }) : () -> ()
      %add3A_64 = arith.constant 2496 : i32
      %add3A_65 = arith.addi %add3A_64, %add3A : i32
      %run_scoped3A_66 = arith.constant 1 : i32
      "tpu.region"() ({
        %run_scoped3A_67 = tpu.sem_alloc : memref<!tpu.dma_semaphore, #tpu.memory_space<semaphore_mem>>
        %dma_start3A_68 = arith.constant 0 : i32
        %dma_start3A_69 = arith.constant 0 : i32
        %dma_start3A_70 = tpu.memref_slice %arg3[%run_scoped3A_66, %dma_start3A_68, %dma_start3A_69] : memref<2x2500x128xi32, #tpu.memory_space<hbm>> -> memref<1x2500x128xi32, #tpu.memory_space<hbm>>
        %dma_start3A_71 = tpu.memref_squeeze %dma_start3A_70 : memref<1x2500x128xi32, #tpu.memory_space<hbm>> -> memref<2500x128xi32, #tpu.memory_space<hbm>>
        %dma_start3A_72 = arith.constant 0 : i32
        %dma_start3A_73 = tpu.memref_slice %dma_start3A_71[%add3A_65, %dma_start3A_72] : memref<2500x128xi32, #tpu.memory_space<hbm>> -> memref<1x128xi32, #tpu.memory_space<hbm>>
        %dma_start3A_74 = arith.constant 0 : i32
        %dma_start3A_75 = arith.constant 0 : i32
        %dma_start3A_76 = tpu.memref_slice %arg3[%run_scoped3A_66, %dma_start3A_74, %dma_start3A_75] : memref<2x2500x128xi32, #tpu.memory_space<hbm>> -> memref<1x2500x128xi32, #tpu.memory_space<hbm>>
        %dma_start3A_77 = tpu.memref_squeeze %dma_start3A_76 : memref<1x2500x128xi32, #tpu.memory_space<hbm>> -> memref<2500x128xi32, #tpu.memory_space<hbm>>
        %dma_start3A_78 = arith.constant 0 : i32
        %dma_start3A_79 = tpu.memref_slice %dma_start3A_77[%add3A_65, %dma_start3A_78] : memref<2500x128xi32, #tpu.memory_space<hbm>> -> memref<1x128xi32, #tpu.memory_space<hbm>>
        tpu.enqueue_dma source(%dma_start3A_79 : memref<1x128xi32, #tpu.memory_space<hbm>>) target(%arg9 : memref<1x128xi32, #tpu.memory_space<vmem>>) target_semaphore(%run_scoped3A_67 : memref<!tpu.dma_semaphore, #tpu.memory_space<semaphore_mem>>)
        %dma_wait3A_80 = arith.constant 0 : i32
        %dma_wait3A_81 = arith.constant 0 : i32
        %dma_wait3A_82 = tpu.memref_slice %arg3[%run_scoped3A_66, %dma_wait3A_80, %dma_wait3A_81] : memref<2x2500x128xi32, #tpu.memory_space<hbm>> -> memref<1x2500x128xi32, #tpu.memory_space<hbm>>
        %dma_wait3A_83 = tpu.memref_squeeze %dma_wait3A_82 : memref<1x2500x128xi32, #tpu.memory_space<hbm>> -> memref<2500x128xi32, #tpu.memory_space<hbm>>
        %dma_wait3A_84 = arith.constant 0 : i32
        %dma_wait3A_85 = tpu.memref_slice %dma_wait3A_83[%add3A_65, %dma_wait3A_84] : memref<2500x128xi32, #tpu.memory_space<hbm>> -> memref<1x128xi32, #tpu.memory_space<hbm>>
        %dma_wait3A_86 = arith.constant 0 : i32
        %dma_wait3A_87 = arith.constant 0 : i32
        %dma_wait3A_88 = tpu.memref_slice %arg3[%run_scoped3A_66, %dma_wait3A_86, %dma_wait3A_87] : memref<2x2500x128xi32, #tpu.memory_space<hbm>> -> memref<1x2500x128xi32, #tpu.memory_space<hbm>>
        %dma_wait3A_89 = tpu.memref_squeeze %dma_wait3A_88 : memref<1x2500x128xi32, #tpu.memory_space<hbm>> -> memref<2500x128xi32, #tpu.memory_space<hbm>>
        %dma_wait3A_90 = arith.constant 0 : i32
        %dma_wait3A_91 = tpu.memref_slice %dma_wait3A_89[%add3A_65, %dma_wait3A_90] : memref<2500x128xi32, #tpu.memory_space<hbm>> -> memref<1x128xi32, #tpu.memory_space<hbm>>
        tpu.wait_dma2 semaphore(%run_scoped3A_67 : memref<!tpu.dma_semaphore, #tpu.memory_space<semaphore_mem>>) src(%dma_wait3A_91 : memref<1x128xi32, #tpu.memory_space<hbm>>) dst(%arg9 : memref<1x128xi32, #tpu.memory_space<vmem>>)
        tpu.yield
      }) : () -> ()
    } else {
    }
    %barrier3A = arith.constant 0 : index
    tpu.barrier barrier_id(%barrier3A)
    %dma_start3A = arith.constant 0 : i32
    %dma_start3A_10 = arith.constant 0 : i32
    %dma_start3A_11 = tpu.memref_slice %arg6[%dma_start3A, %dma_start3A_10] : memref<78x128xi32, #tpu.memory_space<vmem>> -> memref<1x128xi32, #tpu.memory_space<vmem>>
    %dma_start3A_12 = tpu.memref_squeeze %dma_start3A_11 : memref<1x128xi32, #tpu.memory_space<vmem>> -> memref<128xi32, #tpu.memory_space<vmem>>
    %dma_start3A_13 = arith.constant 0 : i32
    %dma_start3A_14 = arith.constant 0 : i32
    %dma_start3A_15 = tpu.memref_slice %arg14[%dma_start3A_13, %dma_start3A_14] : memref<10240x16xf32, #tpu.memory_space<vmem_shared>> -> memref<10240x16xf32, #tpu.memory_space<vmem_shared>>
    tpu.enqueue_indirect_dma source(%dma_start3A_15 : memref<10240x16xf32, #tpu.memory_space<vmem_shared>>) target(%arg12 : memref<128x16xf32, #tpu.memory_space<vmem>>) offsets(%dma_start3A_12 : memref<128xi32, #tpu.memory_space<vmem>>) semaphore(%arg18 : memref<!tpu.dma_semaphore, #tpu.memory_space<semaphore_mem>>)
    %dma_start3A_16 = arith.constant 1 : i32
    %dma_start3A_17 = arith.constant 0 : i32
    %dma_start3A_18 = tpu.memref_slice %arg6[%dma_start3A_16, %dma_start3A_17] : memref<78x128xi32, #tpu.memory_space<vmem>> -> memref<1x128xi32, #tpu.memory_space<vmem>>
    %dma_start3A_19 = tpu.memref_squeeze %dma_start3A_18 : memref<1x128xi32, #tpu.memory_space<vmem>> -> memref<128xi32, #tpu.memory_space<vmem>>
    %dma_start3A_20 = arith.constant 0 : i32
    %dma_start3A_21 = arith.constant 0 : i32
    %dma_start3A_22 = tpu.memref_slice %arg14[%dma_start3A_20, %dma_start3A_21] : memref<10240x16xf32, #tpu.memory_space<vmem_shared>> -> memref<10240x16xf32, #tpu.memory_space<vmem_shared>>
    tpu.enqueue_indirect_dma source(%dma_start3A_22 : memref<10240x16xf32, #tpu.memory_space<vmem_shared>>) target(%arg13 : memref<128x16xf32, #tpu.memory_space<vmem>>) offsets(%dma_start3A_19 : memref<128xi32, #tpu.memory_space<vmem>>) semaphore(%arg19 : memref<!tpu.dma_semaphore, #tpu.memory_space<semaphore_mem>>)
    %scan3A = arith.constant 0 : i32
    %scan3A_23 = arith.constant 0 : i32
    %scan3A_24 = arith.constant 20 : i32
    %scan3A_25 = arith.addi %scan3A_23, %scan3A_24 : i32
    %scan3A_26 = arith.constant 1 : i32
    scf.for %scan3A_61 = %scan3A_23 to %scan3A_25 step %scan3A_26  : i32 {
      %mul3A_62 = arith.constant 4 : i32
      %mul3A_63 = arith.muli %scan3A_61, %mul3A_62 : i32
      %add3A_64 = arith.constant 0 : i32
      %add3A_65 = arith.addi %mul3A_63, %add3A_64 : i32
      %lt3A_66 = arith.constant 78 : i32
      %lt3A_67 = arith.cmpi slt, %add3A_65, %lt3A_66 : i32
      %convert_element_type3A_68 = arith.extui %lt3A_67 : i1 to i32
      %cond3A_69 = arith.constant 0 : i32
      %cond3A_70 = arith.cmpi ne, %convert_element_type3A_68, %cond3A_69 : i32
      scf.if %cond3A_70 {
        %add3A_92 = arith.constant 2 : i32
        %add3A_93 = arith.addi %add3A_65, %add3A_92 : i32
        %lt3A_94 = arith.constant 78 : i32
        %lt3A_95 = arith.cmpi slt, %add3A_93, %lt3A_94 : i32
        %convert_element_type3A_96 = arith.extui %lt3A_95 : i1 to i32
        %cond3A_97 = arith.constant 0 : i32
        %cond3A_98 = arith.cmpi ne, %convert_element_type3A_96, %cond3A_97 : i32
        scf.if %cond3A_98 {
          %ge3A = arith.constant 2 : i32
          %ge3A_111 = arith.cmpi sge, %add3A_65, %ge3A : i32
          %convert_element_type3A_112 = arith.extui %ge3A_111 : i1 to i32
          %cond3A_113 = arith.constant 0 : i32
          %cond3A_114 = arith.cmpi ne, %convert_element_type3A_112, %cond3A_113 : i32
          scf.if %cond3A_114 {
            %sub3A = arith.constant 2 : i32
            %sub3A_121 = arith.subi %add3A_65, %sub3A : i32
            %dma_wait3A_122 = arith.constant 0 : i32
            %dma_wait3A_123 = tpu.memref_slice %arg7[%sub3A_121, %dma_wait3A_122] : memref<78x128xi32, #tpu.memory_space<vmem>> -> memref<1x128xi32, #tpu.memory_space<vmem>>
            %dma_wait3A_124 = tpu.memref_squeeze %dma_wait3A_123 : memref<1x128xi32, #tpu.memory_space<vmem>> -> memref<128xi32, #tpu.memory_space<vmem>>
            %dma_wait3A_125 = arith.constant 0 : i32
            %dma_wait3A_126 = arith.constant 0 : i32
            %dma_wait3A_127 = tpu.memref_slice %arg15[%dma_wait3A_125, %dma_wait3A_126] : memref<10240x16xf32, #tpu.memory_space<vmem_shared>> -> memref<10240x16xf32, #tpu.memory_space<vmem_shared>>
            tpu.wait_indirect_dma semaphore(%arg20 : memref<!tpu.dma_semaphore, #tpu.memory_space<semaphore_mem>>) src(%arg10 : memref<128x16xf32, #tpu.memory_space<vmem>>) dst(%dma_wait3A_127 : memref<10240x16xf32, #tpu.memory_space<vmem_shared>>)
          } else {
          }
          %dma_start3A_115 = arith.constant 0 : i32
          %dma_start3A_116 = tpu.memref_slice %arg6[%add3A_93, %dma_start3A_115] : memref<78x128xi32, #tpu.memory_space<vmem>> -> memref<1x128xi32, #tpu.memory_space<vmem>>
          %dma_start3A_117 = tpu.memref_squeeze %dma_start3A_116 : memref<1x128xi32, #tpu.memory_space<vmem>> -> memref<128xi32, #tpu.memory_space<vmem>>
          %dma_start3A_118 = arith.constant 0 : i32
          %dma_start3A_119 = arith.constant 0 : i32
          %dma_start3A_120 = tpu.memref_slice %arg14[%dma_start3A_118, %dma_start3A_119] : memref<10240x16xf32, #tpu.memory_space<vmem_shared>> -> memref<10240x16xf32, #tpu.memory_space<vmem_shared>>
          tpu.enqueue_indirect_dma source(%dma_start3A_120 : memref<10240x16xf32, #tpu.memory_space<vmem_shared>>) target(%arg10 : memref<128x16xf32, #tpu.memory_space<vmem>>) offsets(%dma_start3A_117 : memref<128xi32, #tpu.memory_space<vmem>>) semaphore(%arg16 : memref<!tpu.dma_semaphore, #tpu.memory_space<semaphore_mem>>)
        } else {
        }
        %dma_wait3A_99 = arith.constant 0 : i32
        %dma_wait3A_100 = tpu.memref_slice %arg6[%add3A_65, %dma_wait3A_99] : memref<78x128xi32, #tpu.memory_space<vmem>> -> memref<1x128xi32, #tpu.memory_space<vmem>>
        %dma_wait3A_101 = tpu.memref_squeeze %dma_wait3A_100 : memref<1x128xi32, #tpu.memory_space<vmem>> -> memref<128xi32, #tpu.memory_space<vmem>>
        %dma_wait3A_102 = arith.constant 0 : i32
        %dma_wait3A_103 = arith.constant 0 : i32
        %dma_wait3A_104 = tpu.memref_slice %arg14[%dma_wait3A_102, %dma_wait3A_103] : memref<10240x16xf32, #tpu.memory_space<vmem_shared>> -> memref<10240x16xf32, #tpu.memory_space<vmem_shared>>
        tpu.wait_indirect_dma semaphore(%arg18 : memref<!tpu.dma_semaphore, #tpu.memory_space<semaphore_mem>>) src(%dma_wait3A_104 : memref<10240x16xf32, #tpu.memory_space<vmem_shared>>) dst(%arg12 : memref<128x16xf32, #tpu.memory_space<vmem>>)
        %dma_start3A_105 = arith.constant 0 : i32
        %dma_start3A_106 = tpu.memref_slice %arg7[%add3A_65, %dma_start3A_105] : memref<78x128xi32, #tpu.memory_space<vmem>> -> memref<1x128xi32, #tpu.memory_space<vmem>>
        %dma_start3A_107 = tpu.memref_squeeze %dma_start3A_106 : memref<1x128xi32, #tpu.memory_space<vmem>> -> memref<128xi32, #tpu.memory_space<vmem>>
        %dma_start3A_108 = arith.constant 0 : i32
        %dma_start3A_109 = arith.constant 0 : i32
        %dma_start3A_110 = tpu.memref_slice %arg15[%dma_start3A_108, %dma_start3A_109] : memref<10240x16xf32, #tpu.memory_space<vmem_shared>> -> memref<10240x16xf32, #tpu.memory_space<vmem_shared>>
        tpu.enqueue_indirect_dma source(%arg12 : memref<128x16xf32, #tpu.memory_space<vmem>>) target(%dma_start3A_110 : memref<10240x16xf32, #tpu.memory_space<vmem_shared>>) offsets(%dma_start3A_107 : memref<128xi32, #tpu.memory_space<vmem>>) semaphore(%arg22 : memref<!tpu.dma_semaphore, #tpu.memory_space<semaphore_mem>>) {add = true}
      } else {
      }
      %add3A_71 = arith.constant 1 : i32
      %add3A_72 = arith.addi %mul3A_63, %add3A_71 : i32
      %lt3A_73 = arith.constant 78 : i32
      %lt3A_74 = arith.cmpi slt, %add3A_72, %lt3A_73 : i32
      %convert_element_type3A_75 = arith.extui %lt3A_74 : i1 to i32
      %cond3A_76 = arith.constant 0 : i32
      %cond3A_77 = arith.cmpi ne, %convert_element_type3A_75, %cond3A_76 : i32
      scf.if %cond3A_77 {
        %add3A_92 = arith.constant 2 : i32
        %add3A_93 = arith.addi %add3A_72, %add3A_92 : i32
        %lt3A_94 = arith.constant 78 : i32
        %lt3A_95 = arith.cmpi slt, %add3A_93, %lt3A_94 : i32
        %convert_element_type3A_96 = arith.extui %lt3A_95 : i1 to i32
        %cond3A_97 = arith.constant 0 : i32
        %cond3A_98 = arith.cmpi ne, %convert_element_type3A_96, %cond3A_97 : i32
        scf.if %cond3A_98 {
          %ge3A = arith.constant 2 : i32
          %ge3A_111 = arith.cmpi sge, %add3A_72, %ge3A : i32
          %convert_element_type3A_112 = arith.extui %ge3A_111 : i1 to i32
          %cond3A_113 = arith.constant 0 : i32
          %cond3A_114 = arith.cmpi ne, %convert_element_type3A_112, %cond3A_113 : i32
          scf.if %cond3A_114 {
            %sub3A = arith.constant 2 : i32
            %sub3A_121 = arith.subi %add3A_72, %sub3A : i32
            %dma_wait3A_122 = arith.constant 0 : i32
            %dma_wait3A_123 = tpu.memref_slice %arg7[%sub3A_121, %dma_wait3A_122] : memref<78x128xi32, #tpu.memory_space<vmem>> -> memref<1x128xi32, #tpu.memory_space<vmem>>
            %dma_wait3A_124 = tpu.memref_squeeze %dma_wait3A_123 : memref<1x128xi32, #tpu.memory_space<vmem>> -> memref<128xi32, #tpu.memory_space<vmem>>
            %dma_wait3A_125 = arith.constant 0 : i32
            %dma_wait3A_126 = arith.constant 0 : i32
            %dma_wait3A_127 = tpu.memref_slice %arg15[%dma_wait3A_125, %dma_wait3A_126] : memref<10240x16xf32, #tpu.memory_space<vmem_shared>> -> memref<10240x16xf32, #tpu.memory_space<vmem_shared>>
            tpu.wait_indirect_dma semaphore(%arg21 : memref<!tpu.dma_semaphore, #tpu.memory_space<semaphore_mem>>) src(%arg11 : memref<128x16xf32, #tpu.memory_space<vmem>>) dst(%dma_wait3A_127 : memref<10240x16xf32, #tpu.memory_space<vmem_shared>>)
          } else {
          }
          %dma_start3A_115 = arith.constant 0 : i32
          %dma_start3A_116 = tpu.memref_slice %arg6[%add3A_93, %dma_start3A_115] : memref<78x128xi32, #tpu.memory_space<vmem>> -> memref<1x128xi32, #tpu.memory_space<vmem>>
          %dma_start3A_117 = tpu.memref_squeeze %dma_start3A_116 : memref<1x128xi32, #tpu.memory_space<vmem>> -> memref<128xi32, #tpu.memory_space<vmem>>
          %dma_start3A_118 = arith.constant 0 : i32
          %dma_start3A_119 = arith.constant 0 : i32
          %dma_start3A_120 = tpu.memref_slice %arg14[%dma_start3A_118, %dma_start3A_119] : memref<10240x16xf32, #tpu.memory_space<vmem_shared>> -> memref<10240x16xf32, #tpu.memory_space<vmem_shared>>
          tpu.enqueue_indirect_dma source(%dma_start3A_120 : memref<10240x16xf32, #tpu.memory_space<vmem_shared>>) target(%arg11 : memref<128x16xf32, #tpu.memory_space<vmem>>) offsets(%dma_start3A_117 : memref<128xi32, #tpu.memory_space<vmem>>) semaphore(%arg17 : memref<!tpu.dma_semaphore, #tpu.memory_space<semaphore_mem>>)
        } else {
        }
        %dma_wait3A_99 = arith.constant 0 : i32
        %dma_wait3A_100 = tpu.memref_slice %arg6[%add3A_72, %dma_wait3A_99] : memref<78x128xi32, #tpu.memory_space<vmem>> -> memref<1x128xi32, #tpu.memory_space<vmem>>
        %dma_wait3A_101 = tpu.memref_squeeze %dma_wait3A_100 : memref<1x128xi32, #tpu.memory_space<vmem>> -> memref<128xi32, #tpu.memory_space<vmem>>
        %dma_wait3A_102 = arith.constant 0 : i32
        %dma_wait3A_103 = arith.constant 0 : i32
        %dma_wait3A_104 = tpu.memref_slice %arg14[%dma_wait3A_102, %dma_wait3A_103] : memref<10240x16xf32, #tpu.memory_space<vmem_shared>> -> memref<10240x16xf32, #tpu.memory_space<vmem_shared>>
        tpu.wait_indirect_dma semaphore(%arg19 : memref<!tpu.dma_semaphore, #tpu.memory_space<semaphore_mem>>) src(%dma_wait3A_104 : memref<10240x16xf32, #tpu.memory_space<vmem_shared>>) dst(%arg13 : memref<128x16xf32, #tpu.memory_space<vmem>>)
        %dma_start3A_105 = arith.constant 0 : i32
        %dma_start3A_106 = tpu.memref_slice %arg7[%add3A_72, %dma_start3A_105] : memref<78x128xi32, #tpu.memory_space<vmem>> -> memref<1x128xi32, #tpu.memory_space<vmem>>
        %dma_start3A_107 = tpu.memref_squeeze %dma_start3A_106 : memref<1x128xi32, #tpu.memory_space<vmem>> -> memref<128xi32, #tpu.memory_space<vmem>>
        %dma_start3A_108 = arith.constant 0 : i32
        %dma_start3A_109 = arith.constant 0 : i32
        %dma_start3A_110 = tpu.memref_slice %arg15[%dma_start3A_108, %dma_start3A_109] : memref<10240x16xf32, #tpu.memory_space<vmem_shared>> -> memref<10240x16xf32, #tpu.memory_space<vmem_shared>>
        tpu.enqueue_indirect_dma source(%arg13 : memref<128x16xf32, #tpu.memory_space<vmem>>) target(%dma_start3A_110 : memref<10240x16xf32, #tpu.memory_space<vmem_shared>>) offsets(%dma_start3A_107 : memref<128xi32, #tpu.memory_space<vmem>>) semaphore(%arg23 : memref<!tpu.dma_semaphore, #tpu.memory_space<semaphore_mem>>) {add = true}
      } else {
      }
      %add3A_78 = arith.constant 2 : i32
      %add3A_79 = arith.addi %mul3A_63, %add3A_78 : i32
      %lt3A_80 = arith.constant 78 : i32
      %lt3A_81 = arith.cmpi slt, %add3A_79, %lt3A_80 : i32
      %convert_element_type3A_82 = arith.extui %lt3A_81 : i1 to i32
      %cond3A_83 = arith.constant 0 : i32
      %cond3A_84 = arith.cmpi ne, %convert_element_type3A_82, %cond3A_83 : i32
      scf.if %cond3A_84 {
        %add3A_92 = arith.constant 2 : i32
        %add3A_93 = arith.addi %add3A_79, %add3A_92 : i32
        %lt3A_94 = arith.constant 78 : i32
        %lt3A_95 = arith.cmpi slt, %add3A_93, %lt3A_94 : i32
        %convert_element_type3A_96 = arith.extui %lt3A_95 : i1 to i32
        %cond3A_97 = arith.constant 0 : i32
        %cond3A_98 = arith.cmpi ne, %convert_element_type3A_96, %cond3A_97 : i32
        scf.if %cond3A_98 {
          %ge3A = arith.constant 2 : i32
          %ge3A_111 = arith.cmpi sge, %add3A_79, %ge3A : i32
          %convert_element_type3A_112 = arith.extui %ge3A_111 : i1 to i32
          %cond3A_113 = arith.constant 0 : i32
          %cond3A_114 = arith.cmpi ne, %convert_element_type3A_112, %cond3A_113 : i32
          scf.if %cond3A_114 {
            %sub3A = arith.constant 2 : i32
            %sub3A_121 = arith.subi %add3A_79, %sub3A : i32
            %dma_wait3A_122 = arith.constant 0 : i32
            %dma_wait3A_123 = tpu.memref_slice %arg7[%sub3A_121, %dma_wait3A_122] : memref<78x128xi32, #tpu.memory_space<vmem>> -> memref<1x128xi32, #tpu.memory_space<vmem>>
            %dma_wait3A_124 = tpu.memref_squeeze %dma_wait3A_123 : memref<1x128xi32, #tpu.memory_space<vmem>> -> memref<128xi32, #tpu.memory_space<vmem>>
            %dma_wait3A_125 = arith.constant 0 : i32
            %dma_wait3A_126 = arith.constant 0 : i32
            %dma_wait3A_127 = tpu.memref_slice %arg15[%dma_wait3A_125, %dma_wait3A_126] : memref<10240x16xf32, #tpu.memory_space<vmem_shared>> -> memref<10240x16xf32, #tpu.memory_space<vmem_shared>>
            tpu.wait_indirect_dma semaphore(%arg22 : memref<!tpu.dma_semaphore, #tpu.memory_space<semaphore_mem>>) src(%arg12 : memref<128x16xf32, #tpu.memory_space<vmem>>) dst(%dma_wait3A_127 : memref<10240x16xf32, #tpu.memory_space<vmem_shared>>)
          } else {
          }
          %dma_start3A_115 = arith.constant 0 : i32
          %dma_start3A_116 = tpu.memref_slice %arg6[%add3A_93, %dma_start3A_115] : memref<78x128xi32, #tpu.memory_space<vmem>> -> memref<1x128xi32, #tpu.memory_space<vmem>>
          %dma_start3A_117 = tpu.memref_squeeze %dma_start3A_116 : memref<1x128xi32, #tpu.memory_space<vmem>> -> memref<128xi32, #tpu.memory_space<vmem>>
          %dma_start3A_118 = arith.constant 0 : i32
          %dma_start3A_119 = arith.constant 0 : i32
          %dma_start3A_120 = tpu.memref_slice %arg14[%dma_start3A_118, %dma_start3A_119] : memref<10240x16xf32, #tpu.memory_space<vmem_shared>> -> memref<10240x16xf32, #tpu.memory_space<vmem_shared>>
          tpu.enqueue_indirect_dma source(%dma_start3A_120 : memref<10240x16xf32, #tpu.memory_space<vmem_shared>>) target(%arg12 : memref<128x16xf32, #tpu.memory_space<vmem>>) offsets(%dma_start3A_117 : memref<128xi32, #tpu.memory_space<vmem>>) semaphore(%arg18 : memref<!tpu.dma_semaphore, #tpu.memory_space<semaphore_mem>>)
        } else {
        }
        %dma_wait3A_99 = arith.constant 0 : i32
        %dma_wait3A_100 = tpu.memref_slice %arg6[%add3A_79, %dma_wait3A_99] : memref<78x128xi32, #tpu.memory_space<vmem>> -> memref<1x128xi32, #tpu.memory_space<vmem>>
        %dma_wait3A_101 = tpu.memref_squeeze %dma_wait3A_100 : memref<1x128xi32, #tpu.memory_space<vmem>> -> memref<128xi32, #tpu.memory_space<vmem>>
        %dma_wait3A_102 = arith.constant 0 : i32
        %dma_wait3A_103 = arith.constant 0 : i32
        %dma_wait3A_104 = tpu.memref_slice %arg14[%dma_wait3A_102, %dma_wait3A_103] : memref<10240x16xf32, #tpu.memory_space<vmem_shared>> -> memref<10240x16xf32, #tpu.memory_space<vmem_shared>>
        tpu.wait_indirect_dma semaphore(%arg16 : memref<!tpu.dma_semaphore, #tpu.memory_space<semaphore_mem>>) src(%dma_wait3A_104 : memref<10240x16xf32, #tpu.memory_space<vmem_shared>>) dst(%arg10 : memref<128x16xf32, #tpu.memory_space<vmem>>)
        %dma_start3A_105 = arith.constant 0 : i32
        %dma_start3A_106 = tpu.memref_slice %arg7[%add3A_79, %dma_start3A_105] : memref<78x128xi32, #tpu.memory_space<vmem>> -> memref<1x128xi32, #tpu.memory_space<vmem>>
        %dma_start3A_107 = tpu.memref_squeeze %dma_start3A_106 : memref<1x128xi32, #tpu.memory_space<vmem>> -> memref<128xi32, #tpu.memory_space<vmem>>
        %dma_start3A_108 = arith.constant 0 : i32
        %dma_start3A_109 = arith.constant 0 : i32
        %dma_start3A_110 = tpu.memref_slice %arg15[%dma_start3A_108, %dma_start3A_109] : memref<10240x16xf32, #tpu.memory_space<vmem_shared>> -> memref<10240x16xf32, #tpu.memory_space<vmem_shared>>
        tpu.enqueue_indirect_dma source(%arg10 : memref<128x16xf32, #tpu.memory_space<vmem>>) target(%dma_start3A_110 : memref<10240x16xf32, #tpu.memory_space<vmem_shared>>) offsets(%dma_start3A_107 : memref<128xi32, #tpu.memory_space<vmem>>) semaphore(%arg20 : memref<!tpu.dma_semaphore, #tpu.memory_space<semaphore_mem>>) {add = true}
      } else {
      }
      %add3A_85 = arith.constant 3 : i32
      %add3A_86 = arith.addi %mul3A_63, %add3A_85 : i32
      %lt3A_87 = arith.constant 78 : i32
      %lt3A_88 = arith.cmpi slt, %add3A_86, %lt3A_87 : i32
      %convert_element_type3A_89 = arith.extui %lt3A_88 : i1 to i32
      %cond3A_90 = arith.constant 0 : i32
      %cond3A_91 = arith.cmpi ne, %convert_element_type3A_89, %cond3A_90 : i32
      scf.if %cond3A_91 {
        %add3A_92 = arith.constant 2 : i32
        %add3A_93 = arith.addi %add3A_86, %add3A_92 : i32
        %lt3A_94 = arith.constant 78 : i32
        %lt3A_95 = arith.cmpi slt, %add3A_93, %lt3A_94 : i32
        %convert_element_type3A_96 = arith.extui %lt3A_95 : i1 to i32
        %cond3A_97 = arith.constant 0 : i32
        %cond3A_98 = arith.cmpi ne, %convert_element_type3A_96, %cond3A_97 : i32
        scf.if %cond3A_98 {
          %ge3A = arith.constant 2 : i32
          %ge3A_111 = arith.cmpi sge, %add3A_86, %ge3A : i32
          %convert_element_type3A_112 = arith.extui %ge3A_111 : i1 to i32
          %cond3A_113 = arith.constant 0 : i32
          %cond3A_114 = arith.cmpi ne, %convert_element_type3A_112, %cond3A_113 : i32
          scf.if %cond3A_114 {
            %sub3A = arith.constant 2 : i32
            %sub3A_121 = arith.subi %add3A_86, %sub3A : i32
            %dma_wait3A_122 = arith.constant 0 : i32
            %dma_wait3A_123 = tpu.memref_slice %arg7[%sub3A_121, %dma_wait3A_122] : memref<78x128xi32, #tpu.memory_space<vmem>> -> memref<1x128xi32, #tpu.memory_space<vmem>>
            %dma_wait3A_124 = tpu.memref_squeeze %dma_wait3A_123 : memref<1x128xi32, #tpu.memory_space<vmem>> -> memref<128xi32, #tpu.memory_space<vmem>>
            %dma_wait3A_125 = arith.constant 0 : i32
            %dma_wait3A_126 = arith.constant 0 : i32
            %dma_wait3A_127 = tpu.memref_slice %arg15[%dma_wait3A_125, %dma_wait3A_126] : memref<10240x16xf32, #tpu.memory_space<vmem_shared>> -> memref<10240x16xf32, #tpu.memory_space<vmem_shared>>
            tpu.wait_indirect_dma semaphore(%arg23 : memref<!tpu.dma_semaphore, #tpu.memory_space<semaphore_mem>>) src(%arg13 : memref<128x16xf32, #tpu.memory_space<vmem>>) dst(%dma_wait3A_127 : memref<10240x16xf32, #tpu.memory_space<vmem_shared>>)
          } else {
          }
          %dma_start3A_115 = arith.constant 0 : i32
          %dma_start3A_116 = tpu.memref_slice %arg6[%add3A_93, %dma_start3A_115] : memref<78x128xi32, #tpu.memory_space<vmem>> -> memref<1x128xi32, #tpu.memory_space<vmem>>
          %dma_start3A_117 = tpu.memref_squeeze %dma_start3A_116 : memref<1x128xi32, #tpu.memory_space<vmem>> -> memref<128xi32, #tpu.memory_space<vmem>>
          %dma_start3A_118 = arith.constant 0 : i32
          %dma_start3A_119 = arith.constant 0 : i32
          %dma_start3A_120 = tpu.memref_slice %arg14[%dma_start3A_118, %dma_start3A_119] : memref<10240x16xf32, #tpu.memory_space<vmem_shared>> -> memref<10240x16xf32, #tpu.memory_space<vmem_shared>>
          tpu.enqueue_indirect_dma source(%dma_start3A_120 : memref<10240x16xf32, #tpu.memory_space<vmem_shared>>) target(%arg13 : memref<128x16xf32, #tpu.memory_space<vmem>>) offsets(%dma_start3A_117 : memref<128xi32, #tpu.memory_space<vmem>>) semaphore(%arg19 : memref<!tpu.dma_semaphore, #tpu.memory_space<semaphore_mem>>)
        } else {
        }
        %dma_wait3A_99 = arith.constant 0 : i32
        %dma_wait3A_100 = tpu.memref_slice %arg6[%add3A_86, %dma_wait3A_99] : memref<78x128xi32, #tpu.memory_space<vmem>> -> memref<1x128xi32, #tpu.memory_space<vmem>>
        %dma_wait3A_101 = tpu.memref_squeeze %dma_wait3A_100 : memref<1x128xi32, #tpu.memory_space<vmem>> -> memref<128xi32, #tpu.memory_space<vmem>>
        %dma_wait3A_102 = arith.constant 0 : i32
        %dma_wait3A_103 = arith.constant 0 : i32
        %dma_wait3A_104 = tpu.memref_slice %arg14[%dma_wait3A_102, %dma_wait3A_103] : memref<10240x16xf32, #tpu.memory_space<vmem_shared>> -> memref<10240x16xf32, #tpu.memory_space<vmem_shared>>
        tpu.wait_indirect_dma semaphore(%arg17 : memref<!tpu.dma_semaphore, #tpu.memory_space<semaphore_mem>>) src(%dma_wait3A_104 : memref<10240x16xf32, #tpu.memory_space<vmem_shared>>) dst(%arg11 : memref<128x16xf32, #tpu.memory_space<vmem>>)
        %dma_start3A_105 = arith.constant 0 : i32
        %dma_start3A_106 = tpu.memref_slice %arg7[%add3A_86, %dma_start3A_105] : memref<78x128xi32, #tpu.memory_space<vmem>> -> memref<1x128xi32, #tpu.memory_space<vmem>>
        %dma_start3A_107 = tpu.memref_squeeze %dma_start3A_106 : memref<1x128xi32, #tpu.memory_space<vmem>> -> memref<128xi32, #tpu.memory_space<vmem>>
        %dma_start3A_108 = arith.constant 0 : i32
        %dma_start3A_109 = arith.constant 0 : i32
        %dma_start3A_110 = tpu.memref_slice %arg15[%dma_start3A_108, %dma_start3A_109] : memref<10240x16xf32, #tpu.memory_space<vmem_shared>> -> memref<10240x16xf32, #tpu.memory_space<vmem_shared>>
        tpu.enqueue_indirect_dma source(%arg11 : memref<128x16xf32, #tpu.memory_space<vmem>>) target(%dma_start3A_110 : memref<10240x16xf32, #tpu.memory_space<vmem_shared>>) offsets(%dma_start3A_107 : memref<128xi32, #tpu.memory_space<vmem>>) semaphore(%arg21 : memref<!tpu.dma_semaphore, #tpu.memory_space<semaphore_mem>>) {add = true}
      } else {
      }
    }
    %scan3A_27 = arith.constant 20 : i32
    %dma_wait3A = arith.constant 74 : i32
    %dma_wait3A_28 = arith.constant 0 : i32
    %dma_wait3A_29 = tpu.memref_slice %arg7[%dma_wait3A, %dma_wait3A_28] : memref<78x128xi32, #tpu.memory_space<vmem>> -> memref<1x128xi32, #tpu.memory_space<vmem>>
    %dma_wait3A_30 = tpu.memref_squeeze %dma_wait3A_29 : memref<1x128xi32, #tpu.memory_space<vmem>> -> memref<128xi32, #tpu.memory_space<vmem>>
    %dma_wait3A_31 = arith.constant 0 : i32
    %dma_wait3A_32 = arith.constant 0 : i32
    %dma_wait3A_33 = tpu.memref_slice %arg15[%dma_wait3A_31, %dma_wait3A_32] : memref<10240x16xf32, #tpu.memory_space<vmem_shared>> -> memref<10240x16xf32, #tpu.memory_space<vmem_shared>>
    tpu.wait_indirect_dma semaphore(%arg20 : memref<!tpu.dma_semaphore, #tpu.memory_space<semaphore_mem>>) src(%arg10 : memref<128x16xf32, #tpu.memory_space<vmem>>) dst(%dma_wait3A_33 : memref<10240x16xf32, #tpu.memory_space<vmem_shared>>)
    %dma_wait3A_34 = arith.constant 75 : i32
    %dma_wait3A_35 = arith.constant 0 : i32
    %dma_wait3A_36 = tpu.memref_slice %arg7[%dma_wait3A_34, %dma_wait3A_35] : memref<78x128xi32, #tpu.memory_space<vmem>> -> memref<1x128xi32, #tpu.memory_space<vmem>>
    %dma_wait3A_37 = tpu.memref_squeeze %dma_wait3A_36 : memref<1x128xi32, #tpu.memory_space<vmem>> -> memref<128xi32, #tpu.memory_space<vmem>>
    %dma_wait3A_38 = arith.constant 0 : i32
    %dma_wait3A_39 = arith.constant 0 : i32
    %dma_wait3A_40 = tpu.memref_slice %arg15[%dma_wait3A_38, %dma_wait3A_39] : memref<10240x16xf32, #tpu.memory_space<vmem_shared>> -> memref<10240x16xf32, #tpu.memory_space<vmem_shared>>
    tpu.wait_indirect_dma semaphore(%arg21 : memref<!tpu.dma_semaphore, #tpu.memory_space<semaphore_mem>>) src(%arg11 : memref<128x16xf32, #tpu.memory_space<vmem>>) dst(%dma_wait3A_40 : memref<10240x16xf32, #tpu.memory_space<vmem_shared>>)
    %dma_wait3A_41 = arith.constant 76 : i32
    %dma_wait3A_42 = arith.constant 0 : i32
    %dma_wait3A_43 = tpu.memref_slice %arg7[%dma_wait3A_41, %dma_wait3A_42] : memref<78x128xi32, #tpu.memory_space<vmem>> -> memref<1x128xi32, #tpu.memory_space<vmem>>
    %dma_wait3A_44 = tpu.memref_squeeze %dma_wait3A_43 : memref<1x128xi32, #tpu.memory_space<vmem>> -> memref<128xi32, #tpu.memory_space<vmem>>
    %dma_wait3A_45 = arith.constant 0 : i32
    %dma_wait3A_46 = arith.constant 0 : i32
    %dma_wait3A_47 = tpu.memref_slice %arg15[%dma_wait3A_45, %dma_wait3A_46] : memref<10240x16xf32, #tpu.memory_space<vmem_shared>> -> memref<10240x16xf32, #tpu.memory_space<vmem_shared>>
    tpu.wait_indirect_dma semaphore(%arg22 : memref<!tpu.dma_semaphore, #tpu.memory_space<semaphore_mem>>) src(%arg12 : memref<128x16xf32, #tpu.memory_space<vmem>>) dst(%dma_wait3A_47 : memref<10240x16xf32, #tpu.memory_space<vmem_shared>>)
    %dma_wait3A_48 = arith.constant 77 : i32
    %dma_wait3A_49 = arith.constant 0 : i32
    %dma_wait3A_50 = tpu.memref_slice %arg7[%dma_wait3A_48, %dma_wait3A_49] : memref<78x128xi32, #tpu.memory_space<vmem>> -> memref<1x128xi32, #tpu.memory_space<vmem>>
    %dma_wait3A_51 = tpu.memref_squeeze %dma_wait3A_50 : memref<1x128xi32, #tpu.memory_space<vmem>> -> memref<128xi32, #tpu.memory_space<vmem>>
    %dma_wait3A_52 = arith.constant 0 : i32
    %dma_wait3A_53 = arith.constant 0 : i32
    %dma_wait3A_54 = tpu.memref_slice %arg15[%dma_wait3A_52, %dma_wait3A_53] : memref<10240x16xf32, #tpu.memory_space<vmem_shared>> -> memref<10240x16xf32, #tpu.memory_space<vmem_shared>>
    tpu.wait_indirect_dma semaphore(%arg23 : memref<!tpu.dma_semaphore, #tpu.memory_space<semaphore_mem>>) src(%arg13 : memref<128x16xf32, #tpu.memory_space<vmem>>) dst(%dma_wait3A_54 : memref<10240x16xf32, #tpu.memory_space<vmem_shared>>)
    %lt3A_55 = arith.constant 4 : i32
    %lt3A_56 = arith.cmpi slt, %add3A, %lt3A_55 : i32
    %convert_element_type3A_57 = arith.extui %lt3A_56 : i1 to i32
    %cond3A_58 = arith.constant 0 : i32
    %cond3A_59 = arith.cmpi ne, %convert_element_type3A_57, %cond3A_58 : i32
    scf.if %cond3A_59 {
      %dma_start3A_61 = arith.constant 0 : i32
      %dma_start3A_62 = arith.constant 0 : i32
      %dma_start3A_63 = tpu.memref_slice %arg8[%dma_start3A_61, %dma_start3A_62] : memref<1x128xi32, #tpu.memory_space<vmem>> -> memref<1x128xi32, #tpu.memory_space<vmem>>
      %dma_start3A_64 = tpu.memref_squeeze %dma_start3A_63 : memref<1x128xi32, #tpu.memory_space<vmem>> -> memref<128xi32, #tpu.memory_space<vmem>>
      %dma_start3A_65 = arith.constant 0 : i32
      %dma_start3A_66 = arith.constant 0 : i32
      %dma_start3A_67 = tpu.memref_slice %arg14[%dma_start3A_65, %dma_start3A_66] : memref<10240x16xf32, #tpu.memory_space<vmem_shared>> -> memref<10240x16xf32, #tpu.memory_space<vmem_shared>>
      tpu.enqueue_indirect_dma source(%dma_start3A_67 : memref<10240x16xf32, #tpu.memory_space<vmem_shared>>) target(%arg10 : memref<128x16xf32, #tpu.memory_space<vmem>>) offsets(%dma_start3A_64 : memref<128xi32, #tpu.memory_space<vmem>>) semaphore(%arg16 : memref<!tpu.dma_semaphore, #tpu.memory_space<semaphore_mem>>)
      %dma_wait3A_68 = arith.constant 0 : i32
      %dma_wait3A_69 = arith.constant 0 : i32
      %dma_wait3A_70 = tpu.memref_slice %arg8[%dma_wait3A_68, %dma_wait3A_69] : memref<1x128xi32, #tpu.memory_space<vmem>> -> memref<1x128xi32, #tpu.memory_space<vmem>>
      %dma_wait3A_71 = tpu.memref_squeeze %dma_wait3A_70 : memref<1x128xi32, #tpu.memory_space<vmem>> -> memref<128xi32, #tpu.memory_space<vmem>>
      %dma_wait3A_72 = arith.constant 0 : i32
      %dma_wait3A_73 = arith.constant 0 : i32
      %dma_wait3A_74 = tpu.memref_slice %arg14[%dma_wait3A_72, %dma_wait3A_73] : memref<10240x16xf32, #tpu.memory_space<vmem_shared>> -> memref<10240x16xf32, #tpu.memory_space<vmem_shared>>
      tpu.wait_indirect_dma semaphore(%arg16 : memref<!tpu.dma_semaphore, #tpu.memory_space<semaphore_mem>>) src(%dma_wait3A_74 : memref<10240x16xf32, #tpu.memory_space<vmem_shared>>) dst(%arg10 : memref<128x16xf32, #tpu.memory_space<vmem>>)
      %run_scoped3A_75 = arith.constant 0 : i32
      "tpu.region"() ({
        %run_scoped3A_76 = tpu.sem_alloc : memref<!tpu.dma_semaphore, #tpu.memory_space<semaphore_mem>>
        %dma_start3A_77 = arith.constant 0 : i32
        %dma_start3A_78 = tpu.memref_slice %arg9[%run_scoped3A_75, %dma_start3A_77] : memref<1x128xi32, #tpu.memory_space<vmem>> -> memref<1x128xi32, #tpu.memory_space<vmem>>
        %dma_start3A_79 = tpu.memref_squeeze %dma_start3A_78 : memref<1x128xi32, #tpu.memory_space<vmem>> -> memref<128xi32, #tpu.memory_space<vmem>>
        %dma_start3A_80 = arith.constant 0 : i32
        %dma_start3A_81 = arith.constant 0 : i32
        %dma_start3A_82 = tpu.memref_slice %arg15[%dma_start3A_80, %dma_start3A_81] : memref<10240x16xf32, #tpu.memory_space<vmem_shared>> -> memref<10240x16xf32, #tpu.memory_space<vmem_shared>>
        tpu.enqueue_indirect_dma source(%arg10 : memref<128x16xf32, #tpu.memory_space<vmem>>) target(%dma_start3A_82 : memref<10240x16xf32, #tpu.memory_space<vmem_shared>>) offsets(%dma_start3A_79 : memref<128xi32, #tpu.memory_space<vmem>>) semaphore(%run_scoped3A_76 : memref<!tpu.dma_semaphore, #tpu.memory_space<semaphore_mem>>) {add = true}
        %dma_wait3A_83 = arith.constant 0 : i32
        %dma_wait3A_84 = tpu.memref_slice %arg9[%run_scoped3A_75, %dma_wait3A_83] : memref<1x128xi32, #tpu.memory_space<vmem>> -> memref<1x128xi32, #tpu.memory_space<vmem>>
        %dma_wait3A_85 = tpu.memref_squeeze %dma_wait3A_84 : memref<1x128xi32, #tpu.memory_space<vmem>> -> memref<128xi32, #tpu.memory_space<vmem>>
        %dma_wait3A_86 = arith.constant 0 : i32
        %dma_wait3A_87 = arith.constant 0 : i32
        %dma_wait3A_88 = tpu.memref_slice %arg15[%dma_wait3A_86, %dma_wait3A_87] : memref<10240x16xf32, #tpu.memory_space<vmem_shared>> -> memref<10240x16xf32, #tpu.memory_space<vmem_shared>>
        tpu.wait_indirect_dma semaphore(%run_scoped3A_76 : memref<!tpu.dma_semaphore, #tpu.memory_space<semaphore_mem>>) src(%arg10 : memref<128x16xf32, #tpu.memory_space<vmem>>) dst(%dma_wait3A_88 : memref<10240x16xf32, #tpu.memory_space<vmem_shared>>)
        tpu.yield
      }) : () -> ()
    } else {
    }
    %barrier3A_60 = arith.constant 0 : index
    tpu.barrier barrier_id(%barrier3A_60)
    "tpu.region"() ({
      %run_scoped3A_61 = tpu.sem_alloc : memref<!tpu.dma_semaphore, #tpu.memory_space<semaphore_mem>>
      %dma_start3A_62 = arith.constant 0 : i32
      %dma_start3A_63 = arith.constant 0 : i32
      %dma_start3A_64 = tpu.memref_slice %arg5[%arg0, %dma_start3A_62, %dma_start3A_63] : memref<2x10240x128xf32, #tpu.memory_space<hbm>> -> memref<1x10240x128xf32, #tpu.memory_space<hbm>>
      %dma_start3A_65 = tpu.memref_squeeze %dma_start3A_64 : memref<1x10240x128xf32, #tpu.memory_space<hbm>> -> memref<10240x128xf32, #tpu.memory_space<hbm>>
      %dma_start3A_66 = arith.constant 0 : i32
      %dma_start3A_67 = tpu.memref_slice %dma_start3A_65[%mul3A_2, %dma_start3A_66] : memref<10240x128xf32, #tpu.memory_space<hbm>> -> memref<640x16xf32, #tpu.memory_space<hbm>>
      %dma_start3A_68 = arith.constant 0 : i32
      %dma_start3A_69 = tpu.memref_slice %arg15[%mul3A_2, %dma_start3A_68] : memref<10240x16xf32, #tpu.memory_space<vmem_shared>> -> memref<640x16xf32, #tpu.memory_space<vmem_shared>>
      tpu.enqueue_dma source(%dma_start3A_69 : memref<640x16xf32, #tpu.memory_space<vmem_shared>>) target(%dma_start3A_67 : memref<640x16xf32, #tpu.memory_space<hbm>>) target_semaphore(%run_scoped3A_61 : memref<!tpu.dma_semaphore, #tpu.memory_space<semaphore_mem>>)
      %dma_wait3A_70 = arith.constant 0 : i32
      %dma_wait3A_71 = arith.constant 0 : i32
      %dma_wait3A_72 = tpu.memref_slice %arg5[%arg0, %dma_wait3A_70, %dma_wait3A_71] : memref<2x10240x128xf32, #tpu.memory_space<hbm>> -> memref<1x10240x128xf32, #tpu.memory_space<hbm>>
      %dma_wait3A_73 = tpu.memref_squeeze %dma_wait3A_72 : memref<1x10240x128xf32, #tpu.memory_space<hbm>> -> memref<10240x128xf32, #tpu.memory_space<hbm>>
      %dma_wait3A_74 = arith.constant 0 : i32
      %dma_wait3A_75 = tpu.memref_slice %dma_wait3A_73[%mul3A_2, %dma_wait3A_74] : memref<10240x128xf32, #tpu.memory_space<hbm>> -> memref<640x16xf32, #tpu.memory_space<hbm>>
      %dma_wait3A_76 = arith.constant 0 : i32
      %dma_wait3A_77 = tpu.memref_slice %arg15[%mul3A_2, %dma_wait3A_76] : memref<10240x16xf32, #tpu.memory_space<vmem_shared>> -> memref<640x16xf32, #tpu.memory_space<vmem_shared>>
      tpu.wait_dma2 semaphore(%run_scoped3A_61 : memref<!tpu.dma_semaphore, #tpu.memory_space<semaphore_mem>>) src(%dma_wait3A_77 : memref<640x16xf32, #tpu.memory_space<vmem_shared>>) dst(%dma_wait3A_75 : memref<640x16xf32, #tpu.memory_space<hbm>>)
      tpu.yield
    }) : () -> ()
    return
  }
}

module attributes {stable_mosaic.version = 14 : i64} {
  func.func @body(%arg0: i32, %arg1: memref<2048x128xf32, #tpu.memory_space<vmem>>, %arg2: memref<128x20xf32, #tpu.memory_space<vmem>>, %arg3: memref<2048x2xf32, #tpu.memory_space<vmem>>, %arg4: memref<2048x128xf32, #tpu.memory_space<vmem>>, %arg5: memref<2048x1xf32, #tpu.memory_space<vmem>>) attributes {dimension_semantics = [#tpu.dimension_semantics<arbitrary>], iteration_bounds = array<i64: 5>, scalar_prefetch = 0 : i64, scratch_operands = 0 : i64, tpu.core_type = #tpu.core_type<tc>, window_params = [{transform_indices = @transform_0, window_bounds = array<i64: 2048, 128>}, {pipeline_mode = #tpu.pipeline_mode<synchronous>, transform_indices = @transform_1, window_bounds = array<i64: 128, 20>}, {transform_indices = @transform_2, window_bounds = array<i64: 2048, 2>}, {transform_indices = @transform_3, window_bounds = array<i64: 2048, 128>}, {transform_indices = @transform_4, window_bounds = array<i64: 2048, 1>}]} {
    %get3A = arith.constant 0 : index
    %get3A_0 = arith.constant 0 : index
    %get3A_1 = vector.load %arg3[%get3A, %get3A_0] : memref<2048x2xf32, #tpu.memory_space<vmem>>, vector<2048x1xf32>
    %get3A_2 = arith.constant 0 : index
    %get3A_3 = arith.constant 1 : index
    %get3A_4 = vector.load %arg3[%get3A_2, %get3A_3] : memref<2048x2xf32, #tpu.memory_space<vmem>>, vector<2048x1xf32>
    %add3A = arith.addf %get3A_1, %get3A_4 : vector<2048x1xf32>
    %add3A_5 = arith.constant 1.000000e+00 : f32
    %add3A_6 = vector.broadcast %add3A_5 : f32 to vector<2048x1xf32>
    %add3A_7 = arith.addf %add3A, %add3A_6 : vector<2048x1xf32>
    %rsqrt3A = math.rsqrt %add3A_7 : vector<2048x1xf32>
    %get3A_8 = arith.constant 0 : index
    %get3A_9 = arith.constant 0 : index
    %get3A_10 = vector.load %arg1[%get3A_8, %get3A_9] : memref<2048x128xf32, #tpu.memory_space<vmem>>, vector<2048x128xf32>
    %get3A_11 = arith.constant 0 : index
    %get3A_12 = arith.constant 0 : index
    %get3A_13 = vector.load %arg2[%get3A_11, %get3A_12] : memref<128x20xf32, #tpu.memory_space<vmem>>, vector<128x20xf32>
    %dot_general3A = arith.constant dense<0.000000e+00> : vector<2048x20xf32>
    %dot_general3A_14 = tpu.matmul %get3A_10, %get3A_13, %dot_general3A {dimension_numbers = #tpu.dot_dimension_numbers<[1], [0], [0], [1], [0, 0, 1, 1], [], []>, transpose_lhs_hint = false} : vector<2048x128xf32>, vector<128x20xf32>, vector<2048x20xf32> -> vector<2048x20xf32>
    %mul3A = vector.broadcast %rsqrt3A : vector<2048x1xf32> to vector<2048x20xf32>
    %mul3A_15 = arith.mulf %dot_general3A_14, %mul3A : vector<2048x20xf32>
    %jit3A = arith.constant 0 : i32
    %convert_element_type3A = arith.sitofp %jit3A : i32 to f32
    %pad3A = vector.broadcast %convert_element_type3A : f32 to vector<2048x108xf32>
    %pad3A_16 = tpu.concatenate %mul3A_15, %pad3A in 1 : vector<2048x20xf32>, vector<2048x108xf32> -> vector<2048x128xf32>
    %swap3A = arith.constant 0 : index
    %swap3A_17 = arith.constant 0 : index
    %swap3A_18 = vector.load %arg4[%swap3A, %swap3A_17] : memref<2048x128xf32, #tpu.memory_space<vmem>>, vector<2048x128xf32>
    tpu.vector_store %arg4[%swap3A, %swap3A_17], %pad3A_16 {strides = array<i32>} : memref<2048x128xf32, #tpu.memory_space<vmem>>, vector<2048x128xf32>,
    %swap3A_19 = arith.constant 0 : index
    %swap3A_20 = arith.constant 0 : index
    %swap3A_21 = vector.load %arg5[%swap3A_19, %swap3A_20] : memref<2048x1xf32, #tpu.memory_space<vmem>>, vector<2048x1xf32>
    tpu.vector_store %arg5[%swap3A_19, %swap3A_20], %rsqrt3A {strides = array<i32>} : memref<2048x1xf32, #tpu.memory_space<vmem>>, vector<2048x1xf32>,
    return
  }
  func.func @transform_0(%arg0: i32) -> (i32, i32) {
    %c0_i32 = arith.constant 0 : i32
    %c0_i32_0 = arith.constant 0 : i32
    return %arg0, %c0_i32 : i32, i32
  }
  func.func @transform_1(%arg0: i32) -> (i32, i32) {
    %c0_i32 = arith.constant 0 : i32
    %c0_i32_0 = arith.constant 0 : i32
    %c0_i32_1 = arith.constant 0 : i32
    return %c0_i32, %c0_i32_0 : i32, i32
  }
  func.func @transform_2(%arg0: i32) -> (i32, i32) {
    %c0_i32 = arith.constant 0 : i32
    %c0_i32_0 = arith.constant 0 : i32
    return %arg0, %c0_i32 : i32, i32
  }
  func.func @transform_3(%arg0: i32) -> (i32, i32) {
    %c0_i32 = arith.constant 0 : i32
    %c0_i32_0 = arith.constant 0 : i32
    return %arg0, %c0_i32 : i32, i32
  }
  func.func @transform_4(%arg0: i32) -> (i32, i32) {
    %c0_i32 = arith.constant 0 : i32
    %c0_i32_0 = arith.constant 0 : i32
    return %arg0, %c0_i32 : i32, i32
  }
}

module attributes {stable_mosaic.version = 14 : i64} {
  func.func @body(%arg0: i32, %arg1: memref<2x2048x128xf32, #tpu.memory_space<vmem>>, %arg2: memref<2048x128xf32, #tpu.memory_space<vmem>>, %arg3: memref<2048x1xf32, #tpu.memory_space<vmem>>, %arg4: memref<1x20xf32, #tpu.memory_space<vmem>>, %arg5: memref<20x16xf32, #tpu.memory_space<vmem>>, %arg6: memref<2048x128xf32, #tpu.memory_space<vmem>>) attributes {dimension_semantics = [#tpu.dimension_semantics<arbitrary>], iteration_bounds = array<i64: 5>, scalar_prefetch = 0 : i64, scratch_operands = 0 : i64, tpu.core_type = #tpu.core_type<tc>, window_params = [{transform_indices = @transform_0, window_bounds = array<i64: 2, 2048, 128>}, {transform_indices = @transform_1, window_bounds = array<i64: 2048, 128>}, {transform_indices = @transform_2, window_bounds = array<i64: 2048, 1>}, {pipeline_mode = #tpu.pipeline_mode<synchronous>, transform_indices = @transform_3, window_bounds = array<i64: 1, 20>}, {pipeline_mode = #tpu.pipeline_mode<synchronous>, transform_indices = @transform_4, window_bounds = array<i64: 20, 16>}, {transform_indices = @transform_5, window_bounds = array<i64: 2048, 128>}]} {
    %get3A = arith.constant 0 : index
    %get3A_0 = arith.constant 0 : index
    %get3A_1 = arith.constant 0 : index
    %get3A_2 = vector.load %arg1[%get3A, %get3A_0, %get3A_1] : memref<2x2048x128xf32, #tpu.memory_space<vmem>>, vector<1x2048x128xf32>
    %get3A_3 = vector.shape_cast %get3A_2 : vector<1x2048x128xf32> to vector<2048x128xf32>
    %get3A_4 = arith.constant 1 : index
    %get3A_5 = arith.constant 0 : index
    %get3A_6 = arith.constant 0 : index
    %get3A_7 = vector.load %arg1[%get3A_4, %get3A_5, %get3A_6] : memref<2x2048x128xf32, #tpu.memory_space<vmem>>, vector<1x2048x128xf32>
    %get3A_8 = vector.shape_cast %get3A_7 : vector<1x2048x128xf32> to vector<2048x128xf32>
    %add3A = arith.addf %get3A_3, %get3A_8 : vector<2048x128xf32>
    %get3A_9 = arith.constant 0 : index
    %get3A_10 = arith.constant 0 : index
    %get3A_11 = vector.load %arg2[%get3A_9, %get3A_10] : memref<2048x128xf32, #tpu.memory_space<vmem>>, vector<2048x128xf32>
    %add3A_12 = arith.addf %add3A, %get3A_11 : vector<2048x128xf32>
    %slice3A = vector.extract_strided_slice %add3A_12 {offsets = [0, 0], sizes = [2048, 20], strides = [1, 1]} : vector<2048x128xf32> to vector<2048x20xf32>
    %get3A_13 = arith.constant 0 : index
    %get3A_14 = arith.constant 0 : index
    %get3A_15 = vector.load %arg3[%get3A_13, %get3A_14] : memref<2048x1xf32, #tpu.memory_space<vmem>>, vector<2048x1xf32>
    %mul3A = vector.broadcast %get3A_15 : vector<2048x1xf32> to vector<2048x20xf32>
    %mul3A_16 = arith.mulf %mul3A, %slice3A : vector<2048x20xf32>
    %get3A_17 = arith.constant 0 : index
    %get3A_18 = arith.constant 0 : index
    %get3A_19 = vector.load %arg4[%get3A_17, %get3A_18] : memref<1x20xf32, #tpu.memory_space<vmem>>, vector<1x20xf32>
    %add3A_20 = vector.broadcast %get3A_19 : vector<1x20xf32> to vector<2048x20xf32>
    %add3A_21 = arith.addf %mul3A_16, %add3A_20 : vector<2048x20xf32>
    %max3A = arith.constant 0.000000e+00 : f32
    %max3A_22 = vector.broadcast %max3A : f32 to vector<2048x20xf32>
    %max3A_23 = arith.maximumf %add3A_21, %max3A_22 : vector<2048x20xf32>
    %get3A_24 = arith.constant 0 : index
    %get3A_25 = arith.constant 0 : index
    %get3A_26 = vector.load %arg5[%get3A_24, %get3A_25] : memref<20x16xf32, #tpu.memory_space<vmem>>, vector<20x16xf32>
    %dot_general3A = arith.constant dense<0.000000e+00> : vector<2048x16xf32>
    %dot_general3A_27 = tpu.matmul %max3A_23, %get3A_26, %dot_general3A {dimension_numbers = #tpu.dot_dimension_numbers<[1], [0], [0], [1], [0, 0, 1, 1], [], []>, transpose_lhs_hint = false} : vector<2048x20xf32>, vector<20x16xf32>, vector<2048x16xf32> -> vector<2048x16xf32>
    %get3A_28 = arith.constant 0 : index
    %get3A_29 = arith.constant 0 : index
    %get3A_30 = vector.load %arg3[%get3A_28, %get3A_29] : memref<2048x1xf32, #tpu.memory_space<vmem>>, vector<2048x1xf32>
    %mul3A_31 = vector.broadcast %get3A_30 : vector<2048x1xf32> to vector<2048x16xf32>
    %mul3A_32 = arith.mulf %dot_general3A_27, %mul3A_31 : vector<2048x16xf32>
    %jit3A = arith.constant 0 : i32
    %convert_element_type3A = arith.sitofp %jit3A : i32 to f32
    %pad3A = vector.broadcast %convert_element_type3A : f32 to vector<2048x112xf32>
    %pad3A_33 = tpu.concatenate %mul3A_32, %pad3A in 1 : vector<2048x16xf32>, vector<2048x112xf32> -> vector<2048x128xf32>
    %swap3A = arith.constant 0 : index
    %swap3A_34 = arith.constant 0 : index
    %swap3A_35 = vector.load %arg6[%swap3A, %swap3A_34] : memref<2048x128xf32, #tpu.memory_space<vmem>>, vector<2048x128xf32>
    tpu.vector_store %arg6[%swap3A, %swap3A_34], %pad3A_33 {strides = array<i32>} : memref<2048x128xf32, #tpu.memory_space<vmem>>, vector<2048x128xf32>,
    return
  }
  func.func @transform_0(%arg0: i32) -> (i32, i32, i32) {
    %c0_i32 = arith.constant 0 : i32
    %c0_i32_0 = arith.constant 0 : i32
    %c0_i32_1 = arith.constant 0 : i32
    return %c0_i32, %arg0, %c0_i32_0 : i32, i32, i32
  }
  func.func @transform_1(%arg0: i32) -> (i32, i32) {
    %c0_i32 = arith.constant 0 : i32
    %c0_i32_0 = arith.constant 0 : i32
    return %arg0, %c0_i32 : i32, i32
  }
  func.func @transform_2(%arg0: i32) -> (i32, i32) {
    %c0_i32 = arith.constant 0 : i32
    %c0_i32_0 = arith.constant 0 : i32
    return %arg0, %c0_i32 : i32, i32
  }
  func.func @transform_3(%arg0: i32) -> (i32, i32) {
    %c0_i32 = arith.constant 0 : i32
    %c0_i32_0 = arith.constant 0 : i32
    %c0_i32_1 = arith.constant 0 : i32
    return %c0_i32, %c0_i32_0 : i32, i32
  }
  func.func @transform_4(%arg0: i32) -> (i32, i32) {
    %c0_i32 = arith.constant 0 : i32
    %c0_i32_0 = arith.constant 0 : i32
    %c0_i32_1 = arith.constant 0 : i32
    return %c0_i32, %c0_i32_0 : i32, i32
  }
  func.func @transform_5(%arg0: i32) -> (i32, i32) {
    %c0_i32 = arith.constant 0 : i32
    %c0_i32_0 = arith.constant 0 : i32
    return %arg0, %c0_i32 : i32, i32
  }
}

module attributes {stable_mosaic.version = 14 : i64} {
  func.func @body(%arg0: i32, %arg1: memref<2x2048x128xf32, #tpu.memory_space<vmem>>, %arg2: memref<2048x128xf32, #tpu.memory_space<vmem>>, %arg3: memref<2048x1xf32, #tpu.memory_space<vmem>>, %arg4: memref<1x16xf32, #tpu.memory_space<vmem>>, %arg5: memref<2048x16xf32, #tpu.memory_space<vmem>>) attributes {dimension_semantics = [#tpu.dimension_semantics<arbitrary>], iteration_bounds = array<i64: 5>, scalar_prefetch = 0 : i64, scratch_operands = 0 : i64, tpu.core_type = #tpu.core_type<tc>, window_params = [{transform_indices = @transform_0, window_bounds = array<i64: 2, 2048, 128>}, {transform_indices = @transform_1, window_bounds = array<i64: 2048, 128>}, {transform_indices = @transform_2, window_bounds = array<i64: 2048, 1>}, {pipeline_mode = #tpu.pipeline_mode<synchronous>, transform_indices = @transform_3, window_bounds = array<i64: 1, 16>}, {transform_indices = @transform_4, window_bounds = array<i64: 2048, 16>}]} {
    %get3A = arith.constant 0 : index
    %get3A_0 = arith.constant 0 : index
    %get3A_1 = arith.constant 0 : index
    %get3A_2 = vector.load %arg1[%get3A, %get3A_0, %get3A_1] : memref<2x2048x128xf32, #tpu.memory_space<vmem>>, vector<1x2048x128xf32>
    %get3A_3 = vector.shape_cast %get3A_2 : vector<1x2048x128xf32> to vector<2048x128xf32>
    %get3A_4 = arith.constant 1 : index
    %get3A_5 = arith.constant 0 : index
    %get3A_6 = arith.constant 0 : index
    %get3A_7 = vector.load %arg1[%get3A_4, %get3A_5, %get3A_6] : memref<2x2048x128xf32, #tpu.memory_space<vmem>>, vector<1x2048x128xf32>
    %get3A_8 = vector.shape_cast %get3A_7 : vector<1x2048x128xf32> to vector<2048x128xf32>
    %add3A = arith.addf %get3A_3, %get3A_8 : vector<2048x128xf32>
    %get3A_9 = arith.constant 0 : index
    %get3A_10 = arith.constant 0 : index
    %get3A_11 = vector.load %arg2[%get3A_9, %get3A_10] : memref<2048x128xf32, #tpu.memory_space<vmem>>, vector<2048x128xf32>
    %add3A_12 = arith.addf %add3A, %get3A_11 : vector<2048x128xf32>
    %slice3A = vector.extract_strided_slice %add3A_12 {offsets = [0, 0], sizes = [2048, 16], strides = [1, 1]} : vector<2048x128xf32> to vector<2048x16xf32>
    %get3A_13 = arith.constant 0 : index
    %get3A_14 = arith.constant 0 : index
    %get3A_15 = vector.load %arg3[%get3A_13, %get3A_14] : memref<2048x1xf32, #tpu.memory_space<vmem>>, vector<2048x1xf32>
    %mul3A = vector.broadcast %get3A_15 : vector<2048x1xf32> to vector<2048x16xf32>
    %mul3A_16 = arith.mulf %mul3A, %slice3A : vector<2048x16xf32>
    %get3A_17 = arith.constant 0 : index
    %get3A_18 = arith.constant 0 : index
    %get3A_19 = vector.load %arg4[%get3A_17, %get3A_18] : memref<1x16xf32, #tpu.memory_space<vmem>>, vector<1x16xf32>
    %add3A_20 = vector.broadcast %get3A_19 : vector<1x16xf32> to vector<2048x16xf32>
    %add3A_21 = arith.addf %mul3A_16, %add3A_20 : vector<2048x16xf32>
    %reduce_max3A = arith.constant dense<0xFF800000> : vector<2048xf32>
    %reduce_max3A_22 = vector.multi_reduction <maximumf>, %add3A_21, %reduce_max3A [1] : vector<2048x16xf32> to vector<2048xf32>
    %broadcast_in_dim3A = vector.shape_cast %reduce_max3A_22 : vector<2048xf32> to vector<2048x1xf32>
    %sub3A = vector.broadcast %broadcast_in_dim3A : vector<2048x1xf32> to vector<2048x16xf32>
    %sub3A_23 = arith.subf %add3A_21, %sub3A : vector<2048x16xf32>
    %exp3A = math.exp %sub3A_23 : vector<2048x16xf32>
    %sub3A_24 = vector.broadcast %broadcast_in_dim3A : vector<2048x1xf32> to vector<2048x16xf32>
    %sub3A_25 = arith.subf %add3A_21, %sub3A_24 : vector<2048x16xf32>
    %reduce_sum3A = arith.constant dense<0.000000e+00> : vector<2048xf32>
    %reduce_sum3A_26 = vector.multi_reduction <add>, %exp3A, %reduce_sum3A [1] : vector<2048x16xf32> to vector<2048xf32>
    %broadcast_in_dim3A_27 = vector.shape_cast %reduce_sum3A_26 : vector<2048xf32> to vector<2048x1xf32>
    %log3A = math.log %broadcast_in_dim3A_27 : vector<2048x1xf32>
    %sub3A_28 = vector.broadcast %log3A : vector<2048x1xf32> to vector<2048x16xf32>
    %sub3A_29 = arith.subf %sub3A_25, %sub3A_28 : vector<2048x16xf32>
    %swap3A = arith.constant 0 : index
    %swap3A_30 = arith.constant 0 : index
    %swap3A_31 = vector.load %arg5[%swap3A, %swap3A_30] : memref<2048x16xf32, #tpu.memory_space<vmem>>, vector<2048x16xf32>
    tpu.vector_store %arg5[%swap3A, %swap3A_30], %sub3A_29 {strides = array<i32>} : memref<2048x16xf32, #tpu.memory_space<vmem>>, vector<2048x16xf32>,
    return
  }
  func.func @transform_0(%arg0: i32) -> (i32, i32, i32) {
    %c0_i32 = arith.constant 0 : i32
    %c0_i32_0 = arith.constant 0 : i32
    %c0_i32_1 = arith.constant 0 : i32
    return %c0_i32, %arg0, %c0_i32_0 : i32, i32, i32
  }
  func.func @transform_1(%arg0: i32) -> (i32, i32) {
    %c0_i32 = arith.constant 0 : i32
    %c0_i32_0 = arith.constant 0 : i32
    return %arg0, %c0_i32 : i32, i32
  }
  func.func @transform_2(%arg0: i32) -> (i32, i32) {
    %c0_i32 = arith.constant 0 : i32
    %c0_i32_0 = arith.constant 0 : i32
    return %arg0, %c0_i32 : i32, i32
  }
  func.func @transform_3(%arg0: i32) -> (i32, i32) {
    %c0_i32 = arith.constant 0 : i32
    %c0_i32_0 = arith.constant 0 : i32
    %c0_i32_1 = arith.constant 0 : i32
    return %c0_i32, %c0_i32_0 : i32, i32
  }
  func.func @transform_4(%arg0: i32) -> (i32, i32) {
    %c0_i32 = arith.constant 0 : i32
    %c0_i32_0 = arith.constant 0 : i32
    return %arg0, %c0_i32 : i32, i32
  }
}

</mosaic_0001>

<sc_bundles>
// kernel: kernel.11.cloned.1.call-start
scs
__scs_entry_jumppad:
0x0: {  	(pc) =	sbr.rel $0x88, $3  }
0x1: {  	(tag) =	ssettag $0x0;
	lr =	simm.s32 $0x1  }
0x2: {  	[smem:$0x3F9B] =	sst lr;
	_ =	strace $0xD0000000  }
0x3: {  	_ = 	snop  }
0x4: {  	_ = 	snop  }
0x5: {  	_ = 	snop  }
0x6: {  	_ = 	snop  }
0x7: {  	_ = 	snop  }
__scs_overlays_trampoline_lowered:
0x8: {  	[smem:$0x3FAA] =	sst s0  }
0x9: {  	[smem:$0x3FAB] =	sst s1  }
0xa: {  	[smem:$0x3FAC] =	sst s2  }
0xb: {  	[smem:$0x3FAD] =	sst s3  }
0xc: {  	[smem:$0x3FAE] =	sst s4  }
0xd: {  	[smem:$0x3FAF] =	sst s5  }
0xe: {  	[smem:$0x3FB0] =	sst s6  }
0xf: {  	[smem:$0x3FB1] =	sst s7  }
0x10: {  	[smem:$0x3FB2] =	sst s8  }
0x11: {  	[smem:$0x3FB3] =	sst s9;
	s0 =	simm.s32 @!p0 $0x0  }
0x12: {  	s1 =	sld [smem:$0x3F99];
	s0 =	simm.s32 @p0 $0x1  }
0x13: {  	[smem:$0x3FB4] =	sst s0;
	s0 =	simm.s32 @!p1 $0x0  }
0x14: {  	s2 =	sld [smem:$0x3F98];
	s0 =	simm.s32 @p1 $0x1  }
0x15: {  	[smem:$0x3FB5] =	sst s0;
	s0 =	simm.s32 @!p2 $0x0  }
0x16: {  	s3 =	sld [smem:$0x3FDB];
	s0 =	simm.s32 @p2 $0x1  }
0x17: {  	s4 =	simm.s32 $0x1BF5;
	[smem:$0x3FB7] =	sst s0  }
0x18: {  	s0 =	sld [smem:$0x3F9A];
	_ =	swait.ge [sflag:s4], $0x0  }
0x19: {  	s7 =	sld [smem:$0x3F9B]  }
0x1a: {  	s8 =	sadd.s32 $0xFFFFE003, lr  }
0x1b: {  	s9 =	sadd.s32 $0xFFFFFEF7, lr;
	s5 =	simm.s32 $0xFFFFFFFF;
	p2 =	slt.u32 s8, $0xFFFFF086  }
0x1c: {  	p1 =	slt.u32 s9, $0xF7A;
	s5 =	simm.s32 @!p2 $0x0  }
0x1d: {  	s5 =	simm.s32 @p1 $0x1;
	p0 =	seq.s32 s7, s2  }
0x1e: {  	s7 =	smul.u32 @!p0 $0xF7A, s2;
	p2 =	seq.s32 @!p0 s5, $0x0  }
0x1f: {  	s9 =	smul.u32 $0xF7A, s1;
	s8 =	simm.s32 @!p0 $0x1BF5;
	p2 =	por !p2, p0  }
0x20: {  	[sflag:s8] =	ssyncset.s32 @!p0 $0xFFFFF086;
	s6 =	sadd.s32 @!p0 s3, s7;
	s7 =	simm.s32 @!p0 $0x108  }
0x21: {  	s3 =	sadd.s32 s3, s9;
	s6 =	sadd.s32 @!p0 $0x88, s6;
	s7 =	simm.s32 @p2 $0x1082  }
0x22: {  	[simem:s7], [sflag:s8] =	dma.local @!p0 [hbm:s6], $0xF7A  }
0x23: {  	s9 =	sor.u32 $0xD0000000, s2;
	s6 =	simm.s32 $0x108;
	_ =	swait.ge @!p0 [sflag:s8], $0x0  }
0x24: {  	s3 =	sadd.s32 $0x88, s3;
	s6 =	simm.s32 @!p1 $0x1082;
	[sflag:s4] =	ssyncset.s32 $0xFFFFF086  }
0x25: {  	[simem:s6], [sflag:s4] =	dma.local [hbm:s3], $0xF7A  }
0x26: {  	[smem:$0x3F9B] =	sst s1;
	(tag) =	ssettag s2;
	_ =	strace s9  }
0x27: {  	s1 =	sld [smem:$0x3FAB]  }
0x28: {  	s2 =	sld [smem:$0x3FAC]  }
0x29: {  	s4 =	sld [smem:$0x3FAE]  }
0x2a: {  	p0 =	seq.s32 s5, $0x0;
	s5 =	sld [smem:$0x3FAF]  }
0x2b: {  	s6 =	sld [smem:$0x3FB0]  }
0x2c: {  	s7 =	sld [smem:$0x3FB1]  }
0x2d: {  	s3 =	simm.s32 $0x108;
	s8 =	sld [smem:$0x3FB2]  }
0x2e: {  	s3 =	simm.s32 @!p0 $0x1082;
	s9 =	sld [smem:$0x3FB3]  }
0x2f: {  	lr =	sadd.s32 s0, s3;
	s0 =	sld [smem:$0x3FAA]  }
0x30: {  	s3 =	sld [smem:$0x3FAD]  }
0x31: {  	[smem:$0x3FB6] =	sst s10  }
0x32: {  	s10 =	sld [smem:$0x3FB4];
	_ =	sdelay $0x3  }
0x33: {  	p0 =	seq.s32 s10, $0x1;
	s10 =	sld [smem:$0x3FB6];
	_ =	sdelay $0x3  }
0x34: {  	[smem:$0x3FB6] =	sst s10  }
0x35: {  	s10 =	sld [smem:$0x3FB5];
	_ =	sdelay $0x3  }
0x36: {  	p1 =	seq.s32 s10, $0x1;
	s10 =	sld [smem:$0x3FB6];
	_ =	sdelay $0x3  }
0x37: {  	[smem:$0x3FB6] =	sst s10  }
0x38: {  	s10 =	sld [smem:$0x3FB7]  }
0x39: {  	_ = 	snop;
	(pc) =	sbr.ind lr, $3  }
0x3a: {  	_ = 	snop  }
0x3b: {  	_ = 	snop  }
0x3c: {  	p2 =	seq.s32 s10, $0x1;
	s10 =	sld [smem:$0x3FB6]  }
0x3d: {  	_ =	shalt  }
0x3e: {  	_ =	shalt  }
0x3f: {  	_ =	shalt  }
0x40: {  	_ =	shalt  }
0x41: {  	_ =	shalt  }
0x42: {  	_ =	shalt  }
0x43: {  	_ =	shalt  }
0x44: {  	_ =	shalt  }
0x45: {  	_ =	shalt  }
0x46: {  	_ =	shalt  }
0x47: {  	_ =	shalt  }
0x48: {  	_ =	shalt  }
0x49: {  	_ =	shalt  }
0x4a: {  	_ =	shalt  }
0x4b: {  	_ =	shalt  }
0x4c: {  	_ =	shalt  }
0x4d: {  	_ =	shalt  }
0x4e: {  	_ =	shalt  }
0x4f: {  	_ =	shalt  }
0x50: {  	_ =	shalt  }
0x51: {  	_ =	shalt  }
0x52: {  	_ =	shalt  }
0x53: {  	_ =	shalt  }
0x54: {  	_ =	shalt  }
0x55: {  	_ =	shalt  }
0x56: {  	_ =	shalt  }
0x57: {  	_ =	shalt  }
0x58: {  	_ =	shalt  }
0x59: {  	_ =	shalt  }
0x5a: {  	_ =	shalt  }
0x5b: {  	_ =	shalt  }
0x5c: {  	_ =	shalt  }
0x5d: {  	_ =	shalt  }
0x5e: {  	_ =	shalt  }
0x5f: {  	_ =	shalt  }
0x60: {  	_ =	shalt  }
0x61: {  	_ =	shalt  }
0x62: {  	_ =	shalt  }
0x63: {  	_ =	shalt  }
0x64: {  	_ =	shalt  }
0x65: {  	_ =	shalt  }
0x66: {  	_ =	shalt  }
0x67: {  	_ =	shalt  }
0x68: {  	_ =	shalt  }
0x69: {  	_ =	shalt  }
0x6a: {  	_ =	shalt  }
0x6b: {  	_ =	shalt  }
0x6c: {  	_ =	shalt  }
0x6d: {  	_ =	shalt  }
0x6e: {  	_ =	shalt  }
0x6f: {  	_ =	shalt  }
0x70: {  	_ =	shalt  }
0x71: {  	_ =	shalt  }
0x72: {  	_ =	shalt  }
0x73: {  	_ =	shalt  }
0x74: {  	_ =	shalt  }
0x75: {  	_ =	shalt  }
0x76: {  	_ =	shalt  }
0x77: {  	_ =	shalt  }
0x78: {  	_ =	shalt  }
0x79: {  	_ =	shalt  }
0x7a: {  	_ =	shalt  }
0x7b: {  	_ =	shalt  }
0x7c: {  	_ =	shalt  }
0x7d: {  	_ =	shalt  }
0x7e: {  	_ =	shalt  }
0x7f: {  	_ =	shalt  }
0x80: {  	_ =	shalt  }
0x81: {  	_ =	shalt  }
0x82: {  	_ =	shalt  }
0x83: {  	_ =	shalt  }
0x84: {  	_ =	shalt  }
0x85: {  	_ =	shalt  }
0x86: {  	_ =	shalt  }
0x87: {  	_ =	shalt  }
.Lfunc_end0:
.L_simem_size_0:
called_computation.1_lowered:
.L_overlay_start_0:
0x88: {  	s2 =	sld [smem:$0x3FD9]  }
0x89: {  	s3 =	sld [smem:$0x3FFE];
	_ =	sdelay $0x1  }
0x8a: {  	s1 =	srdreg.scid  }
0x8b: {  	s0 =	sand.u32 $0x1, s1  }
0x8c: {  	s16 =	sshll.u32 s0, $0xA;
	s2 =	sadd.s32 s3, s2  }
0x8d: {  	s2 =	sadd.s32 s2, s16  }
0x8e: {  	[smem:$0x3FC2] =	sst s2  }
0x8f: {  	_ = 	snop  }
0x90: {  	(tm) =	ssettm $0x1  }
0x91: {  	s17 =	sld [smem:$0x3FFB];
	_ =	sdelay $0x3  }
0x92: {  	_ =	strace s17  }
0x93: {  	s2 =	sld [smem:$0x3FFC];
	_ =	sdelay $0x3  }
0x94: {  	_ =	strace s2  }
0x95: {  	s2 =	sld [smem:$0x3FFD];
	_ =	sdelay $0x3  }
0x96: {  	_ =	strace s2  }
0x97: {  	_ =	strace $0x8FFFFFFF  }
0x98: {  	s18 =	sld [smem:$0x3FDB];
	_ =	sdelay $0x1  }
0x99: {  	s19 =	simm.s32 $_scs_section_size  }
0x9a: {  	s4 =	simm.s32 $_size__tile_overlayer_lowered;
	s5 =	simm.s32 $_tile_overlayer_lowered  }
0x9b: {  	s22 =	simm.s32 $0x1BFF;
	s21 =	sshll.u32 s5, $0x1;
	s2 =	sadd.s32 s19, s18  }
0x9c: {  	s6 =	simm.s32 $0x0;
	s20 =	sshll.u32 s4, $0x1;
	s4 =	sadd.s32 s21, s2  }
0x9d: {  	[timem:s6], [sflag:s22] =	dma.local [hbm:s4], s20  }
0x9e: {  	_ =	swait.ge [sflag:s22], s20  }
0x9f: {  	s3 =	ssub.s32 $0x0, s20;
	[sflag:s22] =	ssyncset.done $0x0  }
0xa0: {  	[sflag:s22] =	ssyncadd.s32 s3;
	_ =	sdelay $0x1  }
0xa1: {  	s23 =	simm.s32 $0x1B8B  }
0xa2: {  	_ =	swait.ge [sflag:s23], $0x1  }
0xa3: {  	[sflag:s23] =	ssyncset.done $0x0  }
0xa4: {  	s25 =	simm.s32 $0x1B8E;
	s24 =	sld [smem:$0x3FFE];
	[sflag:s23] =	ssyncadd.s32 $0xFFFFFFFF  }
0xa5: {  	s26 =	simm.s32 $execute0_lowered;
	[smem:$0x3FD2] =	sst s25  }
0xa6: {  	s4 =	sshll.u32 s26, $0x1;
	_ =	strace $0x80000049;
	[dreg:$0x1] =	wrdreg $0xFFFFFFFF  }
0xa7: {  	s28 =	simm.s32 $_size_execute0_lowered;
	s2 =	sadd.s32 s2, s4;
	[dreg:$0x0] =	wrdreg $0x0  }
0xa8: {  	s4 =	sshll.u32 s28, $0x1;
	[dreg:$0x2] =	wrdreg s2  }
0xa9: {  	[dreg:$0x3] =	wrdreg s4  }
0xaa: {  	[dreg:$0x4] =	wrdreg $0xC0  }
0xab: {  	_ =	task [dreg:s6], $0x5FFFF  }
0xac: {  	[dreg:$0x1] =	wrdreg $0xFFFFFFFF  }
0xad: {  	[dreg:$0x0] =	wrdreg $0x60  }
0xae: {  	[dreg:$0x2] =	wrdreg s24  }
0xaf: {  	[dreg:$0x3] =	wrdreg $0xBB000  }
0xb0: {  	[dreg:$0x4] =	wrdreg $0x7F000  }
0xb1: {  	[dreg:$0x5] =	wrdreg $0x9  }
0xb2: {  	_ =	task.clear_ibuf [dreg:s6], $0x6FFFF;
	_ =	strace $0x90000049  }
0xb3: {  	s29 =	simm.s32 $0x9;
	_ =	strace $0x8000004B  }
0xb4: {  	_ =	swait.ge [sflag:s29], $0x1  }
0xb5: {  	[sflag:s29] =	ssyncadd.s32 $0xFFFFFFFF  }
0xb6: {  	_ =	strace $0x9000004B  }
0xb7: {  	_ =	sfence  }
0xb8: {  	s30 =	sld [smem:$0x0];
	_ =	sdelay $0x2  }
0xb9: {  	s31 =	sshll.u32 s1, $0xD;
	s1 =	sshrl.u32 s1, $0x2  }
0xba: {  	s3 =	sand.u32 $0x4000, s31;
	s1 =	sadd.s32 s1, s30  }
0xbb: {  	s0 =	sor.u32 s3, s0;
	s1 =	sshll.u32 s1, $0x11  }
0xbc: {  	s0 =	sor.u32 s1, s0  }
0xbd: {  	s0 =	sadd.s32 $0x8F2B, s0  }
0xbe: {  	[sflag:s0] =	ssyncadd.remote.s32 $0x1  }
0xbf: {  	_ =	sfence.sel $0xFFFF  }
0xc0: {  	[dreg:$0x0] =	wrdreg $0xFFFFFFFF;
	(pc) =	sbr.abs _section_cstart, $3  }
0xc1: {  	[dreg:$0x1] =	wrdreg $0xFFFFFFFF  }
0xc2: {  	_ =	task.clear_ibuf [dreg:s6], $0x2FFFF;
	_ =	strace $0x9FFFFFFF  }
0xc3: {  	(tm) =	ssettm $0x7FFFFFFF  }
tec
execute0_lowered:
.L_overlay_start_1:
0x0: {  	(tag) =	ssettag $0x1  }
0x1: {  	s0 =	rddreg [dreg:$0x0]  }
0x2: {  	s2 =	rddreg [dreg:$0x1]  }
0x3: {  	s3 =	rddreg [dreg:$0x2]  }
0x4: {  	s4 =	simm.s32 $0x0;
	s16 =	stileid.u32;
	s6 =	srdreg.scid  }
0x5: {  	s17 =	simm.s32 $0x3;
	s18 =	simm.s32 $0x10;
	s29 =	simm.s32 $0x5B00  }
0x6: {  	s30 =	simm.s32 $0x4;
	s28 =	simm.s32 $0x8;
	s1 =	smul.u32 $0x2800, s16  }
0x7: {  	s31 =	simm.s32 $0x5;
	[smem:$0x7FF] =	sst s4;
	s5 =	smul.u32 $0x3C00, s16  }
0x8: {  	s9 =	sadd.s32 $0x2C00, s0;
	s6 =	sand.u32 $0x1, s6;
	s21 =	sshll.u32 s16, $0x6  }
0x9: {  	s22 =	sshll.u32 s16, $0x4;
	_ =	strace $0x8000004A;
	s10 =	smul.u32 $0x28000, s6  }
0xa: {  	s11 =	ssub.s32 $0x2, s6;
	s6 =	sshll.u32 s6, $0x4;
	s7 =	sadd.s32 s1, s0  }
0xb: {  	s8 =	sshrl.u32 s5, $0x3;
	s12 =	sshrl.u32 s11, $0x1;
	s14 =	sor.u32 s16, s6  }
0xc: {  	s15 =	sadd.s32 s5, s2;
	s6 =	sor.u32 $0x1C09, s21;
	s5 =	sadd.s32 s5, s3  }
0xd: {  	s16 =	simm.s32 $0x1;
	s21 =	simm.s32 $0x80;
	s8 =	sadd.s32 s8, s0  }
0xe: {  	s13 =	sadd.s32 s10, s0;
	s12 =	ssub.s32 s11, s12;
	s19 =	smul.u32 $0x4E0, s14  }
0xf: {  	s7 =	sadd.s32 $0x16600, s7;
	s10 =	sadd.s32 $0xC840, s0;
	p0 =	sgt.u32 s14, $0x3  }
0x10: {  	s14 =	simm.s32 $0x9;
	s0 =	simm.s32 $0x7;
	s20 =	sadd.s32 $0x3E600, s8  }
0x11: {  	[dreg:$0x5] =	wrdreg s7;
	s8 =	sor.u32 $0x9C00, s22;
	s25 =	sadd.s32 $0x45E00, s13  }
0x12: {  	s26 =	smax.u32 s12, $0x1;
	s13 =	sshrl.u32 s15, $0x3;
	s15 =	sshrl.u32 s5, $0x3  }
0x13: {  	s22 =	simm.s32 $0x6700;
	s5 =	simm.s32 $0x0;
	[dreg:$0x4] =	wrdreg s20  }
0x14: {  	s23 =	sadd.s32 s9, s19;
	s24 =	sadd.s32 s9, s8;
	[dreg:$0x8] =	wrdreg s26  }
0x15: {  	s19 =	sadd.s32 s19, s10;
	s20 =	simm.s32 $0x2700;
	[dreg:$0x6] =	wrdreg s23  }
0x16: {  	s26 =	simm.s32 $0x4F00;
	[dreg:$0x7] =	wrdreg s24;
	s23 =	simm.s32 $0x7300  }
0x17: {  	s24 =	sadd.s32 s1, s25;
	s1 =	simm.s32 $0x2;
	s25 =	simm.s32 $0x6  }
.LBB2_1:
0x18: {  	s7 =	rddreg [dreg:$0x4]  }
0x19: {  	[spmem:s13], [sflag:s6] =	dma.local [hbm:s7], $0x780  }
0x1a: {  	_ =	swait.ge [sflag:s14], $0x780  }
0x1b: {  	[sflag:s14] =	ssyncset.done $0x0  }
0x1c: {  	s12 =	rddreg [dreg:$0x5];
	[sflag:s14] =	ssyncadd.s32 $0xFFFFF880  }
0x1d: {  	[spmem:s15@s17], [sflag:s6] =	dma.strided [hbm:s12@s18], $0x780, s16, $0x3   }
0x1e: {  	_ =	swait.ge [sflag:s14], $0x780  }
0x1f: {  	[sflag:s14] =	ssyncset.done $0x0  }
0x20: {  	s9 =	rddreg [dreg:$0x6];
	[sflag:s14] =	ssyncadd.s32 $0xFFFFF880  }
0x21: {  	[tilespmem:s4], [sflag:$0x9] =	stream.linear.gather [hbm4b:s9+s4], $0x2700, $0x38;
	[tilespmem:$0xF700] =	vst v63  }
0x22: {  	_ =	swait.ge [sflag:s14], $0x2700  }
0x23: {  	[sflag:s14] =	ssyncset.done $0x0  }
0x24: {  	[sflag:s14] =	ssyncadd.s32 $0xFFFFD900  }
0x25: {  	[tilespmem:s20], [sflag:$0x9] =	stream.linear.gather [hbm4b:s19+s4], $0x2700, $0x38;
	[tilespmem:$0xF700] =	vst v63  }
0x26: {  	_ =	swait.ge [sflag:s14], $0x2700  }
0x27: {  	s7 =	simm.s32 @!p0 $0x0;
	[sflag:s14] =	ssyncset.done $0x0  }
0x28: {  	s9 =	simm.s32 @!p0 $0x4E00;
	s11 =	rddreg [dreg:$0x7];
	[sflag:s14] =	ssyncadd.s32 $0xFFFFD900  }
0x29: {  	[tilespmem:s9], [sflag:$0x9] =	stream.linear.gather @!p0 [hbm4b:s11+s7], $0x80, $0x38;
	[tilespmem:$0xF700] =	vst v63  }
0x2a: {  	s9 =	simm.s32 @!p0 $0x9  }
0x2b: {  	_ =	swait.ge @!p0 [sflag:s9], $0x80  }
0x2c: {  	[sflag:s9] =	ssyncset.done @!p0 $0x0  }
0x2d: {  	s12 =	simm.s32 @!p0 $0x4E80;
	s11 =	sadd.s32 @!p0 s8, s10;
	[sflag:s9] =	ssyncadd.s32 @!p0 $0xFFFFFF80  }
0x2e: {  	[tilespmem:s12], [sflag:$0x9] =	stream.linear.gather @!p0 [hbm4b:s11+s7], $0x80, $0x38;
	[tilespmem:$0xF700] =	vst v63  }
0x2f: {  	_ =	swait.ge @!p0 [sflag:s9], $0x80  }
0x30: {  	[sflag:s9] =	ssyncset.done @!p0 $0x0  }
0x31: {  	[sflag:s9] =	ssyncadd.s32 @!p0 $0xFFFFFF80  }
0x32: {  	[bflag:$0x0] =	sbarrier.arrive $0xFFFF  }
0x33: {  	[tilespmem:s22], [sflag:$0x3] =	stream.indirect.gather [spmem:s3], $0x18, s4, s21, $0xb8;
	[tilespmem:$0xF700] =	vst v63  }
0x34: {  	_ = 	snop  }
0x35: {  	[tilespmem:s23], [sflag:$0x4] =	stream.indirect.gather [spmem:s3], $0x18, s21, s21, $0xb8;
	[tilespmem:$0xF700] =	vst v63  }
0x36: {  	s11 =	simm.s32 $0x100  }
0x37: {  	[tilespmem:s26], [sflag:$0x1] =	stream.indirect.gather [spmem:s3], $0x18, s11, s21, $0xb8;
	[tilespmem:$0xF700] =	vst v63  }
0x38: {  	_ =	swait.ge [sflag:s17], $0xC00  }
0x39: {  	[sflag:s17] =	ssyncset.done $0x0  }
0x3a: {  	[sflag:s17] =	ssyncadd.s32 $0xFFFFF400  }
0x3b: {  	[spmem:s2] =	stream.indirect.scatter.add.f32 [tilespmem:s22], [sflag:$0x7], $0x18, s20, s21, $0xb8;
	[tilespmem:$0xF700] =	vst v63  }
0x3c: {  	s12 =	simm.s32 $0x180  }
0x3d: {  	[tilespmem:s29], [sflag:$0x2] =	stream.indirect.gather [spmem:s3], $0x18, s12, s21, $0xb8;
	[tilespmem:$0xF700] =	vst v63  }
0x3e: {  	_ =	swait.ge [sflag:s30], $0xC00  }
0x3f: {  	[sflag:s30] =	ssyncset.done $0x0  }
0x40: {  	s9 =	simm.s32 $0x2780;
	[sflag:s30] =	ssyncadd.s32 $0xFFFFF400  }
0x41: {  	[spmem:s2] =	stream.indirect.scatter.add.f32 [tilespmem:s23], [sflag:$0x8], $0x18, s9, s21, $0xb8;
	[tilespmem:$0xF700] =	vst v63  }
0x42: {  	_ =	swait.ge [sflag:s0], $0xC00  }
0x43: {  	[sflag:s0] =	ssyncset.done $0x0  }
0x44: {  	s11 =	simm.s32 $0x200;
	[sflag:s0] =	ssyncadd.s32 $0xFFFFF400  }
0x45: {  	[tilespmem:s22], [sflag:$0x3] =	stream.indirect.gather [spmem:s3], $0x18, s11, s21, $0xb8;
	[tilespmem:$0xF700] =	vst v63  }
0x46: {  	_ =	swait.ge [sflag:s16], $0xC00  }
0x47: {  	[sflag:s16] =	ssyncset.done $0x0  }
0x48: {  	s12 =	simm.s32 $0x2800;
	[sflag:s16] =	ssyncadd.s32 $0xFFFFF400  }
0x49: {  	[spmem:s2] =	stream.indirect.scatter.add.f32 [tilespmem:s26], [sflag:$0x5], $0x18, s12, s21, $0xb8;
	[tilespmem:$0xF700] =	vst v63  }
0x4a: {  	_ =	swait.ge [sflag:s28], $0xC00  }
0x4b: {  	[sflag:s28] =	ssyncset.done $0x0  }
0x4c: {  	s9 =	simm.s32 $0x280;
	[sflag:s28] =	ssyncadd.s32 $0xFFFFF400  }
0x4d: {  	[tilespmem:s23], [sflag:$0x4] =	stream.indirect.gather [spmem:s3], $0x18, s9, s21, $0xb8;
	[tilespmem:$0xF700] =	vst v63  }
0x4e: {  	_ =	swait.ge [sflag:s1], $0xC00  }
0x4f: {  	[sflag:s1] =	ssyncset.done $0x0  }
0x50: {  	s11 =	simm.s32 $0x2880;
	[sflag:s1] =	ssyncadd.s32 $0xFFFFF400  }
0x51: {  	[spmem:s2] =	stream.indirect.scatter.add.f32 [tilespmem:s29], [sflag:$0x6], $0x18, s11, s21, $0xb8;
	[tilespmem:$0xF700] =	vst v63  }
0x52: {  	_ =	swait.ge [sflag:s31], $0xC00  }
0x53: {  	[sflag:s31] =	ssyncset.done $0x0  }
0x54: {  	s12 =	simm.s32 $0x300;
	[sflag:s31] =	ssyncadd.s32 $0xFFFFF400  }
0x55: {  	[tilespmem:s26], [sflag:$0x1] =	stream.indirect.gather [spmem:s3], $0x18, s12, s21, $0xb8;
	[tilespmem:$0xF700] =	vst v63  }
0x56: {  	_ =	swait.ge [sflag:s17], $0xC00  }
0x57: {  	[sflag:s17] =	ssyncset.done $0x0  }
0x58: {  	s9 =	simm.s32 $0x2900;
	[sflag:s17] =	ssyncadd.s32 $0xFFFFF400  }
0x59: {  	[spmem:s2] =	stream.indirect.scatter.add.f32 [tilespmem:s22], [sflag:$0x7], $0x18, s9, s21, $0xb8;
	[tilespmem:$0xF700] =	vst v63  }
0x5a: {  	_ =	swait.ge [sflag:s25], $0xC00  }
0x5b: {  	[sflag:s25] =	ssyncset.done $0x0  }
0x5c: {  	s11 =	simm.s32 $0x380;
	[sflag:s25] =	ssyncadd.s32 $0xFFFFF400  }
0x5d: {  	[tilespmem:s29], [sflag:$0x2] =	stream.indirect.gather [spmem:s3], $0x18, s11, s21, $0xb8;
	[tilespmem:$0xF700] =	vst v63  }
0x5e: {  	_ =	swait.ge [sflag:s30], $0xC00  }
0x5f: {  	[sflag:s30] =	ssyncset.done $0x0  }
0x60: {  	s12 =	simm.s32 $0x2980;
	[sflag:s30] =	ssyncadd.s32 $0xFFFFF400  }
0x61: {  	[spmem:s2] =	stream.indirect.scatter.add.f32 [tilespmem:s23], [sflag:$0x8], $0x18, s12, s21, $0xb8;
	[tilespmem:$0xF700] =	vst v63  }
0x62: {  	_ =	swait.ge [sflag:s0], $0xC00  }
0x63: {  	[sflag:s0] =	ssyncset.done $0x0  }
0x64: {  	s9 =	simm.s32 $0x400;
	[sflag:s0] =	ssyncadd.s32 $0xFFFFF400  }
0x65: {  	[tilespmem:s22], [sflag:$0x3] =	stream.indirect.gather [spmem:s3], $0x18, s9, s21, $0xb8;
	[tilespmem:$0xF700] =	vst v63  }
0x66: {  	_ =	swait.ge [sflag:s16], $0xC00  }
0x67: {  	[sflag:s16] =	ssyncset.done $0x0  }
0x68: {  	s11 =	simm.s32 $0x2A00;
	[sflag:s16] =	ssyncadd.s32 $0xFFFFF400  }
0x69: {  	[spmem:s2] =	stream.indirect.scatter.add.f32 [tilespmem:s26], [sflag:$0x5], $0x18, s11, s21, $0xb8;
	[tilespmem:$0xF700] =	vst v63  }
0x6a: {  	_ =	swait.ge [sflag:s28], $0xC00  }
0x6b: {  	[sflag:s28] =	ssyncset.done $0x0  }
0x6c: {  	s12 =	simm.s32 $0x480;
	[sflag:s28] =	ssyncadd.s32 $0xFFFFF400  }
0x6d: {  	[tilespmem:s23], [sflag:$0x4] =	stream.indirect.gather [spmem:s3], $0x18, s12, s21, $0xb8;
	[tilespmem:$0xF700] =	vst v63  }
0x6e: {  	_ =	swait.ge [sflag:s1], $0xC00  }
0x6f: {  	[sflag:s1] =	ssyncset.done $0x0  }
0x70: {  	s7 =	simm.s32 $0x800;
	s9 =	simm.s32 $0x2A80;
	[sflag:s1] =	ssyncadd.s32 $0xFFFFF400  }
.LBB2_2:
0x71: {  	[spmem:s2] =	stream.indirect.scatter.add.f32 [tilespmem:s29], [sflag:$0x6], $0x18, s9, s21, $0xb8;
	[tilespmem:$0xF700] =	vst v63  }
0x72: {  	s9 =	smov.u32 s7  }
0x73: {  	p1 =	sne.s32 s7, $0x8800;
	s7 =	sadd.s32 $0x800, s7;
	_ =	swait.ge [sflag:s31], $0xC00  }
0x74: {  	s9 =	sshra.s32 s9, $0x2;
	[sflag:s31] =	ssyncset.done $0x0  }
0x75: {  	s11 =	sadd.s32 $0x300, s9;
	[sflag:s31] =	ssyncadd.s32 $0xFFFFF400  }
0x76: {  	[tilespmem:s26], [sflag:$0x1] =	stream.indirect.gather [spmem:s3], $0x18, s11, s21, $0xb8;
	[tilespmem:$0xF700] =	vst v63  }
0x77: {  	_ =	swait.ge [sflag:s17], $0xC00  }
0x78: {  	[sflag:s17] =	ssyncset.done $0x0  }
0x79: {  	s11 =	sadd.s32 $0x2900, s9;
	[sflag:s17] =	ssyncadd.s32 $0xFFFFF400  }
0x7a: {  	[spmem:s2] =	stream.indirect.scatter.add.f32 [tilespmem:s22], [sflag:$0x7], $0x18, s11, s21, $0xb8;
	[tilespmem:$0xF700] =	vst v63  }
0x7b: {  	_ =	swait.ge [sflag:s25], $0xC00  }
0x7c: {  	[sflag:s25] =	ssyncset.done $0x0  }
0x7d: {  	s11 =	sadd.s32 $0x380, s9;
	[sflag:s25] =	ssyncadd.s32 $0xFFFFF400  }
0x7e: {  	[tilespmem:s29], [sflag:$0x2] =	stream.indirect.gather [spmem:s3], $0x18, s11, s21, $0xb8;
	[tilespmem:$0xF700] =	vst v63  }
0x7f: {  	_ =	swait.ge [sflag:s30], $0xC00  }
0x80: {  	[sflag:s30] =	ssyncset.done $0x0  }
0x81: {  	s11 =	sadd.s32 $0x2980, s9;
	[sflag:s30] =	ssyncadd.s32 $0xFFFFF400  }
0x82: {  	[spmem:s2] =	stream.indirect.scatter.add.f32 [tilespmem:s23], [sflag:$0x8], $0x18, s11, s21, $0xb8;
	[tilespmem:$0xF700] =	vst v63  }
0x83: {  	_ =	swait.ge [sflag:s0], $0xC00  }
0x84: {  	[sflag:s0] =	ssyncset.done $0x0  }
0x85: {  	s11 =	sadd.s32 $0x400, s9;
	[sflag:s0] =	ssyncadd.s32 $0xFFFFF400  }
0x86: {  	[tilespmem:s22], [sflag:$0x3] =	stream.indirect.gather [spmem:s3], $0x18, s11, s21, $0xb8;
	[tilespmem:$0xF700] =	vst v63  }
0x87: {  	_ =	swait.ge [sflag:s16], $0xC00  }
0x88: {  	[sflag:s16] =	ssyncset.done $0x0  }
0x89: {  	s11 =	sadd.s32 $0x2A00, s9;
	[sflag:s16] =	ssyncadd.s32 $0xFFFFF400  }
0x8a: {  	[spmem:s2] =	stream.indirect.scatter.add.f32 [tilespmem:s26], [sflag:$0x5], $0x18, s11, s21, $0xb8;
	[tilespmem:$0xF700] =	vst v63  }
0x8b: {  	_ =	swait.ge [sflag:s28], $0xC00  }
0x8c: {  	[sflag:s28] =	ssyncset.done $0x0  }
.Ltmp0:
0x8d: {  	s11 =	sadd.s32 $0x480, s9;
	[sflag:s28] =	ssyncadd.s32 $0xFFFFF400;
	(pc) =	sbr.rel @p1 .LBB2_2-.Ltmp0, $4  }
0x8e: {  	[tilespmem:s23], [sflag:$0x4] =	stream.indirect.gather [spmem:s3], $0x18, s11, s21, $0xb8;
	[tilespmem:$0xF700] =	vst v63  }
0x8f: {  	_ =	swait.ge [sflag:s1], $0xC00  }
0x90: {  	[sflag:s1] =	ssyncset.done $0x0  }
0x91: {  	s9 =	sadd.s32 $0x2A80, s9;
	[sflag:s1] =	ssyncadd.s32 $0xFFFFF400  }
0x92: {  	[spmem:s2] =	stream.indirect.scatter.add.f32 [tilespmem:s29], [sflag:$0x6], $0x18, s9, s21, $0xb8;
	[tilespmem:$0xF700] =	vst v63  }
0x93: {  	_ =	swait.ge [sflag:s17], $0xC00  }
0x94: {  	[sflag:s17] =	ssyncset.done $0x0  }
0x95: {  	s7 =	simm.s32 $0x4D00;
	[sflag:s17] =	ssyncadd.s32 $0xFFFFF400  }
0x96: {  	[spmem:s2] =	stream.indirect.scatter.add.f32 [tilespmem:s22], [sflag:$0x7], $0x18, s7, s21, $0xb8;
	[tilespmem:$0xF700] =	vst v63  }
0x97: {  	_ =	swait.ge [sflag:s30], $0xC00  }
0x98: {  	[sflag:s30] =	ssyncset.done $0x0  }
0x99: {  	s11 =	simm.s32 $0x4D80;
	[sflag:s30] =	ssyncadd.s32 $0xFFFFF400  }
0x9a: {  	[spmem:s2] =	stream.indirect.scatter.add.f32 [tilespmem:s23], [sflag:$0x8], $0x18, s11, s21, $0xb8;
	[tilespmem:$0xF700] =	vst v63  }
0x9b: {  	_ =	swait.ge [sflag:s31], $0xC00  }
0x9c: {  	[sflag:s31] =	ssyncset.done $0x0  }
0x9d: {  	[sflag:s31] =	ssyncadd.s32 $0xFFFFF400  }
0x9e: {  	_ =	swait.ge [sflag:s25], $0xC00  }
0x9f: {  	[sflag:s25] =	ssyncset.done $0x0  }
0xa0: {  	[sflag:s25] =	ssyncadd.s32 $0xFFFFF400  }
0xa1: {  	_ =	swait.ge [sflag:s0], $0xC00  }
0xa2: {  	[sflag:s0] =	ssyncset.done $0x0  }
0xa3: {  	[sflag:s0] =	ssyncadd.s32 $0xFFFFF400  }
0xa4: {  	_ =	swait.ge [sflag:s28], $0xC00  }
0xa5: {  	s9 =	simm.s32 @!p0 $0x4E00;
	[sflag:s28] =	ssyncset.done $0x0  }
0xa6: {  	s7 =	simm.s32 @!p0 $0x80;
	s11 =	simm.s32 @!p0 $0x4F00;
	[sflag:s28] =	ssyncadd.s32 $0xFFFFF400  }
0xa7: {  	[tilespmem:s11], [sflag:$0x1] =	stream.indirect.gather @!p0 [spmem:s3], $0x18, s9, s7, $0xb8;
	[tilespmem:$0xF700] =	vst v63  }
0xa8: {  	s9 =	simm.s32 @!p0 $0x1  }
0xa9: {  	_ =	swait.ge @!p0 [sflag:s9], $0xC00  }
0xaa: {  	[sflag:s9] =	ssyncset.done @!p0 $0x0  }
0xab: {  	[sflag:s9] =	ssyncadd.s32 @!p0 $0xFFFFF400;
	s9 =	simm.s32 @!p0 $0x4E80  }
0xac: {  	[spmem:s2] =	stream.indirect.scatter.add.f32 @!p0 [tilespmem:s11], [sflag:$0x9], $0x18, s9, s7, $0xb8;
	[tilespmem:$0xF700] =	vst v63  }
0xad: {  	s7 =	simm.s32 @!p0 $0x9  }
0xae: {  	_ =	swait.ge @!p0 [sflag:s7], $0xC00  }
0xaf: {  	[sflag:s7] =	ssyncset.done @!p0 $0x0  }
0xb0: {  	[sflag:s7] =	ssyncadd.s32 @!p0 $0xFFFFF400  }
0xb1: {  	[bflag:$0x0] =	sbarrier.arrive $0xFFFF  }
0xb2: {  	[hbm:s24@s18], [sflag:s6] =	dma.strided [spmem:s13@s17], $0x780, s16, $0x3   }
0xb3: {  	_ =	swait.ge [sflag:s14], $0x780  }
0xb4: {  	s5 =	sadd.s32 $0x1, s5;
	s12 =	rddreg [dreg:$0x8]  }
0xb5: {  	p1 =	sne.s32 s5, s12  }
.Ltmp1:
0xb6: {  	_ = 	snop;
	(pc) =	sbr.rel @p1 .LBB2_1-.Ltmp1, $3  }
0xb7: {  	_ =	sdelay $0x1  }
0xb8: {  	[sflag:s14] =	ssyncset.done $0x0  }
0xb9: {  	[sflag:s14] =	ssyncadd.s32 $0xFFFFF880  }
0xba: {  	_ =	sfence.sel $0x180000  }
0xbb: {  	[bflag:$0x0] =	sbarrier.arrive $0xFFFF  }
0xbc: {  	_ =	strace $0x9000004A  }
0xbd: {  	s0 =	stileid.u32;
	[bflag:$0x2] =	sbarrier.arrive $0xFFFF  }
0xbe: {  	p0 =	sne.s32 s0, $0x0;
	s0 =	rddreg [dreg:$0x3]  }
0xbf: {  	s0 =	sadd.s32 @!p0 $0x100000, s0  }
0xc0: {  	[sflag:s0] =	ssyncadd.tile.s32 @!p0 $0x1;
	_ =	shalt  }
.Lfunc_end2:
_tile_overlayer_lowered:
.L_overlay_start_2:
0xc1: {  	(tag) =	ssettag $0x2  }
0xc2: {  	s0 =	rddreg [dreg:$0x0];
	s2 =	stileid.u32  }
0xc3: {  	s1 =	rddreg [dreg:$0x1];
	p0 =	sne.s32 s2, $0x0  }
0xc4: {  	s3 =	rddreg [dreg:$0x2];
	[bflag:$0x3] =	sbarrier.arrive $0xFFFF;
	s2 =	simm.s32 @!p0 $0x1C09  }
0xc5: {  	[timem:s3], [sflag:s2] =	dma.local @!p0 [hbm:s0], s1  }
0xc6: {  	s0 =	simm.s32 @!p0 $0x9  }
0xc7: {  	_ =	swait.ge @!p0 [sflag:s0], s1  }
0xc8: {  	s1 =	ssub.s32 @!p0 $0x0, s1;
	[sflag:s0] =	ssyncset.done @!p0 $0x0  }
0xc9: {  	[sflag:s0] =	ssyncadd.s32 @!p0 s1  }
0xca: {  	[bflag:$0x3] =	sbarrier.arrive $0xFFFF  }
0xcb: {  	_ =	shalt  }

// kernel: kernel.14.cloned.1.call-start
scs
__scs_entry_jumppad:
0x0: {  	(pc) =	sbr.rel $0x88, $3  }
0x1: {  	(tag) =	ssettag $0x0;
	lr =	simm.s32 $0x1  }
0x2: {  	[smem:$0x3F9B] =	sst lr;
	_ =	strace $0xD0000000  }
0x3: {  	_ = 	snop  }
0x4: {  	_ = 	snop  }
0x5: {  	_ = 	snop  }
0x6: {  	_ = 	snop  }
0x7: {  	_ = 	snop  }
__scs_overlays_trampoline_lowered:
0x8: {  	[smem:$0x3FAA] =	sst s0  }
0x9: {  	[smem:$0x3FAB] =	sst s1  }
0xa: {  	[smem:$0x3FAC] =	sst s2  }
0xb: {  	[smem:$0x3FAD] =	sst s3  }
0xc: {  	[smem:$0x3FAE] =	sst s4  }
0xd: {  	[smem:$0x3FAF] =	sst s5  }
0xe: {  	[smem:$0x3FB0] =	sst s6  }
0xf: {  	[smem:$0x3FB1] =	sst s7  }
0x10: {  	[smem:$0x3FB2] =	sst s8  }
0x11: {  	[smem:$0x3FB3] =	sst s9;
	s0 =	simm.s32 @!p0 $0x0  }
0x12: {  	s1 =	sld [smem:$0x3F99];
	s0 =	simm.s32 @p0 $0x1  }
0x13: {  	[smem:$0x3FB4] =	sst s0;
	s0 =	simm.s32 @!p1 $0x0  }
0x14: {  	s2 =	sld [smem:$0x3F98];
	s0 =	simm.s32 @p1 $0x1  }
0x15: {  	[smem:$0x3FB5] =	sst s0;
	s0 =	simm.s32 @!p2 $0x0  }
0x16: {  	s3 =	sld [smem:$0x3FDB];
	s0 =	simm.s32 @p2 $0x1  }
0x17: {  	s4 =	simm.s32 $0x1BF5;
	[smem:$0x3FB7] =	sst s0  }
0x18: {  	s0 =	sld [smem:$0x3F9A];
	_ =	swait.ge [sflag:s4], $0x0  }
0x19: {  	s7 =	sld [smem:$0x3F9B]  }
0x1a: {  	s8 =	sadd.s32 $0xFFFFE003, lr  }
0x1b: {  	s9 =	sadd.s32 $0xFFFFFEF7, lr;
	s5 =	simm.s32 $0xFFFFFFFF;
	p2 =	slt.u32 s8, $0xFFFFF086  }
0x1c: {  	p1 =	slt.u32 s9, $0xF7A;
	s5 =	simm.s32 @!p2 $0x0  }
0x1d: {  	s5 =	simm.s32 @p1 $0x1;
	p0 =	seq.s32 s7, s2  }
0x1e: {  	s7 =	smul.u32 @!p0 $0xF7A, s2;
	p2 =	seq.s32 @!p0 s5, $0x0  }
0x1f: {  	s9 =	smul.u32 $0xF7A, s1;
	s8 =	simm.s32 @!p0 $0x1BF5;
	p2 =	por !p2, p0  }
0x20: {  	[sflag:s8] =	ssyncset.s32 @!p0 $0xFFFFF086;
	s6 =	sadd.s32 @!p0 s3, s7;
	s7 =	simm.s32 @!p0 $0x108  }
0x21: {  	s3 =	sadd.s32 s3, s9;
	s6 =	sadd.s32 @!p0 $0x88, s6;
	s7 =	simm.s32 @p2 $0x1082  }
0x22: {  	[simem:s7], [sflag:s8] =	dma.local @!p0 [hbm:s6], $0xF7A  }
0x23: {  	s9 =	sor.u32 $0xD0000000, s2;
	s6 =	simm.s32 $0x108;
	_ =	swait.ge @!p0 [sflag:s8], $0x0  }
0x24: {  	s3 =	sadd.s32 $0x88, s3;
	s6 =	simm.s32 @!p1 $0x1082;
	[sflag:s4] =	ssyncset.s32 $0xFFFFF086  }
0x25: {  	[simem:s6], [sflag:s4] =	dma.local [hbm:s3], $0xF7A  }
0x26: {  	[smem:$0x3F9B] =	sst s1;
	(tag) =	ssettag s2;
	_ =	strace s9  }
0x27: {  	s1 =	sld [smem:$0x3FAB]  }
0x28: {  	s2 =	sld [smem:$0x3FAC]  }
0x29: {  	s4 =	sld [smem:$0x3FAE]  }
0x2a: {  	p0 =	seq.s32 s5, $0x0;
	s5 =	sld [smem:$0x3FAF]  }
0x2b: {  	s6 =	sld [smem:$0x3FB0]  }
0x2c: {  	s7 =	sld [smem:$0x3FB1]  }
0x2d: {  	s3 =	simm.s32 $0x108;
	s8 =	sld [smem:$0x3FB2]  }
0x2e: {  	s3 =	simm.s32 @!p0 $0x1082;
	s9 =	sld [smem:$0x3FB3]  }
0x2f: {  	lr =	sadd.s32 s0, s3;
	s0 =	sld [smem:$0x3FAA]  }
0x30: {  	s3 =	sld [smem:$0x3FAD]  }
0x31: {  	[smem:$0x3FB6] =	sst s10  }
0x32: {  	s10 =	sld [smem:$0x3FB4];
	_ =	sdelay $0x3  }
0x33: {  	p0 =	seq.s32 s10, $0x1;
	s10 =	sld [smem:$0x3FB6];
	_ =	sdelay $0x3  }
0x34: {  	[smem:$0x3FB6] =	sst s10  }
0x35: {  	s10 =	sld [smem:$0x3FB5];
	_ =	sdelay $0x3  }
0x36: {  	p1 =	seq.s32 s10, $0x1;
	s10 =	sld [smem:$0x3FB6];
	_ =	sdelay $0x3  }
0x37: {  	[smem:$0x3FB6] =	sst s10  }
0x38: {  	s10 =	sld [smem:$0x3FB7]  }
0x39: {  	_ = 	snop;
	(pc) =	sbr.ind lr, $3  }
0x3a: {  	_ = 	snop  }
0x3b: {  	_ = 	snop  }
0x3c: {  	p2 =	seq.s32 s10, $0x1;
	s10 =	sld [smem:$0x3FB6]  }
0x3d: {  	_ =	shalt  }
0x3e: {  	_ =	shalt  }
0x3f: {  	_ =	shalt  }
0x40: {  	_ =	shalt  }
0x41: {  	_ =	shalt  }
0x42: {  	_ =	shalt  }
0x43: {  	_ =	shalt  }
0x44: {  	_ =	shalt  }
0x45: {  	_ =	shalt  }
0x46: {  	_ =	shalt  }
0x47: {  	_ =	shalt  }
0x48: {  	_ =	shalt  }
0x49: {  	_ =	shalt  }
0x4a: {  	_ =	shalt  }
0x4b: {  	_ =	shalt  }
0x4c: {  	_ =	shalt  }
0x4d: {  	_ =	shalt  }
0x4e: {  	_ =	shalt  }
0x4f: {  	_ =	shalt  }
0x50: {  	_ =	shalt  }
0x51: {  	_ =	shalt  }
0x52: {  	_ =	shalt  }
0x53: {  	_ =	shalt  }
0x54: {  	_ =	shalt  }
0x55: {  	_ =	shalt  }
0x56: {  	_ =	shalt  }
0x57: {  	_ =	shalt  }
0x58: {  	_ =	shalt  }
0x59: {  	_ =	shalt  }
0x5a: {  	_ =	shalt  }
0x5b: {  	_ =	shalt  }
0x5c: {  	_ =	shalt  }
0x5d: {  	_ =	shalt  }
0x5e: {  	_ =	shalt  }
0x5f: {  	_ =	shalt  }
0x60: {  	_ =	shalt  }
0x61: {  	_ =	shalt  }
0x62: {  	_ =	shalt  }
0x63: {  	_ =	shalt  }
0x64: {  	_ =	shalt  }
0x65: {  	_ =	shalt  }
0x66: {  	_ =	shalt  }
0x67: {  	_ =	shalt  }
0x68: {  	_ =	shalt  }
0x69: {  	_ =	shalt  }
0x6a: {  	_ =	shalt  }
0x6b: {  	_ =	shalt  }
0x6c: {  	_ =	shalt  }
0x6d: {  	_ =	shalt  }
0x6e: {  	_ =	shalt  }
0x6f: {  	_ =	shalt  }
0x70: {  	_ =	shalt  }
0x71: {  	_ =	shalt  }
0x72: {  	_ =	shalt  }
0x73: {  	_ =	shalt  }
0x74: {  	_ =	shalt  }
0x75: {  	_ =	shalt  }
0x76: {  	_ =	shalt  }
0x77: {  	_ =	shalt  }
0x78: {  	_ =	shalt  }
0x79: {  	_ =	shalt  }
0x7a: {  	_ =	shalt  }
0x7b: {  	_ =	shalt  }
0x7c: {  	_ =	shalt  }
0x7d: {  	_ =	shalt  }
0x7e: {  	_ =	shalt  }
0x7f: {  	_ =	shalt  }
0x80: {  	_ =	shalt  }
0x81: {  	_ =	shalt  }
0x82: {  	_ =	shalt  }
0x83: {  	_ =	shalt  }
0x84: {  	_ =	shalt  }
0x85: {  	_ =	shalt  }
0x86: {  	_ =	shalt  }
0x87: {  	_ =	shalt  }
.Lfunc_end0:
.L_simem_size_0:
called_computation.2_lowered:
.L_overlay_start_0:
0x88: {  	s2 =	sld [smem:$0x3FD9]  }
0x89: {  	s3 =	sld [smem:$0x3FFE];
	_ =	sdelay $0x1  }
0x8a: {  	s1 =	srdreg.scid  }
0x8b: {  	s0 =	sand.u32 $0x1, s1  }
0x8c: {  	s16 =	sshll.u32 s0, $0xA;
	s2 =	sadd.s32 s3, s2  }
0x8d: {  	s2 =	sadd.s32 s2, s16  }
0x8e: {  	[smem:$0x3FC2] =	sst s2  }
0x8f: {  	_ = 	snop  }
0x90: {  	(tm) =	ssettm $0x1  }
0x91: {  	s17 =	sld [smem:$0x3FFB];
	_ =	sdelay $0x3  }
0x92: {  	_ =	strace s17  }
0x93: {  	s2 =	sld [smem:$0x3FFC];
	_ =	sdelay $0x3  }
0x94: {  	_ =	strace s2  }
0x95: {  	s2 =	sld [smem:$0x3FFD];
	_ =	sdelay $0x3  }
0x96: {  	_ =	strace s2  }
0x97: {  	_ =	strace $0x8FFFFFFF  }
0x98: {  	s18 =	sld [smem:$0x3FDB];
	_ =	sdelay $0x1  }
0x99: {  	s19 =	simm.s32 $_scs_section_size  }
0x9a: {  	s4 =	simm.s32 $_size__tile_overlayer_lowered;
	s5 =	simm.s32 $_tile_overlayer_lowered  }
0x9b: {  	s22 =	simm.s32 $0x1BFF;
	s21 =	sshll.u32 s5, $0x1;
	s2 =	sadd.s32 s19, s18  }
0x9c: {  	s6 =	simm.s32 $0x0;
	s20 =	sshll.u32 s4, $0x1;
	s4 =	sadd.s32 s21, s2  }
0x9d: {  	[timem:s6], [sflag:s22] =	dma.local [hbm:s4], s20  }
0x9e: {  	_ =	swait.ge [sflag:s22], s20  }
0x9f: {  	s3 =	ssub.s32 $0x0, s20;
	[sflag:s22] =	ssyncset.done $0x0  }
0xa0: {  	[sflag:s22] =	ssyncadd.s32 s3;
	_ =	sdelay $0x1  }
0xa1: {  	s23 =	simm.s32 $0x1B8B  }
0xa2: {  	_ =	swait.ge [sflag:s23], $0x1  }
0xa3: {  	[sflag:s23] =	ssyncset.done $0x0  }
0xa4: {  	s25 =	simm.s32 $0x1B8E;
	s24 =	sld [smem:$0x3FFE];
	[sflag:s23] =	ssyncadd.s32 $0xFFFFFFFF  }
0xa5: {  	s26 =	simm.s32 $execute0_lowered;
	[smem:$0x3FD2] =	sst s25  }
0xa6: {  	s4 =	sshll.u32 s26, $0x1;
	_ =	strace $0x8000004C;
	[dreg:$0x1] =	wrdreg $0xFFFFFFFF  }
0xa7: {  	s28 =	simm.s32 $_size_execute0_lowered;
	s2 =	sadd.s32 s2, s4;
	[dreg:$0x0] =	wrdreg $0x0  }
0xa8: {  	s4 =	sshll.u32 s28, $0x1;
	[dreg:$0x2] =	wrdreg s2  }
0xa9: {  	[dreg:$0x3] =	wrdreg s4  }
0xaa: {  	[dreg:$0x4] =	wrdreg $0xC0  }
0xab: {  	_ =	task [dreg:s6], $0x5FFFF  }
0xac: {  	[dreg:$0x1] =	wrdreg $0xFFFFFFFF  }
0xad: {  	[dreg:$0x0] =	wrdreg $0x60  }
0xae: {  	[dreg:$0x2] =	wrdreg s24  }
0xaf: {  	[dreg:$0x3] =	wrdreg $0x97000  }
0xb0: {  	[dreg:$0x4] =	wrdreg $0x6F000  }
0xb1: {  	[dreg:$0x5] =	wrdreg $0x9  }
0xb2: {  	_ =	task.clear_ibuf [dreg:s6], $0x6FFFF;
	_ =	strace $0x9000004C  }
0xb3: {  	s29 =	simm.s32 $0x9;
	_ =	strace $0x8000004E  }
0xb4: {  	_ =	swait.ge [sflag:s29], $0x1  }
0xb5: {  	[sflag:s29] =	ssyncadd.s32 $0xFFFFFFFF  }
0xb6: {  	_ =	strace $0x9000004E  }
0xb7: {  	_ =	sfence  }
0xb8: {  	s30 =	sld [smem:$0x0];
	_ =	sdelay $0x2  }
0xb9: {  	s31 =	sshll.u32 s1, $0xD;
	s1 =	sshrl.u32 s1, $0x2  }
0xba: {  	s3 =	sand.u32 $0x4000, s31;
	s1 =	sadd.s32 s1, s30  }
0xbb: {  	s0 =	sor.u32 s3, s0;
	s1 =	sshll.u32 s1, $0x11  }
0xbc: {  	s0 =	sor.u32 s1, s0  }
0xbd: {  	s0 =	sadd.s32 $0x8F2B, s0  }
0xbe: {  	[sflag:s0] =	ssyncadd.remote.s32 $0x1  }
0xbf: {  	_ =	sfence.sel $0xFFFF  }
0xc0: {  	[dreg:$0x0] =	wrdreg $0xFFFFFFFF;
	(pc) =	sbr.abs _section_cstart, $3  }
0xc1: {  	[dreg:$0x1] =	wrdreg $0xFFFFFFFF  }
0xc2: {  	_ =	task.clear_ibuf [dreg:s6], $0x2FFFF;
	_ =	strace $0x9FFFFFFF  }
0xc3: {  	(tm) =	ssettm $0x7FFFFFFF  }
tec
execute0_lowered:
.L_overlay_start_1:
0x0: {  	(tag) =	ssettag $0x1  }
0x1: {  	s0 =	rddreg [dreg:$0x0]  }
0x2: {  	s1 =	rddreg [dreg:$0x1]  }
0x3: {  	s3 =	rddreg [dreg:$0x2];
	s4 =	simm.s32 $0x0  }
0x4: {  	s14 =	stileid.u32;
	s5 =	srdreg.scid;
	s15 =	simm.s32 $0x2  }
0x5: {  	s16 =	simm.s32 $0x10;
	s18 =	simm.s32 $0x2700;
	s20 =	simm.s32 $0x80  }
0x6: {  	s21 =	simm.s32 $0x5F00;
	s22 =	simm.s32 $0x6700;
	s29 =	simm.s32 $0x5700  }
0x7: {  	s30 =	simm.s32 $0x4;
	s28 =	simm.s32 $0x8;
	s31 =	simm.s32 $0x6  }
0x8: {  	[smem:$0x7FF] =	sst s4;
	s2 =	smul.u32 $0x2800, s14;
	s5 =	sand.u32 $0x1, s5  }
0x9: {  	s9 =	sadd.s32 $0x2C00, s0;
	s25 =	sshll.u32 s14, $0x6;
	_ =	strace $0x8000004D  }
0xa: {  	s8 =	smul.u32 $0x28000, s5;
	s10 =	ssub.s32 $0x2, s5;
	s5 =	sshll.u32 s5, $0x4  }
0xb: {  	s7 =	sadd.s32 s2, s0;
	s6 =	sshrl.u32 s2, $0x3;
	s24 =	sshrl.u32 s10, $0x1  }
0xc: {  	s5 =	sor.u32 s14, s5;
	s12 =	sadd.s32 s2, s1;
	s13 =	sadd.s32 s2, s3  }
0xd: {  	s14 =	sshll.u32 s14, $0x4;
	s6 =	sadd.s32 s6, s0;
	s11 =	sadd.s32 s8, s0  }
0xe: {  	s10 =	ssub.s32 s10, s24;
	s17 =	smul.u32 $0x4E0, s5;
	s7 =	sadd.s32 $0x16600, s7  }
0xf: {  	s0 =	sadd.s32 $0xC840, s0;
	p0 =	sgt.u32 s5, $0x3;
	s13 =	sshrl.u32 s13, $0x3  }
0x10: {  	s6 =	sadd.s32 $0x3E600, s6;
	[dreg:$0x5] =	wrdreg s7;
	s7 =	sor.u32 $0x9C00, s14  }
0x11: {  	s23 =	sadd.s32 $0x43600, s11;
	s10 =	smax.u32 s10, $0x1;
	s11 =	sshrl.u32 s12, $0x3  }
0x12: {  	s12 =	simm.s32 $0x9;
	s14 =	simm.s32 $0x1;
	[dreg:$0x4] =	wrdreg s6  }
0x13: {  	s6 =	sor.u32 $0x1C09, s25;
	s26 =	sadd.s32 s9, s17;
	s9 =	sadd.s32 s9, s7  }
0x14: {  	s17 =	sadd.s32 s17, s0;
	s19 =	sadd.s32 @!p0 s7, s0;
	s24 =	sadd.s32 s2, s23  }
0x15: {  	s25 =	simm.s32 $0x4F00;
	s0 =	simm.s32 $0x7;
	s23 =	simm.s32 $0x5  }
0x16: {  	s2 =	simm.s32 $0x0;
	[dreg:$0x6] =	wrdreg s26;
	s26 =	simm.s32 $0x3  }
.LBB2_1:
0x17: {  	s5 =	rddreg [dreg:$0x4]  }
0x18: {  	[spmem:s11], [sflag:s6] =	dma.local [hbm:s5], $0x500  }
0x19: {  	_ =	swait.ge [sflag:s12], $0x500  }
0x1a: {  	[sflag:s12] =	ssyncset.done $0x0  }
0x1b: {  	s7 =	rddreg [dreg:$0x5];
	[sflag:s12] =	ssyncadd.s32 $0xFFFFFB00  }
0x1c: {  	[spmem:s13@s15], [sflag:s6] =	dma.strided [hbm:s7@s16], $0x500, s14, $0x2   }
0x1d: {  	_ =	swait.ge [sflag:s12], $0x500  }
0x1e: {  	[sflag:s12] =	ssyncset.done $0x0  }
0x1f: {  	s8 =	rddreg [dreg:$0x6];
	[sflag:s12] =	ssyncadd.s32 $0xFFFFFB00  }
0x20: {  	[tilespmem:s4], [sflag:$0x9] =	stream.linear.gather [hbm4b:s8+s4], $0x2700, $0x38;
	[tilespmem:$0xBF00] =	vst v63  }
0x21: {  	_ =	swait.ge [sflag:s12], $0x2700  }
0x22: {  	[sflag:s12] =	ssyncset.done $0x0  }
0x23: {  	[sflag:s12] =	ssyncadd.s32 $0xFFFFD900  }
0x24: {  	[tilespmem:s18], [sflag:$0x9] =	stream.linear.gather [hbm4b:s17+s4], $0x2700, $0x38;
	[tilespmem:$0xBF00] =	vst v63  }
0x25: {  	_ =	swait.ge [sflag:s12], $0x2700  }
0x26: {  	[sflag:s12] =	ssyncset.done $0x0  }
0x27: {  	s5 =	simm.s32 @!p0 $0x0;
	s7 =	simm.s32 @!p0 $0x4E00;
	[sflag:s12] =	ssyncadd.s32 $0xFFFFD900  }
0x28: {  	[tilespmem:s7], [sflag:$0x9] =	stream.linear.gather @!p0 [hbm4b:s9+s5], $0x80, $0x38;
	[tilespmem:$0xBF00] =	vst v63  }
0x29: {  	s7 =	simm.s32 @!p0 $0x9  }
0x2a: {  	_ =	swait.ge @!p0 [sflag:s7], $0x80  }
0x2b: {  	[sflag:s7] =	ssyncset.done @!p0 $0x0  }
0x2c: {  	s8 =	simm.s32 @!p0 $0x4E80;
	[sflag:s7] =	ssyncadd.s32 @!p0 $0xFFFFFF80  }
0x2d: {  	[tilespmem:s8], [sflag:$0x9] =	stream.linear.gather @!p0 [hbm4b:s19+s5], $0x80, $0x38;
	[tilespmem:$0xBF00] =	vst v63  }
0x2e: {  	_ =	swait.ge @!p0 [sflag:s7], $0x80  }
0x2f: {  	[sflag:s7] =	ssyncset.done @!p0 $0x0  }
0x30: {  	[sflag:s7] =	ssyncadd.s32 @!p0 $0xFFFFFF80  }
0x31: {  	[bflag:$0x0] =	sbarrier.arrive $0xFFFF  }
0x32: {  	[tilespmem:s21], [sflag:$0x3] =	stream.indirect.gather [spmem:s3], $0x10, s4, s20, $0xb8;
	[tilespmem:$0xBF00] =	vst v63  }
0x33: {  	_ = 	snop  }
0x34: {  	[tilespmem:s22], [sflag:$0x4] =	stream.indirect.gather [spmem:s3], $0x10, s20, s20, $0xb8;
	[tilespmem:$0xBF00] =	vst v63  }
0x35: {  	s7 =	simm.s32 $0x100  }
0x36: {  	[tilespmem:s25], [sflag:$0x1] =	stream.indirect.gather [spmem:s3], $0x10, s7, s20, $0xb8;
	[tilespmem:$0xBF00] =	vst v63  }
0x37: {  	_ =	swait.ge [sflag:s26], $0x800  }
0x38: {  	[sflag:s26] =	ssyncset.done $0x0  }
0x39: {  	[sflag:s26] =	ssyncadd.s32 $0xFFFFF800  }
0x3a: {  	[spmem:s1] =	stream.indirect.scatter.add.f32 [tilespmem:s21], [sflag:$0x7], $0x10, s18, s20, $0xb8;
	[tilespmem:$0xBF00] =	vst v63  }
0x3b: {  	s8 =	simm.s32 $0x180  }
0x3c: {  	[tilespmem:s29], [sflag:$0x2] =	stream.indirect.gather [spmem:s3], $0x10, s8, s20, $0xb8;
	[tilespmem:$0xBF00] =	vst v63  }
0x3d: {  	_ =	swait.ge [sflag:s30], $0x800  }
0x3e: {  	[sflag:s30] =	ssyncset.done $0x0  }
0x3f: {  	s7 =	simm.s32 $0x2780;
	[sflag:s30] =	ssyncadd.s32 $0xFFFFF800  }
0x40: {  	[spmem:s1] =	stream.indirect.scatter.add.f32 [tilespmem:s22], [sflag:$0x8], $0x10, s7, s20, $0xb8;
	[tilespmem:$0xBF00] =	vst v63  }
0x41: {  	_ =	swait.ge [sflag:s0], $0x800  }
0x42: {  	[sflag:s0] =	ssyncset.done $0x0  }
0x43: {  	s8 =	simm.s32 $0x200;
	[sflag:s0] =	ssyncadd.s32 $0xFFFFF800  }
0x44: {  	[tilespmem:s21], [sflag:$0x3] =	stream.indirect.gather [spmem:s3], $0x10, s8, s20, $0xb8;
	[tilespmem:$0xBF00] =	vst v63  }
0x45: {  	_ =	swait.ge [sflag:s14], $0x800  }
0x46: {  	[sflag:s14] =	ssyncset.done $0x0  }
0x47: {  	s7 =	simm.s32 $0x2800;
	[sflag:s14] =	ssyncadd.s32 $0xFFFFF800  }
0x48: {  	[spmem:s1] =	stream.indirect.scatter.add.f32 [tilespmem:s25], [sflag:$0x5], $0x10, s7, s20, $0xb8;
	[tilespmem:$0xBF00] =	vst v63  }
0x49: {  	_ =	swait.ge [sflag:s28], $0x800  }
0x4a: {  	[sflag:s28] =	ssyncset.done $0x0  }
0x4b: {  	s8 =	simm.s32 $0x280;
	[sflag:s28] =	ssyncadd.s32 $0xFFFFF800  }
0x4c: {  	[tilespmem:s22], [sflag:$0x4] =	stream.indirect.gather [spmem:s3], $0x10, s8, s20, $0xb8;
	[tilespmem:$0xBF00] =	vst v63  }
0x4d: {  	_ =	swait.ge [sflag:s15], $0x800  }
0x4e: {  	[sflag:s15] =	ssyncset.done $0x0  }
0x4f: {  	s7 =	simm.s32 $0x2880;
	[sflag:s15] =	ssyncadd.s32 $0xFFFFF800  }
0x50: {  	[spmem:s1] =	stream.indirect.scatter.add.f32 [tilespmem:s29], [sflag:$0x6], $0x10, s7, s20, $0xb8;
	[tilespmem:$0xBF00] =	vst v63  }
0x51: {  	_ =	swait.ge [sflag:s23], $0x800  }
0x52: {  	[sflag:s23] =	ssyncset.done $0x0  }
0x53: {  	s8 =	simm.s32 $0x300;
	[sflag:s23] =	ssyncadd.s32 $0xFFFFF800  }
0x54: {  	[tilespmem:s25], [sflag:$0x1] =	stream.indirect.gather [spmem:s3], $0x10, s8, s20, $0xb8;
	[tilespmem:$0xBF00] =	vst v63  }
0x55: {  	_ =	swait.ge [sflag:s26], $0x800  }
0x56: {  	[sflag:s26] =	ssyncset.done $0x0  }
0x57: {  	s7 =	simm.s32 $0x2900;
	[sflag:s26] =	ssyncadd.s32 $0xFFFFF800  }
0x58: {  	[spmem:s1] =	stream.indirect.scatter.add.f32 [tilespmem:s21], [sflag:$0x7], $0x10, s7, s20, $0xb8;
	[tilespmem:$0xBF00] =	vst v63  }
0x59: {  	_ =	swait.ge [sflag:s31], $0x800  }
0x5a: {  	[sflag:s31] =	ssyncset.done $0x0  }
0x5b: {  	s8 =	simm.s32 $0x380;
	[sflag:s31] =	ssyncadd.s32 $0xFFFFF800  }
0x5c: {  	[tilespmem:s29], [sflag:$0x2] =	stream.indirect.gather [spmem:s3], $0x10, s8, s20, $0xb8;
	[tilespmem:$0xBF00] =	vst v63  }
0x5d: {  	_ =	swait.ge [sflag:s30], $0x800  }
0x5e: {  	[sflag:s30] =	ssyncset.done $0x0  }
0x5f: {  	s7 =	simm.s32 $0x2980;
	[sflag:s30] =	ssyncadd.s32 $0xFFFFF800  }
0x60: {  	[spmem:s1] =	stream.indirect.scatter.add.f32 [tilespmem:s22], [sflag:$0x8], $0x10, s7, s20, $0xb8;
	[tilespmem:$0xBF00] =	vst v63  }
0x61: {  	_ =	swait.ge [sflag:s0], $0x800  }
0x62: {  	[sflag:s0] =	ssyncset.done $0x0  }
0x63: {  	s8 =	simm.s32 $0x400;
	[sflag:s0] =	ssyncadd.s32 $0xFFFFF800  }
0x64: {  	[tilespmem:s21], [sflag:$0x3] =	stream.indirect.gather [spmem:s3], $0x10, s8, s20, $0xb8;
	[tilespmem:$0xBF00] =	vst v63  }
0x65: {  	_ =	swait.ge [sflag:s14], $0x800  }
0x66: {  	[sflag:s14] =	ssyncset.done $0x0  }
0x67: {  	s7 =	simm.s32 $0x2A00;
	[sflag:s14] =	ssyncadd.s32 $0xFFFFF800  }
0x68: {  	[spmem:s1] =	stream.indirect.scatter.add.f32 [tilespmem:s25], [sflag:$0x5], $0x10, s7, s20, $0xb8;
	[tilespmem:$0xBF00] =	vst v63  }
0x69: {  	_ =	swait.ge [sflag:s28], $0x800  }
0x6a: {  	[sflag:s28] =	ssyncset.done $0x0  }
0x6b: {  	s8 =	simm.s32 $0x480;
	[sflag:s28] =	ssyncadd.s32 $0xFFFFF800  }
0x6c: {  	[tilespmem:s22], [sflag:$0x4] =	stream.indirect.gather [spmem:s3], $0x10, s8, s20, $0xb8;
	[tilespmem:$0xBF00] =	vst v63  }
0x6d: {  	_ =	swait.ge [sflag:s15], $0x800  }
0x6e: {  	[sflag:s15] =	ssyncset.done $0x0  }
0x6f: {  	s5 =	simm.s32 $0x800;
	s7 =	simm.s32 $0x2A80;
	[sflag:s15] =	ssyncadd.s32 $0xFFFFF800  }
.LBB2_2:
0x70: {  	[spmem:s1] =	stream.indirect.scatter.add.f32 [tilespmem:s29], [sflag:$0x6], $0x10, s7, s20, $0xb8;
	[tilespmem:$0xBF00] =	vst v63  }
0x71: {  	s7 =	smov.u32 s5  }
0x72: {  	p1 =	sne.s32 s5, $0x8800;
	s5 =	sadd.s32 $0x800, s5;
	_ =	swait.ge [sflag:s23], $0x800  }
0x73: {  	s7 =	sshra.s32 s7, $0x2;
	[sflag:s23] =	ssyncset.done $0x0  }
0x74: {  	s8 =	sadd.s32 $0x300, s7;
	[sflag:s23] =	ssyncadd.s32 $0xFFFFF800  }
0x75: {  	[tilespmem:s25], [sflag:$0x1] =	stream.indirect.gather [spmem:s3], $0x10, s8, s20, $0xb8;
	[tilespmem:$0xBF00] =	vst v63  }
0x76: {  	_ =	swait.ge [sflag:s26], $0x800  }
0x77: {  	[sflag:s26] =	ssyncset.done $0x0  }
0x78: {  	s8 =	sadd.s32 $0x2900, s7;
	[sflag:s26] =	ssyncadd.s32 $0xFFFFF800  }
0x79: {  	[spmem:s1] =	stream.indirect.scatter.add.f32 [tilespmem:s21], [sflag:$0x7], $0x10, s8, s20, $0xb8;
	[tilespmem:$0xBF00] =	vst v63  }
0x7a: {  	_ =	swait.ge [sflag:s31], $0x800  }
0x7b: {  	[sflag:s31] =	ssyncset.done $0x0  }
0x7c: {  	s8 =	sadd.s32 $0x380, s7;
	[sflag:s31] =	ssyncadd.s32 $0xFFFFF800  }
0x7d: {  	[tilespmem:s29], [sflag:$0x2] =	stream.indirect.gather [spmem:s3], $0x10, s8, s20, $0xb8;
	[tilespmem:$0xBF00] =	vst v63  }
0x7e: {  	_ =	swait.ge [sflag:s30], $0x800  }
0x7f: {  	[sflag:s30] =	ssyncset.done $0x0  }
0x80: {  	s8 =	sadd.s32 $0x2980, s7;
	[sflag:s30] =	ssyncadd.s32 $0xFFFFF800  }
0x81: {  	[spmem:s1] =	stream.indirect.scatter.add.f32 [tilespmem:s22], [sflag:$0x8], $0x10, s8, s20, $0xb8;
	[tilespmem:$0xBF00] =	vst v63  }
0x82: {  	_ =	swait.ge [sflag:s0], $0x800  }
0x83: {  	[sflag:s0] =	ssyncset.done $0x0  }
0x84: {  	s8 =	sadd.s32 $0x400, s7;
	[sflag:s0] =	ssyncadd.s32 $0xFFFFF800  }
0x85: {  	[tilespmem:s21], [sflag:$0x3] =	stream.indirect.gather [spmem:s3], $0x10, s8, s20, $0xb8;
	[tilespmem:$0xBF00] =	vst v63  }
0x86: {  	_ =	swait.ge [sflag:s14], $0x800  }
0x87: {  	[sflag:s14] =	ssyncset.done $0x0  }
0x88: {  	s8 =	sadd.s32 $0x2A00, s7;
	[sflag:s14] =	ssyncadd.s32 $0xFFFFF800  }
0x89: {  	[spmem:s1] =	stream.indirect.scatter.add.f32 [tilespmem:s25], [sflag:$0x5], $0x10, s8, s20, $0xb8;
	[tilespmem:$0xBF00] =	vst v63  }
0x8a: {  	_ =	swait.ge [sflag:s28], $0x800  }
0x8b: {  	[sflag:s28] =	ssyncset.done $0x0  }
.Ltmp0:
0x8c: {  	s8 =	sadd.s32 $0x480, s7;
	[sflag:s28] =	ssyncadd.s32 $0xFFFFF800;
	(pc) =	sbr.rel @p1 .LBB2_2-.Ltmp0, $4  }
0x8d: {  	[tilespmem:s22], [sflag:$0x4] =	stream.indirect.gather [spmem:s3], $0x10, s8, s20, $0xb8;
	[tilespmem:$0xBF00] =	vst v63  }
0x8e: {  	_ =	swait.ge [sflag:s15], $0x800  }
0x8f: {  	[sflag:s15] =	ssyncset.done $0x0  }
0x90: {  	s7 =	sadd.s32 $0x2A80, s7;
	[sflag:s15] =	ssyncadd.s32 $0xFFFFF800  }
0x91: {  	[spmem:s1] =	stream.indirect.scatter.add.f32 [tilespmem:s29], [sflag:$0x6], $0x10, s7, s20, $0xb8;
	[tilespmem:$0xBF00] =	vst v63  }
0x92: {  	_ =	swait.ge [sflag:s26], $0x800  }
0x93: {  	[sflag:s26] =	ssyncset.done $0x0  }
0x94: {  	s5 =	simm.s32 $0x4D00;
	[sflag:s26] =	ssyncadd.s32 $0xFFFFF800  }
0x95: {  	[spmem:s1] =	stream.indirect.scatter.add.f32 [tilespmem:s21], [sflag:$0x7], $0x10, s5, s20, $0xb8;
	[tilespmem:$0xBF00] =	vst v63  }
0x96: {  	_ =	swait.ge [sflag:s30], $0x800  }
0x97: {  	[sflag:s30] =	ssyncset.done $0x0  }
0x98: {  	s8 =	simm.s32 $0x4D80;
	[sflag:s30] =	ssyncadd.s32 $0xFFFFF800  }
0x99: {  	[spmem:s1] =	stream.indirect.scatter.add.f32 [tilespmem:s22], [sflag:$0x8], $0x10, s8, s20, $0xb8;
	[tilespmem:$0xBF00] =	vst v63  }
0x9a: {  	_ =	swait.ge [sflag:s23], $0x800  }
0x9b: {  	[sflag:s23] =	ssyncset.done $0x0  }
0x9c: {  	[sflag:s23] =	ssyncadd.s32 $0xFFFFF800  }
0x9d: {  	_ =	swait.ge [sflag:s31], $0x800  }
0x9e: {  	[sflag:s31] =	ssyncset.done $0x0  }
0x9f: {  	[sflag:s31] =	ssyncadd.s32 $0xFFFFF800  }
0xa0: {  	_ =	swait.ge [sflag:s0], $0x800  }
0xa1: {  	[sflag:s0] =	ssyncset.done $0x0  }
0xa2: {  	[sflag:s0] =	ssyncadd.s32 $0xFFFFF800  }
0xa3: {  	_ =	swait.ge [sflag:s28], $0x800  }
0xa4: {  	s7 =	simm.s32 @!p0 $0x4E00;
	[sflag:s28] =	ssyncset.done $0x0  }
0xa5: {  	s5 =	simm.s32 @!p0 $0x80;
	s8 =	simm.s32 @!p0 $0x4F00;
	[sflag:s28] =	ssyncadd.s32 $0xFFFFF800  }
0xa6: {  	[tilespmem:s8], [sflag:$0x1] =	stream.indirect.gather @!p0 [spmem:s3], $0x10, s7, s5, $0xb8;
	[tilespmem:$0xBF00] =	vst v63  }
0xa7: {  	s7 =	simm.s32 @!p0 $0x1  }
0xa8: {  	_ =	swait.ge @!p0 [sflag:s7], $0x800  }
0xa9: {  	[sflag:s7] =	ssyncset.done @!p0 $0x0  }
0xaa: {  	[sflag:s7] =	ssyncadd.s32 @!p0 $0xFFFFF800;
	s7 =	simm.s32 @!p0 $0x4E80  }
0xab: {  	[spmem:s1] =	stream.indirect.scatter.add.f32 @!p0 [tilespmem:s8], [sflag:$0x9], $0x10, s7, s5, $0xb8;
	[tilespmem:$0xBF00] =	vst v63  }
0xac: {  	s5 =	simm.s32 @!p0 $0x9  }
0xad: {  	_ =	swait.ge @!p0 [sflag:s5], $0x800  }
0xae: {  	s2 =	sadd.s32 $0x1, s2;
	[sflag:s5] =	ssyncset.done @!p0 $0x0  }
0xaf: {  	p1 =	sne.s32 s2, s10;
	[sflag:s5] =	ssyncadd.s32 @!p0 $0xFFFFF800  }
.Ltmp1:
0xb0: {  	[bflag:$0x0] =	sbarrier.arrive $0xFFFF;
	(pc) =	sbr.rel @p1 .LBB2_1-.Ltmp1, $4  }
0xb1: {  	[hbm:s24@s16], [sflag:s6] =	dma.strided [spmem:s11@s15], $0x500, s14, $0x2   }
0xb2: {  	_ =	swait.ge [sflag:s12], $0x500  }
0xb3: {  	[sflag:s12] =	ssyncset.done $0x0  }
0xb4: {  	[sflag:s12] =	ssyncadd.s32 $0xFFFFFB00  }
0xb5: {  	_ =	sfence.sel $0x180000  }
0xb6: {  	[bflag:$0x0] =	sbarrier.arrive $0xFFFF  }
0xb7: {  	_ =	strace $0x9000004D  }
0xb8: {  	s0 =	stileid.u32;
	[bflag:$0x2] =	sbarrier.arrive $0xFFFF  }
0xb9: {  	p0 =	sne.s32 s0, $0x0;
	s0 =	rddreg [dreg:$0x3]  }
0xba: {  	s0 =	sadd.s32 @!p0 $0x100000, s0  }
0xbb: {  	[sflag:s0] =	ssyncadd.tile.s32 @!p0 $0x1;
	_ =	shalt  }
.Lfunc_end2:
_tile_overlayer_lowered:
.L_overlay_start_2:
0xbc: {  	(tag) =	ssettag $0x2  }
0xbd: {  	s0 =	rddreg [dreg:$0x0];
	s2 =	stileid.u32  }
0xbe: {  	s1 =	rddreg [dreg:$0x1];
	p0 =	sne.s32 s2, $0x0  }
0xbf: {  	s3 =	rddreg [dreg:$0x2];
	[bflag:$0x3] =	sbarrier.arrive $0xFFFF;
	s2 =	simm.s32 @!p0 $0x1C09  }
0xc0: {  	[timem:s3], [sflag:s2] =	dma.local @!p0 [hbm:s0], s1  }
0xc1: {  	s0 =	simm.s32 @!p0 $0x9  }
0xc2: {  	_ =	swait.ge @!p0 [sflag:s0], s1  }
0xc3: {  	s1 =	ssub.s32 @!p0 $0x0, s1;
	[sflag:s0] =	ssyncset.done @!p0 $0x0  }
0xc4: {  	[sflag:s0] =	ssyncadd.s32 @!p0 s1  }
0xc5: {  	[bflag:$0x3] =	sbarrier.arrive $0xFFFF  }
0xc6: {  	_ =	shalt  }

// kernel: kernel.8.cloned.1.call-start
scs
__scs_entry_jumppad:
0x0: {  	(pc) =	sbr.rel $0x88, $3  }
0x1: {  	(tag) =	ssettag $0x0;
	lr =	simm.s32 $0x1  }
0x2: {  	[smem:$0x3F9B] =	sst lr;
	_ =	strace $0xD0000000  }
0x3: {  	_ = 	snop  }
0x4: {  	_ = 	snop  }
0x5: {  	_ = 	snop  }
0x6: {  	_ = 	snop  }
0x7: {  	_ = 	snop  }
__scs_overlays_trampoline_lowered:
0x8: {  	[smem:$0x3FAA] =	sst s0  }
0x9: {  	[smem:$0x3FAB] =	sst s1  }
0xa: {  	[smem:$0x3FAC] =	sst s2  }
0xb: {  	[smem:$0x3FAD] =	sst s3  }
0xc: {  	[smem:$0x3FAE] =	sst s4  }
0xd: {  	[smem:$0x3FAF] =	sst s5  }
0xe: {  	[smem:$0x3FB0] =	sst s6  }
0xf: {  	[smem:$0x3FB1] =	sst s7  }
0x10: {  	[smem:$0x3FB2] =	sst s8  }
0x11: {  	[smem:$0x3FB3] =	sst s9;
	s0 =	simm.s32 @!p0 $0x0  }
0x12: {  	s1 =	sld [smem:$0x3F99];
	s0 =	simm.s32 @p0 $0x1  }
0x13: {  	[smem:$0x3FB4] =	sst s0;
	s0 =	simm.s32 @!p1 $0x0  }
0x14: {  	s2 =	sld [smem:$0x3F98];
	s0 =	simm.s32 @p1 $0x1  }
0x15: {  	[smem:$0x3FB5] =	sst s0;
	s0 =	simm.s32 @!p2 $0x0  }
0x16: {  	s3 =	sld [smem:$0x3FDB];
	s0 =	simm.s32 @p2 $0x1  }
0x17: {  	s4 =	simm.s32 $0x1BF5;
	[smem:$0x3FB7] =	sst s0  }
0x18: {  	s0 =	sld [smem:$0x3F9A];
	_ =	swait.ge [sflag:s4], $0x0  }
0x19: {  	s7 =	sld [smem:$0x3F9B]  }
0x1a: {  	s8 =	sadd.s32 $0xFFFFE003, lr  }
0x1b: {  	s9 =	sadd.s32 $0xFFFFFEF7, lr;
	s5 =	simm.s32 $0xFFFFFFFF;
	p2 =	slt.u32 s8, $0xFFFFF086  }
0x1c: {  	p1 =	slt.u32 s9, $0xF7A;
	s5 =	simm.s32 @!p2 $0x0  }
0x1d: {  	s5 =	simm.s32 @p1 $0x1;
	p0 =	seq.s32 s7, s2  }
0x1e: {  	s7 =	smul.u32 @!p0 $0xF7A, s2;
	p2 =	seq.s32 @!p0 s5, $0x0  }
0x1f: {  	s9 =	smul.u32 $0xF7A, s1;
	s8 =	simm.s32 @!p0 $0x1BF5;
	p2 =	por !p2, p0  }
0x20: {  	[sflag:s8] =	ssyncset.s32 @!p0 $0xFFFFF086;
	s6 =	sadd.s32 @!p0 s3, s7;
	s7 =	simm.s32 @!p0 $0x108  }
0x21: {  	s3 =	sadd.s32 s3, s9;
	s6 =	sadd.s32 @!p0 $0x88, s6;
	s7 =	simm.s32 @p2 $0x1082  }
0x22: {  	[simem:s7], [sflag:s8] =	dma.local @!p0 [hbm:s6], $0xF7A  }
0x23: {  	s9 =	sor.u32 $0xD0000000, s2;
	s6 =	simm.s32 $0x108;
	_ =	swait.ge @!p0 [sflag:s8], $0x0  }
0x24: {  	s3 =	sadd.s32 $0x88, s3;
	s6 =	simm.s32 @!p1 $0x1082;
	[sflag:s4] =	ssyncset.s32 $0xFFFFF086  }
0x25: {  	[simem:s6], [sflag:s4] =	dma.local [hbm:s3], $0xF7A  }
0x26: {  	[smem:$0x3F9B] =	sst s1;
	(tag) =	ssettag s2;
	_ =	strace s9  }
0x27: {  	s1 =	sld [smem:$0x3FAB]  }
0x28: {  	s2 =	sld [smem:$0x3FAC]  }
0x29: {  	s4 =	sld [smem:$0x3FAE]  }
0x2a: {  	p0 =	seq.s32 s5, $0x0;
	s5 =	sld [smem:$0x3FAF]  }
0x2b: {  	s6 =	sld [smem:$0x3FB0]  }
0x2c: {  	s7 =	sld [smem:$0x3FB1]  }
0x2d: {  	s3 =	simm.s32 $0x108;
	s8 =	sld [smem:$0x3FB2]  }
0x2e: {  	s3 =	simm.s32 @!p0 $0x1082;
	s9 =	sld [smem:$0x3FB3]  }
0x2f: {  	lr =	sadd.s32 s0, s3;
	s0 =	sld [smem:$0x3FAA]  }
0x30: {  	s3 =	sld [smem:$0x3FAD]  }
0x31: {  	[smem:$0x3FB6] =	sst s10  }
0x32: {  	s10 =	sld [smem:$0x3FB4];
	_ =	sdelay $0x3  }
0x33: {  	p0 =	seq.s32 s10, $0x1;
	s10 =	sld [smem:$0x3FB6];
	_ =	sdelay $0x3  }
0x34: {  	[smem:$0x3FB6] =	sst s10  }
0x35: {  	s10 =	sld [smem:$0x3FB5];
	_ =	sdelay $0x3  }
0x36: {  	p1 =	seq.s32 s10, $0x1;
	s10 =	sld [smem:$0x3FB6];
	_ =	sdelay $0x3  }
0x37: {  	[smem:$0x3FB6] =	sst s10  }
0x38: {  	s10 =	sld [smem:$0x3FB7]  }
0x39: {  	_ = 	snop;
	(pc) =	sbr.ind lr, $3  }
0x3a: {  	_ = 	snop  }
0x3b: {  	_ = 	snop  }
0x3c: {  	p2 =	seq.s32 s10, $0x1;
	s10 =	sld [smem:$0x3FB6]  }
0x3d: {  	_ =	shalt  }
0x3e: {  	_ =	shalt  }
0x3f: {  	_ =	shalt  }
0x40: {  	_ =	shalt  }
0x41: {  	_ =	shalt  }
0x42: {  	_ =	shalt  }
0x43: {  	_ =	shalt  }
0x44: {  	_ =	shalt  }
0x45: {  	_ =	shalt  }
0x46: {  	_ =	shalt  }
0x47: {  	_ =	shalt  }
0x48: {  	_ =	shalt  }
0x49: {  	_ =	shalt  }
0x4a: {  	_ =	shalt  }
0x4b: {  	_ =	shalt  }
0x4c: {  	_ =	shalt  }
0x4d: {  	_ =	shalt  }
0x4e: {  	_ =	shalt  }
0x4f: {  	_ =	shalt  }
0x50: {  	_ =	shalt  }
0x51: {  	_ =	shalt  }
0x52: {  	_ =	shalt  }
0x53: {  	_ =	shalt  }
0x54: {  	_ =	shalt  }
0x55: {  	_ =	shalt  }
0x56: {  	_ =	shalt  }
0x57: {  	_ =	shalt  }
0x58: {  	_ =	shalt  }
0x59: {  	_ =	shalt  }
0x5a: {  	_ =	shalt  }
0x5b: {  	_ =	shalt  }
0x5c: {  	_ =	shalt  }
0x5d: {  	_ =	shalt  }
0x5e: {  	_ =	shalt  }
0x5f: {  	_ =	shalt  }
0x60: {  	_ =	shalt  }
0x61: {  	_ =	shalt  }
0x62: {  	_ =	shalt  }
0x63: {  	_ =	shalt  }
0x64: {  	_ =	shalt  }
0x65: {  	_ =	shalt  }
0x66: {  	_ =	shalt  }
0x67: {  	_ =	shalt  }
0x68: {  	_ =	shalt  }
0x69: {  	_ =	shalt  }
0x6a: {  	_ =	shalt  }
0x6b: {  	_ =	shalt  }
0x6c: {  	_ =	shalt  }
0x6d: {  	_ =	shalt  }
0x6e: {  	_ =	shalt  }
0x6f: {  	_ =	shalt  }
0x70: {  	_ =	shalt  }
0x71: {  	_ =	shalt  }
0x72: {  	_ =	shalt  }
0x73: {  	_ =	shalt  }
0x74: {  	_ =	shalt  }
0x75: {  	_ =	shalt  }
0x76: {  	_ =	shalt  }
0x77: {  	_ =	shalt  }
0x78: {  	_ =	shalt  }
0x79: {  	_ =	shalt  }
0x7a: {  	_ =	shalt  }
0x7b: {  	_ =	shalt  }
0x7c: {  	_ =	shalt  }
0x7d: {  	_ =	shalt  }
0x7e: {  	_ =	shalt  }
0x7f: {  	_ =	shalt  }
0x80: {  	_ =	shalt  }
0x81: {  	_ =	shalt  }
0x82: {  	_ =	shalt  }
0x83: {  	_ =	shalt  }
0x84: {  	_ =	shalt  }
0x85: {  	_ =	shalt  }
0x86: {  	_ =	shalt  }
0x87: {  	_ =	shalt  }
.Lfunc_end0:
.L_simem_size_0:
called_computation_lowered:
.L_overlay_start_0:
0x88: {  	s2 =	sld [smem:$0x3FD9]  }
0x89: {  	s3 =	sld [smem:$0x3FFE];
	_ =	sdelay $0x1  }
0x8a: {  	s1 =	srdreg.scid  }
0x8b: {  	s0 =	sand.u32 $0x1, s1  }
0x8c: {  	s17 =	sshll.u32 s0, $0xA;
	s2 =	sadd.s32 s3, s2  }
0x8d: {  	s2 =	sadd.s32 s2, s17  }
0x8e: {  	[smem:$0x3FC2] =	sst s2  }
0x8f: {  	_ = 	snop  }
0x90: {  	s2 =	sld [smem:$0x3FD0];
	(tm) =	ssettm $0x1  }
0x91: {  	s18 =	sld [smem:$0x3FFB];
	_ =	sdelay $0x3  }
0x92: {  	_ =	strace s18  }
0x93: {  	s3 =	sld [smem:$0x3FFC];
	_ =	sdelay $0x3  }
0x94: {  	_ =	strace s3  }
0x95: {  	s3 =	sld [smem:$0x3FFD];
	_ =	sdelay $0x3  }
0x96: {  	_ =	strace s3  }
0x97: {  	_ =	strace $0x8FFFFFFF  }
0x98: {  	s19 =	sld [smem:$0x3FDB];
	_ =	sdelay $0x1  }
0x99: {  	s4 =	simm.s32 $_scs_section_size  }
0x9a: {  	s5 =	simm.s32 $_size__tile_overlayer_lowered;
	s6 =	simm.s32 $_tile_overlayer_lowered  }
0x9b: {  	s22 =	simm.s32 $0x1BFF;
	s21 =	sshll.u32 s6, $0x1;
	s3 =	sadd.s32 s4, s19  }
0x9c: {  	s7 =	simm.s32 $0x0;
	s20 =	sshll.u32 s5, $0x1;
	s5 =	sadd.s32 s21, s3  }
0x9d: {  	[timem:s7], [sflag:s22] =	dma.local [hbm:s5], s20  }
0x9e: {  	_ =	swait.ge [sflag:s22], s20  }
0x9f: {  	s4 =	ssub.s32 $0x0, s20;
	[sflag:s22] =	ssyncset.done $0x0  }
0xa0: {  	[sflag:s22] =	ssyncadd.s32 s4;
	_ =	sdelay $0x1  }
0xa1: {  	s23 =	simm.s32 $0x1B8B  }
0xa2: {  	_ =	swait.ge [sflag:s23], $0x1  }
0xa3: {  	[sflag:s23] =	ssyncset.done $0x0  }
0xa4: {  	s25 =	simm.s32 $0x1B8E;
	s24 =	sld [smem:$0x3FFE];
	[sflag:s23] =	ssyncadd.s32 $0xFFFFFFFF  }
0xa5: {  	s26 =	simm.s32 $execute0_lowered;
	[smem:$0x3FD2] =	sst s25  }
0xa6: {  	s5 =	sshll.u32 s26, $0x1;
	_ =	strace $0x80000046;
	[dreg:$0x1] =	wrdreg $0xFFFFFFFF  }
0xa7: {  	s28 =	simm.s32 $_size_execute0_lowered;
	s3 =	sadd.s32 s3, s5;
	[dreg:$0x0] =	wrdreg $0x0  }
0xa8: {  	s5 =	sshll.u32 s28, $0x1;
	[dreg:$0x2] =	wrdreg s3  }
0xa9: {  	[dreg:$0x3] =	wrdreg s5  }
0xaa: {  	[dreg:$0x4] =	wrdreg $0xC0  }
0xab: {  	_ =	task [dreg:s7], $0x5FFFF  }
0xac: {  	[dreg:$0x1] =	wrdreg $0xFFFFFFFF  }
0xad: {  	[dreg:$0x0] =	wrdreg $0x60  }
0xae: {  	[dreg:$0x2] =	wrdreg s24  }
0xaf: {  	[dreg:$0x3] =	wrdreg s2  }
0xb0: {  	[dreg:$0x4] =	wrdreg $0x28000  }
0xb1: {  	[dreg:$0x5] =	wrdreg $0x9  }
0xb2: {  	_ =	task.clear_ibuf [dreg:s7], $0x6FFFF;
	_ =	strace $0x90000046  }
0xb3: {  	s29 =	simm.s32 $0x9;
	_ =	strace $0x80000048  }
0xb4: {  	_ =	swait.ge [sflag:s29], $0x1  }
0xb5: {  	[sflag:s29] =	ssyncadd.s32 $0xFFFFFFFF  }
0xb6: {  	_ =	strace $0x90000048  }
0xb7: {  	_ =	sfence  }
0xb8: {  	s30 =	sld [smem:$0x0];
	_ =	sdelay $0x2  }
0xb9: {  	s31 =	sshll.u32 s1, $0xD;
	s1 =	sshrl.u32 s1, $0x2  }
0xba: {  	s3 =	sand.u32 $0x4000, s31;
	s1 =	sadd.s32 s1, s30  }
0xbb: {  	s0 =	sor.u32 s3, s0;
	s1 =	sshll.u32 s1, $0x11  }
0xbc: {  	s0 =	sor.u32 s1, s0  }
0xbd: {  	s0 =	sadd.s32 $0x8F2B, s0  }
0xbe: {  	[sflag:s0] =	ssyncadd.remote.s32 $0x1  }
0xbf: {  	_ =	sfence.sel $0xFFFF  }
0xc0: {  	[dreg:$0x0] =	wrdreg $0xFFFFFFFF;
	(pc) =	sbr.abs _section_cstart, $3  }
0xc1: {  	[dreg:$0x1] =	wrdreg $0xFFFFFFFF  }
0xc2: {  	_ =	task.clear_ibuf [dreg:s7], $0x2FFFF;
	_ =	strace $0x9FFFFFFF  }
0xc3: {  	(tm) =	ssettm $0x7FFFFFFF  }
tec
execute0_lowered:
.L_overlay_start_1:
0x0: {  	(tag) =	ssettag $0x1  }
0x1: {  	s6 =	rddreg [dreg:$0x0]  }
0x2: {  	s7 =	rddreg [dreg:$0x1]  }
0x3: {  	s2 =	rddreg [dreg:$0x2]  }
0x4: {  	s0 =	rddreg [dreg:$0x3]  }
0x5: {  	s3 =	simm.s32 $0x0;
	s1 =	stileid.u32;
	s4 =	srdreg.scid  }
0x6: {  	[smem:$0x7FF] =	sst s3;
	s5 =	smul.u32 $0x280, s1  }
0x7: {  	s8 =	sand.u32 $0x1, s4;
	s30 =	sshll.u32 s1, $0x6;
	s31 =	sshll.u32 s1, $0x4  }
0x8: {  	s13 =	sadd.s32 $0xC840, s6;
	_ =	strace $0x80000047;
	s4 =	ssub.s32 $0x2, s8  }
0x9: {  	s10 =	sshll.u32 s8, $0x4;
	s8 =	smul.u32 $0x500, s8;
	s14 =	sshrl.u32 s5, $0x3  }
0xa: {  	s9 =	sshrl.u32 s4, $0x1;
	s10 =	sor.u32 s1, s10;
	s12 =	sadd.s32 s5, s2  }
0xb: {  	s5 =	sor.u32 $0x1C02, s30;
	s11 =	sadd.s32 s14, s6;
	s9 =	ssub.s32 s4, s9  }
0xc: {  	s15 =	smul.u32 $0x4E0, s10;
	s16 =	sadd.s32 s7, s8;
	p0 =	sgt.u32 s10, $0x3  }
0xd: {  	s7 =	sshrl.u32 s12, $0x3;
	s8 =	simm.s32 $0x2;
	s12 =	simm.s32 $0x2780  }
0xe: {  	s4 =	sadd.s32 $0x16600, s11;
	s11 =	sor.u32 $0x9C00, s31;
	s6 =	smax.u32 s9, $0x1  }
0xf: {  	s14 =	sadd.s32 s14, s16;
	s9 =	sadd.s32 s15, s13;
	s10 =	sadd.s32 @!p0 s13, s11  }
0x10: {  	v0 =	vimm.f32 $1.000000000e+00;
	s11 =	simm.s32 $0x80;
	s13 =	simm.s32 $0x1;
	s15 =	simm.s32 $0x0  }
.LBB2_1:
0x11: {  	[tilespmem:$0x2780] =	vst v0  }
0x12: {  	[tilespmem:$0x2790] =	vst v0  }
0x13: {  	[tilespmem:$0x27A0] =	vst v0  }
0x14: {  	[tilespmem:$0x27B0] =	vst v0  }
0x15: {  	[tilespmem:$0x27C0] =	vst v0  }
0x16: {  	[tilespmem:$0x27D0] =	vst v0  }
0x17: {  	[tilespmem:$0x27E0] =	vst v0  }
0x18: {  	[tilespmem:$0x27F0] =	vst v0  }
0x19: {  	[spmem:s7], [sflag:s5] =	dma.local [hbm:s4], $0x50  }
0x1a: {  	_ =	swait.ge [sflag:s8], $0x50  }
0x1b: {  	[sflag:s8] =	ssyncset.done $0x0  }
0x1c: {  	[sflag:s8] =	ssyncadd.s32 $0xFFFFFFB0  }
0x1d: {  	[tilespmem:s3], [sflag:$0x2] =	stream.linear.gather [hbm4b:s9+s3], $0x2700, $0x38;
	[tilespmem:$0x2A80] =	vst v63  }
0x1e: {  	_ =	swait.ge [sflag:s8], $0x2700  }
0x1f: {  	[sflag:s8] =	ssyncset.done $0x0  }
0x20: {  	s16 =	simm.s32 @!p0 $0x0;
	s17 =	simm.s32 @!p0 $0x2700;
	[sflag:s8] =	ssyncadd.s32 $0xFFFFD900  }
0x21: {  	[tilespmem:s17], [sflag:$0x2] =	stream.linear.gather @!p0 [hbm4b:s10+s16], $0x80, $0x38;
	[tilespmem:$0x2A80] =	vst v63  }
0x22: {  	s16 =	simm.s32 @!p0 $0x2  }
0x23: {  	_ =	swait.ge @!p0 [sflag:s16], $0x80  }
0x24: {  	[sflag:s16] =	ssyncset.done @!p0 $0x0  }
0x25: {  	[sflag:s16] =	ssyncadd.s32 @!p0 $0xFFFFFF80  }
0x26: {  	s18 =	simm.s32 $0x0;
	[bflag:$0x0] =	sbarrier.arrive $0xFFFF  }
0x27: {  	[spmem:s2] =	stream.indirect.scatter.add.f32 [tilespmem:s12], [sflag:$0x1], $0x1, s18, s11, $0xb8;
	[tilespmem:$0x2A80] =	vst v63  }
0x28: {  	s19 =	simm.s32 $0x80  }
0x29: {  	[spmem:s2] =	stream.indirect.scatter.add.f32 [tilespmem:s12], [sflag:$0x1], $0x1, s19, s11, $0xb8;
	[tilespmem:$0x2A80] =	vst v63  }
0x2a: {  	s20 =	simm.s32 $0x100  }
0x2b: {  	[spmem:s2] =	stream.indirect.scatter.add.f32 [tilespmem:s12], [sflag:$0x1], $0x1, s20, s11, $0xb8;
	[tilespmem:$0x2A80] =	vst v63  }
0x2c: {  	s21 =	simm.s32 $0x180  }
0x2d: {  	[spmem:s2] =	stream.indirect.scatter.add.f32 [tilespmem:s12], [sflag:$0x1], $0x1, s21, s11, $0xb8;
	[tilespmem:$0x2A80] =	vst v63  }
0x2e: {  	s22 =	simm.s32 $0x200  }
0x2f: {  	[spmem:s2] =	stream.indirect.scatter.add.f32 [tilespmem:s12], [sflag:$0x1], $0x1, s22, s11, $0xb8;
	[tilespmem:$0x2A80] =	vst v63  }
0x30: {  	s23 =	simm.s32 $0x280  }
0x31: {  	[spmem:s2] =	stream.indirect.scatter.add.f32 [tilespmem:s12], [sflag:$0x1], $0x1, s23, s11, $0xb8;
	[tilespmem:$0x2A80] =	vst v63  }
0x32: {  	s24 =	simm.s32 $0x300  }
0x33: {  	[spmem:s2] =	stream.indirect.scatter.add.f32 [tilespmem:s12], [sflag:$0x1], $0x1, s24, s11, $0xb8;
	[tilespmem:$0x2A80] =	vst v63  }
0x34: {  	s25 =	simm.s32 $0x380  }
0x35: {  	[spmem:s2] =	stream.indirect.scatter.add.f32 [tilespmem:s12], [sflag:$0x1], $0x1, s25, s11, $0xb8;
	[tilespmem:$0x2A80] =	vst v63  }
0x36: {  	s26 =	simm.s32 $0x400  }
0x37: {  	[spmem:s2] =	stream.indirect.scatter.add.f32 [tilespmem:s12], [sflag:$0x1], $0x1, s26, s11, $0xb8;
	[tilespmem:$0x2A80] =	vst v63  }
0x38: {  	s28 =	simm.s32 $0x480  }
0x39: {  	[spmem:s2] =	stream.indirect.scatter.add.f32 [tilespmem:s12], [sflag:$0x1], $0x1, s28, s11, $0xb8;
	[tilespmem:$0x2A80] =	vst v63  }
0x3a: {  	s29 =	simm.s32 $0x500  }
0x3b: {  	[spmem:s2] =	stream.indirect.scatter.add.f32 [tilespmem:s12], [sflag:$0x1], $0x1, s29, s11, $0xb8;
	[tilespmem:$0x2A80] =	vst v63  }
0x3c: {  	s30 =	simm.s32 $0x580  }
0x3d: {  	[spmem:s2] =	stream.indirect.scatter.add.f32 [tilespmem:s12], [sflag:$0x1], $0x1, s30, s11, $0xb8;
	[tilespmem:$0x2A80] =	vst v63  }
0x3e: {  	s31 =	simm.s32 $0x600  }
0x3f: {  	[spmem:s2] =	stream.indirect.scatter.add.f32 [tilespmem:s12], [sflag:$0x1], $0x1, s31, s11, $0xb8;
	[tilespmem:$0x2A80] =	vst v63  }
0x40: {  	_ =	swait.ge [sflag:s13], $0x80  }
0x41: {  	[sflag:s13] =	ssyncset.done $0x0  }
0x42: {  	[sflag:s13] =	ssyncadd.s32 $0xFFFFFF80  }
0x43: {  	_ =	swait.ge [sflag:s13], $0x80  }
0x44: {  	[sflag:s13] =	ssyncset.done $0x0  }
0x45: {  	[sflag:s13] =	ssyncadd.s32 $0xFFFFFF80  }
0x46: {  	_ =	swait.ge [sflag:s13], $0x80  }
0x47: {  	[sflag:s13] =	ssyncset.done $0x0  }
0x48: {  	[sflag:s13] =	ssyncadd.s32 $0xFFFFFF80  }
0x49: {  	_ =	swait.ge [sflag:s13], $0x80  }
0x4a: {  	[sflag:s13] =	ssyncset.done $0x0  }
0x4b: {  	[sflag:s13] =	ssyncadd.s32 $0xFFFFFF80  }
0x4c: {  	_ =	swait.ge [sflag:s13], $0x80  }
0x4d: {  	[sflag:s13] =	ssyncset.done $0x0  }
0x4e: {  	[sflag:s13] =	ssyncadd.s32 $0xFFFFFF80  }
0x4f: {  	_ =	swait.ge [sflag:s13], $0x80  }
0x50: {  	[sflag:s13] =	ssyncset.done $0x0  }
0x51: {  	[sflag:s13] =	ssyncadd.s32 $0xFFFFFF80  }
0x52: {  	_ =	swait.ge [sflag:s13], $0x80  }
0x53: {  	[sflag:s13] =	ssyncset.done $0x0  }
0x54: {  	[sflag:s13] =	ssyncadd.s32 $0xFFFFFF80  }
0x55: {  	_ =	swait.ge [sflag:s13], $0x80  }
0x56: {  	[sflag:s13] =	ssyncset.done $0x0  }
0x57: {  	[sflag:s13] =	ssyncadd.s32 $0xFFFFFF80  }
0x58: {  	_ =	swait.ge [sflag:s13], $0x80  }
0x59: {  	[sflag:s13] =	ssyncset.done $0x0  }
0x5a: {  	[sflag:s13] =	ssyncadd.s32 $0xFFFFFF80  }
0x5b: {  	_ =	swait.ge [sflag:s13], $0x80  }
0x5c: {  	[sflag:s13] =	ssyncset.done $0x0  }
0x5d: {  	[sflag:s13] =	ssyncadd.s32 $0xFFFFFF80  }
0x5e: {  	_ =	swait.ge [sflag:s13], $0x80  }
0x5f: {  	[sflag:s13] =	ssyncset.done $0x0  }
0x60: {  	[sflag:s13] =	ssyncadd.s32 $0xFFFFFF80  }
0x61: {  	_ =	swait.ge [sflag:s13], $0x80  }
0x62: {  	[sflag:s13] =	ssyncset.done $0x0  }
0x63: {  	[sflag:s13] =	ssyncadd.s32 $0xFFFFFF80  }
0x64: {  	_ =	swait.ge [sflag:s13], $0x80  }
0x65: {  	s16 =	simm.s32 $0x1A00;
	s18 =	simm.s32 $0x3400;
	[sflag:s13] =	ssyncset.done $0x0  }
.LBB2_2:
0x66: {  	s19 =	sshra.s32 s16, $0x2  }
0x67: {  	[sflag:s13] =	ssyncadd.s32 $0xFFFFFF80;
	s16 =	smov.u32 s18;
	s17 =	sadd.s32 $0x1A00, s18  }
0x68: {  	[spmem:s2] =	stream.indirect.scatter.add.f32 [tilespmem:s12], [sflag:$0x1], $0x1, s19, s11, $0xb8;
	[tilespmem:$0x2A80] =	vst v63  }
0x69: {  	p1 =	sne.s32 s18, $0x8200;
	s18 =	sadd.s32 $0x80, s19  }
0x6a: {  	[spmem:s2] =	stream.indirect.scatter.add.f32 [tilespmem:s12], [sflag:$0x1], $0x1, s18, s11, $0xb8;
	[tilespmem:$0x2A80] =	vst v63  }
0x6b: {  	s18 =	sadd.s32 $0x100, s19  }
0x6c: {  	[spmem:s2] =	stream.indirect.scatter.add.f32 [tilespmem:s12], [sflag:$0x1], $0x1, s18, s11, $0xb8;
	[tilespmem:$0x2A80] =	vst v63  }
0x6d: {  	s18 =	sadd.s32 $0x180, s19  }
0x6e: {  	[spmem:s2] =	stream.indirect.scatter.add.f32 [tilespmem:s12], [sflag:$0x1], $0x1, s18, s11, $0xb8;
	[tilespmem:$0x2A80] =	vst v63  }
0x6f: {  	s18 =	sadd.s32 $0x200, s19  }
0x70: {  	[spmem:s2] =	stream.indirect.scatter.add.f32 [tilespmem:s12], [sflag:$0x1], $0x1, s18, s11, $0xb8;
	[tilespmem:$0x2A80] =	vst v63  }
0x71: {  	s18 =	sadd.s32 $0x280, s19  }
0x72: {  	[spmem:s2] =	stream.indirect.scatter.add.f32 [tilespmem:s12], [sflag:$0x1], $0x1, s18, s11, $0xb8;
	[tilespmem:$0x2A80] =	vst v63  }
0x73: {  	s18 =	sadd.s32 $0x300, s19  }
0x74: {  	[spmem:s2] =	stream.indirect.scatter.add.f32 [tilespmem:s12], [sflag:$0x1], $0x1, s18, s11, $0xb8;
	[tilespmem:$0x2A80] =	vst v63  }
0x75: {  	s18 =	sadd.s32 $0x380, s19  }
0x76: {  	[spmem:s2] =	stream.indirect.scatter.add.f32 [tilespmem:s12], [sflag:$0x1], $0x1, s18, s11, $0xb8;
	[tilespmem:$0x2A80] =	vst v63  }
0x77: {  	s18 =	sadd.s32 $0x400, s19  }
0x78: {  	[spmem:s2] =	stream.indirect.scatter.add.f32 [tilespmem:s12], [sflag:$0x1], $0x1, s18, s11, $0xb8;
	[tilespmem:$0x2A80] =	vst v63  }
0x79: {  	s18 =	sadd.s32 $0x480, s19  }
0x7a: {  	[spmem:s2] =	stream.indirect.scatter.add.f32 [tilespmem:s12], [sflag:$0x1], $0x1, s18, s11, $0xb8;
	[tilespmem:$0x2A80] =	vst v63  }
0x7b: {  	s18 =	sadd.s32 $0x500, s19  }
0x7c: {  	[spmem:s2] =	stream.indirect.scatter.add.f32 [tilespmem:s12], [sflag:$0x1], $0x1, s18, s11, $0xb8;
	[tilespmem:$0x2A80] =	vst v63  }
0x7d: {  	s18 =	sadd.s32 $0x580, s19  }
0x7e: {  	[spmem:s2] =	stream.indirect.scatter.add.f32 [tilespmem:s12], [sflag:$0x1], $0x1, s18, s11, $0xb8;
	[tilespmem:$0x2A80] =	vst v63  }
0x7f: {  	s18 =	sadd.s32 $0x600, s19  }
0x80: {  	[spmem:s2] =	stream.indirect.scatter.add.f32 [tilespmem:s12], [sflag:$0x1], $0x1, s18, s11, $0xb8;
	[tilespmem:$0x2A80] =	vst v63  }
0x81: {  	_ =	swait.ge [sflag:s13], $0x80  }
0x82: {  	[sflag:s13] =	ssyncset.done $0x0  }
0x83: {  	[sflag:s13] =	ssyncadd.s32 $0xFFFFFF80  }
0x84: {  	_ =	swait.ge [sflag:s13], $0x80  }
0x85: {  	[sflag:s13] =	ssyncset.done $0x0  }
0x86: {  	[sflag:s13] =	ssyncadd.s32 $0xFFFFFF80  }
0x87: {  	_ =	swait.ge [sflag:s13], $0x80  }
0x88: {  	[sflag:s13] =	ssyncset.done $0x0  }
0x89: {  	[sflag:s13] =	ssyncadd.s32 $0xFFFFFF80  }
0x8a: {  	_ =	swait.ge [sflag:s13], $0x80  }
0x8b: {  	[sflag:s13] =	ssyncset.done $0x0  }
0x8c: {  	[sflag:s13] =	ssyncadd.s32 $0xFFFFFF80  }
0x8d: {  	_ =	swait.ge [sflag:s13], $0x80  }
0x8e: {  	[sflag:s13] =	ssyncset.done $0x0  }
0x8f: {  	[sflag:s13] =	ssyncadd.s32 $0xFFFFFF80  }
0x90: {  	_ =	swait.ge [sflag:s13], $0x80  }
0x91: {  	[sflag:s13] =	ssyncset.done $0x0  }
0x92: {  	[sflag:s13] =	ssyncadd.s32 $0xFFFFFF80  }
0x93: {  	_ =	swait.ge [sflag:s13], $0x80  }
0x94: {  	[sflag:s13] =	ssyncset.done $0x0  }
0x95: {  	[sflag:s13] =	ssyncadd.s32 $0xFFFFFF80  }
0x96: {  	_ =	swait.ge [sflag:s13], $0x80  }
0x97: {  	[sflag:s13] =	ssyncset.done $0x0  }
0x98: {  	[sflag:s13] =	ssyncadd.s32 $0xFFFFFF80  }
0x99: {  	_ =	swait.ge [sflag:s13], $0x80  }
0x9a: {  	[sflag:s13] =	ssyncset.done $0x0  }
0x9b: {  	[sflag:s13] =	ssyncadd.s32 $0xFFFFFF80  }
0x9c: {  	_ =	swait.ge [sflag:s13], $0x80  }
0x9d: {  	[sflag:s13] =	ssyncset.done $0x0  }
0x9e: {  	[sflag:s13] =	ssyncadd.s32 $0xFFFFFF80  }
0x9f: {  	_ =	swait.ge [sflag:s13], $0x80  }
0xa0: {  	[sflag:s13] =	ssyncset.done $0x0  }
0xa1: {  	[sflag:s13] =	ssyncadd.s32 $0xFFFFFF80  }
.Ltmp0:
0xa2: {  	_ =	swait.ge [sflag:s13], $0x80;
	(pc) =	sbr.rel @p1 .LBB2_2-.Ltmp0, $4  }
0xa3: {  	[sflag:s13] =	ssyncset.done $0x0  }
0xa4: {  	[sflag:s13] =	ssyncadd.s32 $0xFFFFFF80  }
0xa5: {  	_ =	swait.ge [sflag:s13], $0x80  }
0xa6: {  	s18 =	smov.u32 s17;
	[sflag:s13] =	ssyncset.done $0x0  }
0xa7: {  	s16 =	sshra.s32 s16, $0x2;
	[sflag:s13] =	ssyncadd.s32 $0xFFFFFF80  }
0xa8: {  	[spmem:s2] =	stream.indirect.scatter.add.f32 [tilespmem:s12], [sflag:$0x1], $0x1, s16, s11, $0xb8;
	[tilespmem:$0x2A80] =	vst v63  }
0xa9: {  	s17 =	sadd.s32 $0x80, s16  }
0xaa: {  	[spmem:s2] =	stream.indirect.scatter.add.f32 [tilespmem:s12], [sflag:$0x1], $0x1, s17, s11, $0xb8;
	[tilespmem:$0x2A80] =	vst v63  }
0xab: {  	s21 =	sadd.s32 $0x100, s16  }
0xac: {  	[spmem:s2] =	stream.indirect.scatter.add.f32 [tilespmem:s12], [sflag:$0x1], $0x1, s21, s11, $0xb8;
	[tilespmem:$0x2A80] =	vst v63  }
0xad: {  	s22 =	sadd.s32 $0x180, s16  }
0xae: {  	[spmem:s2] =	stream.indirect.scatter.add.f32 [tilespmem:s12], [sflag:$0x1], $0x1, s22, s11, $0xb8;
	[tilespmem:$0x2A80] =	vst v63  }
0xaf: {  	s23 =	sadd.s32 $0x200, s16  }
0xb0: {  	[spmem:s2] =	stream.indirect.scatter.add.f32 [tilespmem:s12], [sflag:$0x1], $0x1, s23, s11, $0xb8;
	[tilespmem:$0x2A80] =	vst v63  }
0xb1: {  	s24 =	sadd.s32 $0x280, s16  }
0xb2: {  	[spmem:s2] =	stream.indirect.scatter.add.f32 [tilespmem:s12], [sflag:$0x1], $0x1, s24, s11, $0xb8;
	[tilespmem:$0x2A80] =	vst v63  }
0xb3: {  	s25 =	sadd.s32 $0x300, s16  }
0xb4: {  	[spmem:s2] =	stream.indirect.scatter.add.f32 [tilespmem:s12], [sflag:$0x1], $0x1, s25, s11, $0xb8;
	[tilespmem:$0x2A80] =	vst v63  }
0xb5: {  	s26 =	sadd.s32 $0x380, s16  }
0xb6: {  	[spmem:s2] =	stream.indirect.scatter.add.f32 [tilespmem:s12], [sflag:$0x1], $0x1, s26, s11, $0xb8;
	[tilespmem:$0x2A80] =	vst v63  }
0xb7: {  	s28 =	sadd.s32 $0x400, s16  }
0xb8: {  	[spmem:s2] =	stream.indirect.scatter.add.f32 [tilespmem:s12], [sflag:$0x1], $0x1, s28, s11, $0xb8;
	[tilespmem:$0x2A80] =	vst v63  }
0xb9: {  	s29 =	sadd.s32 $0x480, s16  }
0xba: {  	[spmem:s2] =	stream.indirect.scatter.add.f32 [tilespmem:s12], [sflag:$0x1], $0x1, s29, s11, $0xb8;
	[tilespmem:$0x2A80] =	vst v63  }
0xbb: {  	s30 =	sadd.s32 $0x500, s16  }
0xbc: {  	[spmem:s2] =	stream.indirect.scatter.add.f32 [tilespmem:s12], [sflag:$0x1], $0x1, s30, s11, $0xb8;
	[tilespmem:$0x2A80] =	vst v63  }
0xbd: {  	s31 =	sadd.s32 $0x580, s16  }
0xbe: {  	[spmem:s2] =	stream.indirect.scatter.add.f32 [tilespmem:s12], [sflag:$0x1], $0x1, s31, s11, $0xb8;
	[tilespmem:$0x2A80] =	vst v63  }
0xbf: {  	s16 =	sadd.s32 $0x600, s16  }
0xc0: {  	[spmem:s2] =	stream.indirect.scatter.add.f32 [tilespmem:s12], [sflag:$0x1], $0x1, s16, s11, $0xb8;
	[tilespmem:$0x2A80] =	vst v63  }
0xc1: {  	_ =	swait.ge [sflag:s13], $0x80  }
0xc2: {  	[sflag:s13] =	ssyncset.done $0x0  }
0xc3: {  	[sflag:s13] =	ssyncadd.s32 $0xFFFFFF80  }
0xc4: {  	_ =	swait.ge [sflag:s13], $0x80  }
0xc5: {  	[sflag:s13] =	ssyncset.done $0x0  }
0xc6: {  	[sflag:s13] =	ssyncadd.s32 $0xFFFFFF80  }
0xc7: {  	_ =	swait.ge [sflag:s13], $0x80  }
0xc8: {  	[sflag:s13] =	ssyncset.done $0x0  }
0xc9: {  	[sflag:s13] =	ssyncadd.s32 $0xFFFFFF80  }
0xca: {  	_ =	swait.ge [sflag:s13], $0x80  }
0xcb: {  	[sflag:s13] =	ssyncset.done $0x0  }
0xcc: {  	[sflag:s13] =	ssyncadd.s32 $0xFFFFFF80  }
0xcd: {  	_ =	swait.ge [sflag:s13], $0x80  }
0xce: {  	[sflag:s13] =	ssyncset.done $0x0  }
0xcf: {  	[sflag:s13] =	ssyncadd.s32 $0xFFFFFF80  }
0xd0: {  	_ =	swait.ge [sflag:s13], $0x80  }
0xd1: {  	[sflag:s13] =	ssyncset.done $0x0  }
0xd2: {  	[sflag:s13] =	ssyncadd.s32 $0xFFFFFF80  }
0xd3: {  	_ =	swait.ge [sflag:s13], $0x80  }
0xd4: {  	[sflag:s13] =	ssyncset.done $0x0  }
0xd5: {  	[sflag:s13] =	ssyncadd.s32 $0xFFFFFF80  }
0xd6: {  	_ =	swait.ge [sflag:s13], $0x80  }
0xd7: {  	[sflag:s13] =	ssyncset.done $0x0  }
0xd8: {  	[sflag:s13] =	ssyncadd.s32 $0xFFFFFF80  }
0xd9: {  	_ =	swait.ge [sflag:s13], $0x80  }
0xda: {  	[sflag:s13] =	ssyncset.done $0x0  }
0xdb: {  	[sflag:s13] =	ssyncadd.s32 $0xFFFFFF80  }
0xdc: {  	_ =	swait.ge [sflag:s13], $0x80  }
0xdd: {  	[sflag:s13] =	ssyncset.done $0x0  }
0xde: {  	[sflag:s13] =	ssyncadd.s32 $0xFFFFFF80  }
0xdf: {  	_ =	swait.ge [sflag:s13], $0x80  }
0xe0: {  	[sflag:s13] =	ssyncset.done $0x0  }
0xe1: {  	[sflag:s13] =	ssyncadd.s32 $0xFFFFFF80  }
0xe2: {  	_ =	swait.ge [sflag:s13], $0x80  }
0xe3: {  	[sflag:s13] =	ssyncset.done $0x0  }
0xe4: {  	[sflag:s13] =	ssyncadd.s32 $0xFFFFFF80  }
0xe5: {  	_ =	swait.ge [sflag:s13], $0x80  }
0xe6: {  	s18 =	simm.s32 @!p0 $0x2780;
	[sflag:s13] =	ssyncset.done $0x0  }
0xe7: {  	s17 =	simm.s32 @!p0 $0x2700;
	s16 =	simm.s32 @!p0 $0x80;
	[sflag:s13] =	ssyncadd.s32 $0xFFFFFF80  }
0xe8: {  	[spmem:s2] =	stream.indirect.scatter.add.f32 @!p0 [tilespmem:s18], [sflag:$0x2], $0x1, s17, s16, $0xb8;
	[tilespmem:$0x2A80] =	vst v63  }
0xe9: {  	s16 =	simm.s32 @!p0 $0x2  }
0xea: {  	_ =	swait.ge @!p0 [sflag:s16], $0x80  }
0xeb: {  	s15 =	sadd.s32 $0x1, s15;
	[sflag:s16] =	ssyncset.done @!p0 $0x0  }
0xec: {  	p1 =	sne.s32 s15, s6;
	[sflag:s16] =	ssyncadd.s32 @!p0 $0xFFFFFF80  }
.Ltmp1:
0xed: {  	[bflag:$0x0] =	sbarrier.arrive $0xFFFF;
	(pc) =	sbr.rel @p1 .LBB2_1-.Ltmp1, $4  }
0xee: {  	[hbm:s14], [sflag:s5] =	dma.local [spmem:s7], $0x50  }
0xef: {  	_ =	swait.ge [sflag:s8], $0x50  }
0xf0: {  	[sflag:s8] =	ssyncset.done $0x0  }
0xf1: {  	[sflag:s8] =	ssyncadd.s32 $0xFFFFFFB0  }
0xf2: {  	_ =	sfence.sel $0x180000  }
0xf3: {  	[bflag:$0x0] =	sbarrier.arrive $0xFFFF  }
0xf4: {  	p0 =	sne.s32 s1, $0x0;
	_ =	strace $0x90000047  }
0xf5: {  	s0 =	sadd.s32 @!p0 $0x100000, s0;
	[bflag:$0x2] =	sbarrier.arrive $0xFFFF  }
0xf6: {  	[sflag:s0] =	ssyncadd.tile.s32 @!p0 $0x1;
	_ =	shalt  }
.Lfunc_end2:
_tile_overlayer_lowered:
.L_overlay_start_2:
0xf7: {  	(tag) =	ssettag $0x2  }
0xf8: {  	s0 =	rddreg [dreg:$0x0];
	s2 =	stileid.u32  }
0xf9: {  	s1 =	rddreg [dreg:$0x1];
	p0 =	sne.s32 s2, $0x0  }
0xfa: {  	s3 =	rddreg [dreg:$0x2];
	[bflag:$0x3] =	sbarrier.arrive $0xFFFF;
	s2 =	simm.s32 @!p0 $0x1C02  }
0xfb: {  	[timem:s3], [sflag:s2] =	dma.local @!p0 [hbm:s0], s1  }
0xfc: {  	s0 =	simm.s32 @!p0 $0x2  }
0xfd: {  	_ =	swait.ge @!p0 [sflag:s0], s1  }
0xfe: {  	s1 =	ssub.s32 @!p0 $0x0, s1;
	[sflag:s0] =	ssyncset.done @!p0 $0x0  }
0xff: {  	[sflag:s0] =	ssyncadd.s32 @!p0 s1  }
0x100: {  	[bflag:$0x3] =	sbarrier.arrive $0xFFFF  }
0x101: {  	_ =	shalt  }

</sc_bundles>
